<compile_context>
chip_gen: v7x
topology: tpu7x:2x2x1
jax: 0.10.2.dev20260603
libtpu: 0.0.44.dev20260713+nightly
codegen_flags: <defaults>
</compile_context>

<pallas_src>
import functools

import jax
import jax.numpy as jnp
from jax import lax
from jax.experimental import pallas as pl
from jax.experimental.pallas import tpu as pltpu
from jax.experimental.pallas import tpu_sc as plsc

N = 10000
E = 320000
D_IN = 128
H = 256
HH = H // 2
NG = 64
STEPS = 5

NUM_TILES = 16
CHUNK = 128
IB = 32
CH = 160
E_PAD = NUM_TILES * CHUNK * CH
NP = N + 112
ROWS_PER_TILE = NP // NUM_TILES

BLK = 1000
GRID = N // BLK

_f32 = jnp.float32



def _sc_body(ma_hbm, mb_hbm, src_hbm, dst_hbm, z_hbm, outa_hbm, outb_hbm,
             src_v, dst_v, rows_v, agg_sh, sem):
    c = lax.axis_index("c")
    s = lax.axis_index("s")
    row0 = s * ROWS_PER_TILE

    def run(m_hbm, out_hbm):
        pltpu.sync_copy(z_hbm.at[pl.ds(row0, ROWS_PER_TILE)],
                        agg_sh.at[pl.ds(row0, ROWS_PER_TILE)])
        plsc.subcore_barrier()

        def blk(b, carry):
            pltpu.sync_copy(src_hbm.at[s, pl.ds(b * IB, IB)], src_v)
            pltpu.sync_copy(dst_hbm.at[s, pl.ds(b * IB, IB)], dst_v)

            def body(j, carry2):
                pltpu.async_copy(m_hbm.at[src_v.at[j]], rows_v, sem).wait()
                pltpu.sync_copy(rows_v, agg_sh.at[dst_v.at[j]], add=True)
                return carry2

            lax.fori_loop(0, IB, body, 0)
            return carry

        lax.fori_loop(0, CH // IB, blk, 0)
        plsc.subcore_barrier()
        pltpu.sync_copy(agg_sh.at[pl.ds(row0, ROWS_PER_TILE)],
                        out_hbm.at[pl.ds(row0, ROWS_PER_TILE)])

    @pl.when(c == 0)
    def _():
        run(ma_hbm, outa_hbm)

    @pl.when(c == 1)
    def _():
        run(mb_hbm, outb_hbm)


@functools.cache
def _get_sc_segment_sum():
    return pl.kernel(
        _sc_body,
        out_type=[jax.ShapeDtypeStruct((NP, H // 2), _f32),
                  jax.ShapeDtypeStruct((NP, H // 2), _f32)],
        mesh=plsc.VectorSubcoreMesh(core_axis_name="c", subcore_axis_name="s"),
        scratch_types=[
            pltpu.VMEM((IB, CHUNK), jnp.int32),
            pltpu.VMEM((IB, CHUNK), jnp.int32),
            pltpu.VMEM((CHUNK, H // 2), _f32),
            pltpu.VMEM_SHARED((NP, H // 2), _f32),
            pltpu.SemaphoreType.DMA,
        ],
    )



def _sigmoid(x):
    return 1.0 / (1.0 + jnp.exp(-x))


def _dot(a, b):
    return jnp.dot(a, b, preferred_element_type=_f32)


def _t1_body(x_ref, wp_ref, bp_ref, w0_ref, h_ref, ma_ref, mb_ref):
    h = jnp.maximum(_dot(x_ref[...], wp_ref[...]) + bp_ref[...], 0.0)
    h_ref[...] = h
    m = _dot(h, w0_ref[...])
    ma_ref[...] = m[:, :H // 2]
    mb_ref[...] = m[:, H // 2:]


def _gru(aa, ab, h, wia, wib, whh, bih, bhh):
    gi = _dot(aa, wia) + _dot(ab, wib) + bih
    gh = _dot(h, whh) + bhh
    r = _sigmoid(gi[:, :H] + gh[:, :H])
    z = _sigmoid(gi[:, H:2 * H] + gh[:, H:2 * H])
    n = jnp.tanh(gi[:, 2 * H:] + r * gh[:, 2 * H:])
    return (1.0 - z) * n + z * h


def _t2a_body(aa_ref, ab_ref, h_ref, wia_ref, wib_ref, whh_ref, bih_ref,
              bhh_ref, wn_ref, ho_ref, ma_ref, mb_ref):
    hn = _gru(aa_ref[...], ab_ref[...], h_ref[...], wia_ref[...], wib_ref[...],
              whh_ref[...], bih_ref[...], bhh_ref[...])
    ho_ref[...] = hn
    m = _dot(hn, wn_ref[...])
    ma_ref[...] = m[:, :H // 2]
    mb_ref[...] = m[:, H // 2:]


def _t2b_body(aa_ref, ab_ref, h_ref, wia_ref, wib_ref, whh_ref, bih_ref,
              bhh_ref, aw1_ref, ab1_ref, aw2_ref, ab2_ref, bat_ref,
              awo_ref, sums_ref, maxs_ref, cnts_ref):
    i = pl.program_id(0)
    hn = _gru(aa_ref[...], ab_ref[...], h_ref[...], wia_ref[...], wib_ref[...],
              whh_ref[...], bih_ref[...], bhh_ref[...])
    hr = jnp.maximum(hn, 0.0)
    ah = jnp.maximum(_dot(hr, aw1_ref[...]) + ab1_ref[...], 0.0)
    aw = _sigmoid(_dot(ah, aw2_ref[...]) + ab2_ref[...])
    awo_ref[...] = aw
    wx = hr * aw

    bat = bat_ref[...]
    onehot = (bat == lax.broadcasted_iota(jnp.int32, (1, NG), 1)).astype(_f32)

    @pl.when(i == 0)
    def _():
        sums_ref[...] = jnp.zeros_like(sums_ref)
        maxs_ref[...] = jnp.full_like(maxs_ref, -jnp.inf)
        cnts_ref[...] = jnp.zeros_like(cnts_ref)

    sums_ref[...] += lax.dot_general(onehot, wx, (((0,), (0,)), ((), ())),
                                     preferred_element_type=_f32)
    cnts_ref[...] += jnp.sum(onehot, axis=0)[:, None]

    g_lo = bat_ref[0, 0]
    g_hi = bat_ref[BLK - 1, 0]

    def body(g, carry):
        v = jnp.max(jnp.where(bat == g, wx, -jnp.inf), axis=0, keepdims=True)
        rowmask = lax.broadcasted_iota(jnp.int32, (NG, 1), 0) == g
        cur = maxs_ref[...]
        maxs_ref[...] = jnp.where(rowmask, jnp.maximum(cur, v), cur)
        return carry

    lax.fori_loop(g_lo, g_hi + 1, body, 0)


def _t3_body(sums_ref, maxs_ref, cnts_ref, w1a_ref, w1b_ref, b1_ref, w2_ref,
             b2_ref, w3_ref, b3_ref, out_ref):
    c = cnts_ref[...]
    mean = sums_ref[...] / jnp.maximum(c, 1.0)
    mx = jnp.where(c > 0.0, maxs_ref[...], 0.0)
    g = jnp.maximum(_dot(mean, w1a_ref[...]) + _dot(mx, w1b_ref[...])
                    + b1_ref[...], 0.0)
    g = jnp.maximum(_dot(g, w2_ref[...]) + b2_ref[...], 0.0)
    out_ref[...] = _dot(g, w3_ref[...]) + b3_ref[...]


def _full(shape):
    return pl.BlockSpec(shape, lambda i: (0,) * len(shape))


def _rows(width):
    return pl.BlockSpec((BLK, width), lambda i: (i, 0))


_t1 = pl.pallas_call(
    _t1_body,
    grid=(GRID,),
    in_specs=[_rows(D_IN), _full((D_IN, H)), _full((1, H)), _full((H, H))],
    out_specs=[_rows(H), _rows(H // 2), _rows(H // 2)],
    out_shape=[jax.ShapeDtypeStruct((N, H), _f32),
               jax.ShapeDtypeStruct((N, H // 2), _f32),
               jax.ShapeDtypeStruct((N, H // 2), _f32)],
)

_t2a = pl.pallas_call(
    _t2a_body,
    grid=(GRID,),
    in_specs=[_rows(H // 2), _rows(H // 2), _rows(H),
              _full((H // 2, 3 * H)), _full((H // 2, 3 * H)),
              _full((H, 3 * H)), _full((1, 3 * H)), _full((1, 3 * H)),
              _full((H, H))],
    out_specs=[_rows(H), _rows(H // 2), _rows(H // 2)],
    out_shape=[jax.ShapeDtypeStruct((N, H), _f32),
               jax.ShapeDtypeStruct((N, H // 2), _f32),
               jax.ShapeDtypeStruct((N, H // 2), _f32)],
)

_t2b = pl.pallas_call(
    _t2b_body,
    grid=(GRID,),
    in_specs=[_rows(H // 2), _rows(H // 2), _rows(H),
              _full((H // 2, 3 * H)), _full((H // 2, 3 * H)),
              _full((H, 3 * H)), _full((1, 3 * H)), _full((1, 3 * H)),
              _full((H, HH)), _full((1, HH)), _full((HH, 1)), _full((1, 1)),
              _rows(1)],
    out_specs=[_rows(1), _full((NG, H)), _full((NG, H)), _full((NG, 1))],
    out_shape=[jax.ShapeDtypeStruct((N, 1), _f32),
               jax.ShapeDtypeStruct((NG, H), _f32),
               jax.ShapeDtypeStruct((NG, H), _f32),
               jax.ShapeDtypeStruct((NG, 1), _f32)],
)

_t3 = pl.pallas_call(
    _t3_body,
    grid=(1,),
    in_specs=[_full((NG, H)), _full((NG, H)), _full((NG, 1)),
              _full((H, H)), _full((H, H)), _full((1, H)),
              _full((H, HH)), _full((1, HH)), _full((HH, 2)), _full((1, 2))],
    out_specs=[_full((NG, 2))],
    out_shape=[jax.ShapeDtypeStruct((NG, 2), _f32)],
)


def kernel(x, edge_index, batch, W_proj, b_proj, ggc_W, gru_W_ih, gru_W_hh,
           gru_b_ih, gru_b_hh, attn_W1, attn_b1, attn_W2, attn_b2, cls_W1,
           cls_b1, cls_W2, cls_b2, cls_W3, cls_b3):
    src = edge_index[0]
    dst = edge_index[1]
    pad = E_PAD - E
    pad_ids = jnp.arange(pad, dtype=jnp.int32)
    src_t = jnp.concatenate([src, (pad_ids * 97) % N]).reshape(NUM_TILES, CH, CHUNK)
    dst_t = jnp.concatenate([dst, N + (pad_ids % (NP - N))]).reshape(NUM_TILES, CH, CHUNK)
    zeros_np = jnp.zeros((NP, H // 2), _f32)

    wihT = gru_W_ih.T
    wia, wib = wihT[:H // 2], wihT[H // 2:]
    whhT = gru_W_hh.T
    bih = gru_b_ih.reshape(1, 3 * H)
    bhh = gru_b_hh.reshape(1, 3 * H)

    sc_segment_sum = _get_sc_segment_sum()
    h, ma, mb = _t1(x, W_proj, b_proj.reshape(1, H), ggc_W[0])
    for i in range(STEPS):
        agg_a, agg_b = sc_segment_sum(ma, mb, src_t, dst_t, zeros_np)
        if i < STEPS - 1:
            h, ma, mb = _t2a(agg_a, agg_b, h, wia, wib, whhT, bih, bhh,
                             ggc_W[i + 1])
        else:
            aw, sums, maxs, cnts = _t2b(
                agg_a, agg_b, h, wia, wib, whhT, bih, bhh,
                attn_W1, attn_b1.reshape(1, HH), attn_W2,
                attn_b2.reshape(1, 1), batch.reshape(N, 1))

    preds = _t3(sums, maxs, cnts, cls_W1[:H], cls_W1[H:],
                cls_b1.reshape(1, H), cls_W2, cls_b2.reshape(1, HH),
                cls_W3, cls_b3.reshape(1, 2))[0]
    return preds, aw.reshape(N)

# --- scband reference (transcript-rebuilt; emitter-appended) ---
"""Pipeline reference for scband-attention-devign-model-70789650972770 (READ-ONLY COPY).

The authoritative reference and input builder live on the scoring server;
editing this copy changes nothing except your own understanding.
"""

import jax, jax.numpy as jnp
import numpy as np

N = 10000
E = 320000
D_IN = 128
H = 256
NG = 64
STEPS = 5

def setup_inputs(seed: int = 0) -> dict:
    key = jax.random.key(seed)
    ks = jax.random.split(key, 24)
    inp = {}
    inp['x'] = jax.random.normal(ks[0], (N, D_IN), dtype=jnp.float32)
    inp['edge_index'] = jax.random.randint(ks[1], (2, E), 0, N, dtype=jnp.int32)
    inp['batch'] = jnp.sort(jax.random.randint(ks[2], (N,), 0, NG, dtype=jnp.int32))
    s = 0.05
    inp['W_proj'] = jax.random.normal(ks[3], (D_IN, H), dtype=jnp.float32) * s
    inp['b_proj'] = jnp.zeros((H,), dtype=jnp.float32)
    inp['ggc_W'] = jax.random.normal(ks[4], (STEPS, H, H), dtype=jnp.float32) * s
    inp['gru_W_ih'] = jax.random.normal(ks[5], (3 * H, H), dtype=jnp.float32) * s
    inp['gru_W_hh'] = jax.random.normal(ks[6], (3 * H, H), dtype=jnp.float32) * s
    inp['gru_b_ih'] = jnp.zeros((3 * H,), dtype=jnp.float32)
    inp['gru_b_hh'] = jnp.zeros((3 * H,), dtype=jnp.float32)
    inp['attn_W1'] = jax.random.normal(ks[7], (H, H // 2), dtype=jnp.float32) * s
    inp['attn_b1'] = jnp.zeros((H // 2,), dtype=jnp.float32)
    inp['attn_W2'] = jax.random.normal(ks[8], (H // 2, 1), dtype=jnp.float32) * s
    inp['attn_b2'] = jnp.zeros((1,), dtype=jnp.float32)
    inp['cls_W1'] = jax.random.normal(ks[9], (2 * H, H), dtype=jnp.float32) * s
    inp['cls_b1'] = jnp.zeros((H,), dtype=jnp.float32)
    inp['cls_W2'] = jax.random.normal(ks[10], (H, H // 2), dtype=jnp.float32) * s
    inp['cls_b2'] = jnp.zeros((H // 2,), dtype=jnp.float32)
    inp['cls_W3'] = jax.random.normal(ks[11], (H // 2, 2), dtype=jnp.float32) * s
    inp['cls_b3'] = jnp.zeros((2,), dtype=jnp.float32)
    return inp


def _gru_cell(m, h, W_ih, W_hh, b_ih, b_hh):
    gi = m @ W_ih.T + b_ih
    gh = h @ W_hh.T + b_hh
    i_r, i_z, i_n = jnp.split(gi, 3, axis=-1)
    h_r, h_z, h_n = jnp.split(gh, 3, axis=-1)
    r = jax.nn.sigmoid(i_r + h_r)
    z = jax.nn.sigmoid(i_z + h_z)
    n = jnp.tanh(i_n + r * h_n)
    return (1.0 - z) * n + z * h


def reference(x, edge_index, batch, W_proj, b_proj, ggc_W, gru_W_ih, gru_W_hh, gru_b_ih, gru_b_hh, attn_W1, attn_b1, attn_W2, attn_b2, cls_W1, cls_b1, cls_W2, cls_b2, cls_W3, cls_b3):
    # Input projection + ReLU
    h = jax.nn.relu(x @ W_proj + b_proj)
    src = edge_index[0]
    dst = edge_index[1]
    # GatedGraphConv: num_steps of (linear, scatter-add message passing, GRU cell)
    for i in range(STEPS):
        m = h @ ggc_W[i]
        agg = jax.ops.segment_sum(m[src], dst, num_segments=N)
        h = _gru_cell(agg, h, gru_W_ih, gru_W_hh, gru_b_ih, gru_b_hh)
    h = jax.nn.relu(h)
    # Attention weights per node (dropout is identity at inference)
    a_hidden = jax.nn.relu(h @ attn_W1 + attn_b1)
    attention_weights = jax.nn.sigmoid(a_hidden @ attn_W2 + attn_b2)[:, 0]
    weighted_x = h * attention_weights[:, None]
    # Dual pooling (mean + max) over graphs via segment reductions
    counts = jax.ops.segment_sum(jnp.ones((N,), dtype=jnp.float32), batch, num_segments=NG)
    mean_pool = jax.ops.segment_sum(weighted_x, batch, num_segments=NG) / jnp.maximum(counts, 1.0)[:, None]
    max_pool = jax.ops.segment_max(weighted_x, batch, num_segments=NG)
    max_pool = jnp.where(counts[:, None] > 0, max_pool, 0.0)
    graph_repr = jnp.concatenate([mean_pool, max_pool], axis=1)
    # Classification head
    g = jax.nn.relu(graph_repr @ cls_W1 + cls_b1)
    g = jax.nn.relu(g @ cls_W2 + cls_b2)
    predictions = g @ cls_W3 + cls_b3
    return predictions, attention_weights

if __name__ == "__main__":
    import jax
    _d = setup_inputs()
    print(jax.jit(kernel)(*tuple(_d.values())))

</pallas_src>

<mosaic_0001>
#map = affine_map<(d0, d1) -> (0, 0)>
#map1 = affine_map<(d0, d1) -> (0, 0, 0)>
module attributes {stable_mosaic.version = 14 : i64} {
  func.func @_sc_body(%arg0: i32, %arg1: i32, %arg2: memref<10000x128xf32, #tpu.memory_space<hbm>>, %arg3: memref<10000x128xf32, #tpu.memory_space<hbm>>, %arg4: memref<16x160x128xi32, #tpu.memory_space<hbm>>, %arg5: memref<16x160x128xi32, #tpu.memory_space<hbm>>, %arg6: memref<10112x128xf32, #tpu.memory_space<hbm>>, %arg7: memref<10112x128xf32, #tpu.memory_space<hbm>>, %arg8: memref<10112x128xf32, #tpu.memory_space<hbm>>, %arg9: memref<32x128xi32, #tpu.memory_space<vmem>>, %arg10: memref<32x128xi32, #tpu.memory_space<vmem>>, %arg11: memref<128x128xf32, #tpu.memory_space<vmem>>, %arg12: memref<10112x128xf32, #tpu.memory_space<vmem_shared>>, %arg13: memref<!tpu.dma_semaphore, #tpu.memory_space<semaphore_mem>>) attributes {dimension_semantics = [#tpu.dimension_semantics<core_parallel>, #tpu.dimension_semantics<subcore_parallel>], iteration_bounds = array<i64: 2, 16>, scalar_prefetch = 0 : i64, scratch_operands = 5 : i64, tpu.core_type = #tpu.core_type<sc_vector_subcore>, window_params = [{transform_indices = #map}, {transform_indices = #map}, {transform_indices = #map1}, {transform_indices = #map1}, {transform_indices = #map}, {transform_indices = #map}, {transform_indices = #map}]} {
    %mul3A = arith.constant 632 : i32
    %mul3A_0 = arith.muli %arg1, %mul3A : i32
    %eq3A = arith.constant 0 : i32
    %eq3A_1 = arith.cmpi eq, %arg0, %eq3A : i32
    %convert_element_type3A = arith.extui %eq3A_1 : i1 to i32
    %cond3A = arith.constant 0 : i32
    %cond3A_2 = arith.cmpi ne, %convert_element_type3A, %cond3A : i32
    scf.if %cond3A_2 {
      "tpu.region"() ({
        %run_scoped3A = tpu.sem_alloc : memref<!tpu.dma_semaphore, #tpu.memory_space<semaphore_mem>>
        %dma_start3A = arith.constant 0 : i32
        %dma_start3A_14 = tpu.memref_slice %arg12[%mul3A_0, %dma_start3A] : memref<10112x128xf32, #tpu.memory_space<vmem_shared>> -> memref<632x128xf32, #tpu.memory_space<vmem_shared>>
        %dma_start3A_15 = arith.constant 0 : i32
        %dma_start3A_16 = tpu.memref_slice %arg6[%mul3A_0, %dma_start3A_15] : memref<10112x128xf32, #tpu.memory_space<hbm>> -> memref<632x128xf32, #tpu.memory_space<hbm>>
        tpu.enqueue_dma source(%dma_start3A_16 : memref<632x128xf32, #tpu.memory_space<hbm>>) target(%dma_start3A_14 : memref<632x128xf32, #tpu.memory_space<vmem_shared>>) target_semaphore(%run_scoped3A : memref<!tpu.dma_semaphore, #tpu.memory_space<semaphore_mem>>)
        %dma_wait3A = arith.constant 0 : i32
        %dma_wait3A_17 = tpu.memref_slice %arg12[%mul3A_0, %dma_wait3A] : memref<10112x128xf32, #tpu.memory_space<vmem_shared>> -> memref<632x128xf32, #tpu.memory_space<vmem_shared>>
        %dma_wait3A_18 = arith.constant 0 : i32
        %dma_wait3A_19 = tpu.memref_slice %arg6[%mul3A_0, %dma_wait3A_18] : memref<10112x128xf32, #tpu.memory_space<hbm>> -> memref<632x128xf32, #tpu.memory_space<hbm>>
        tpu.wait_dma2 semaphore(%run_scoped3A : memref<!tpu.dma_semaphore, #tpu.memory_space<semaphore_mem>>) src(%dma_wait3A_19 : memref<632x128xf32, #tpu.memory_space<hbm>>) dst(%dma_wait3A_17 : memref<632x128xf32, #tpu.memory_space<vmem_shared>>)
        tpu.yield
      }) : () -> ()
      %barrier3A = arith.constant 0 : index
      tpu.barrier barrier_id(%barrier3A)
      %scan3A = arith.constant 0 : i32
      %scan3A_8 = arith.constant 0 : i32
      %scan3A_9 = arith.constant 5 : i32
      %scan3A_10 = arith.addi %scan3A_8, %scan3A_9 : i32
      %scan3A_11 = arith.constant 1 : i32
      scf.for %scan3A_14 = %scan3A_8 to %scan3A_10 step %scan3A_11  : i32 {
        %mul3A_15 = arith.constant 32 : i32
        %mul3A_16 = arith.muli %scan3A_14, %mul3A_15 : i32
        "tpu.region"() ({
          %run_scoped3A = tpu.sem_alloc : memref<!tpu.dma_semaphore, #tpu.memory_space<semaphore_mem>>
          %dma_start3A = arith.constant 0 : i32
          %dma_start3A_25 = tpu.memref_slice %arg4[%arg1, %mul3A_16, %dma_start3A] : memref<16x160x128xi32, #tpu.memory_space<hbm>> -> memref<1x32x128xi32, #tpu.memory_space<hbm>>
          %dma_start3A_26 = tpu.memref_squeeze %dma_start3A_25 : memref<1x32x128xi32, #tpu.memory_space<hbm>> -> memref<32x128xi32, #tpu.memory_space<hbm>>
          %dma_start3A_27 = arith.constant 0 : i32
          %dma_start3A_28 = tpu.memref_slice %arg4[%arg1, %mul3A_16, %dma_start3A_27] : memref<16x160x128xi32, #tpu.memory_space<hbm>> -> memref<1x32x128xi32, #tpu.memory_space<hbm>>
          %dma_start3A_29 = tpu.memref_squeeze %dma_start3A_28 : memref<1x32x128xi32, #tpu.memory_space<hbm>> -> memref<32x128xi32, #tpu.memory_space<hbm>>
          tpu.enqueue_dma source(%dma_start3A_29 : memref<32x128xi32, #tpu.memory_space<hbm>>) target(%arg9 : memref<32x128xi32, #tpu.memory_space<vmem>>) target_semaphore(%run_scoped3A : memref<!tpu.dma_semaphore, #tpu.memory_space<semaphore_mem>>)
          %dma_wait3A = arith.constant 0 : i32
          %dma_wait3A_30 = tpu.memref_slice %arg4[%arg1, %mul3A_16, %dma_wait3A] : memref<16x160x128xi32, #tpu.memory_space<hbm>> -> memref<1x32x128xi32, #tpu.memory_space<hbm>>
          %dma_wait3A_31 = tpu.memref_squeeze %dma_wait3A_30 : memref<1x32x128xi32, #tpu.memory_space<hbm>> -> memref<32x128xi32, #tpu.memory_space<hbm>>
          %dma_wait3A_32 = arith.constant 0 : i32
          %dma_wait3A_33 = tpu.memref_slice %arg4[%arg1, %mul3A_16, %dma_wait3A_32] : memref<16x160x128xi32, #tpu.memory_space<hbm>> -> memref<1x32x128xi32, #tpu.memory_space<hbm>>
          %dma_wait3A_34 = tpu.memref_squeeze %dma_wait3A_33 : memref<1x32x128xi32, #tpu.memory_space<hbm>> -> memref<32x128xi32, #tpu.memory_space<hbm>>
          tpu.wait_dma2 semaphore(%run_scoped3A : memref<!tpu.dma_semaphore, #tpu.memory_space<semaphore_mem>>) src(%dma_wait3A_34 : memref<32x128xi32, #tpu.memory_space<hbm>>) dst(%arg9 : memref<32x128xi32, #tpu.memory_space<vmem>>)
          tpu.yield
        }) : () -> ()
        %mul3A_17 = arith.constant 32 : i32
        %mul3A_18 = arith.muli %scan3A_14, %mul3A_17 : i32
        "tpu.region"() ({
          %run_scoped3A = tpu.sem_alloc : memref<!tpu.dma_semaphore, #tpu.memory_space<semaphore_mem>>
          %dma_start3A = arith.constant 0 : i32
          %dma_start3A_25 = tpu.memref_slice %arg5[%arg1, %mul3A_18, %dma_start3A] : memref<16x160x128xi32, #tpu.memory_space<hbm>> -> memref<1x32x128xi32, #tpu.memory_space<hbm>>
          %dma_start3A_26 = tpu.memref_squeeze %dma_start3A_25 : memref<1x32x128xi32, #tpu.memory_space<hbm>> -> memref<32x128xi32, #tpu.memory_space<hbm>>
          %dma_start3A_27 = arith.constant 0 : i32
          %dma_start3A_28 = tpu.memref_slice %arg5[%arg1, %mul3A_18, %dma_start3A_27] : memref<16x160x128xi32, #tpu.memory_space<hbm>> -> memref<1x32x128xi32, #tpu.memory_space<hbm>>
          %dma_start3A_29 = tpu.memref_squeeze %dma_start3A_28 : memref<1x32x128xi32, #tpu.memory_space<hbm>> -> memref<32x128xi32, #tpu.memory_space<hbm>>
          tpu.enqueue_dma source(%dma_start3A_29 : memref<32x128xi32, #tpu.memory_space<hbm>>) target(%arg10 : memref<32x128xi32, #tpu.memory_space<vmem>>) target_semaphore(%run_scoped3A : memref<!tpu.dma_semaphore, #tpu.memory_space<semaphore_mem>>)
          %dma_wait3A = arith.constant 0 : i32
          %dma_wait3A_30 = tpu.memref_slice %arg5[%arg1, %mul3A_18, %dma_wait3A] : memref<16x160x128xi32, #tpu.memory_space<hbm>> -> memref<1x32x128xi32, #tpu.memory_space<hbm>>
          %dma_wait3A_31 = tpu.memref_squeeze %dma_wait3A_30 : memref<1x32x128xi32, #tpu.memory_space<hbm>> -> memref<32x128xi32, #tpu.memory_space<hbm>>
          %dma_wait3A_32 = arith.constant 0 : i32
          %dma_wait3A_33 = tpu.memref_slice %arg5[%arg1, %mul3A_18, %dma_wait3A_32] : memref<16x160x128xi32, #tpu.memory_space<hbm>> -> memref<1x32x128xi32, #tpu.memory_space<hbm>>
          %dma_wait3A_34 = tpu.memref_squeeze %dma_wait3A_33 : memref<1x32x128xi32, #tpu.memory_space<hbm>> -> memref<32x128xi32, #tpu.memory_space<hbm>>
          tpu.wait_dma2 semaphore(%run_scoped3A : memref<!tpu.dma_semaphore, #tpu.memory_space<semaphore_mem>>) src(%dma_wait3A_34 : memref<32x128xi32, #tpu.memory_space<hbm>>) dst(%arg10 : memref<32x128xi32, #tpu.memory_space<vmem>>)
          tpu.yield
        }) : () -> ()
        %scan3A_19 = arith.constant 0 : i32
        %scan3A_20 = arith.constant 0 : i32
        %scan3A_21 = arith.constant 32 : i32
        %scan3A_22 = arith.addi %scan3A_20, %scan3A_21 : i32
        %scan3A_23 = arith.constant 1 : i32
        scf.for %scan3A_25 = %scan3A_20 to %scan3A_22 step %scan3A_23  : i32 {
          %dma_start3A = arith.constant 0 : i32
          %dma_start3A_26 = tpu.memref_slice %arg9[%scan3A_25, %dma_start3A] : memref<32x128xi32, #tpu.memory_space<vmem>> -> memref<1x128xi32, #tpu.memory_space<vmem>>
          %dma_start3A_27 = tpu.memref_squeeze %dma_start3A_26 : memref<1x128xi32, #tpu.memory_space<vmem>> -> memref<128xi32, #tpu.memory_space<vmem>>
          %dma_start3A_28 = arith.constant 0 : i32
          %dma_start3A_29 = arith.constant 0 : i32
          %dma_start3A_30 = tpu.memref_slice %arg2[%dma_start3A_28, %dma_start3A_29] : memref<10000x128xf32, #tpu.memory_space<hbm>> -> memref<10000x128xf32, #tpu.memory_space<hbm>>
          tpu.enqueue_indirect_dma source(%dma_start3A_30 : memref<10000x128xf32, #tpu.memory_space<hbm>>) target(%arg11 : memref<128x128xf32, #tpu.memory_space<vmem>>) offsets(%dma_start3A_27 : memref<128xi32, #tpu.memory_space<vmem>>) semaphore(%arg13 : memref<!tpu.dma_semaphore, #tpu.memory_space<semaphore_mem>>)
          %dma_wait3A = arith.constant 0 : i32
          %dma_wait3A_31 = tpu.memref_slice %arg9[%scan3A_25, %dma_wait3A] : memref<32x128xi32, #tpu.memory_space<vmem>> -> memref<1x128xi32, #tpu.memory_space<vmem>>
          %dma_wait3A_32 = tpu.memref_squeeze %dma_wait3A_31 : memref<1x128xi32, #tpu.memory_space<vmem>> -> memref<128xi32, #tpu.memory_space<vmem>>
          %dma_wait3A_33 = arith.constant 0 : i32
          %dma_wait3A_34 = arith.constant 0 : i32
          %dma_wait3A_35 = tpu.memref_slice %arg2[%dma_wait3A_33, %dma_wait3A_34] : memref<10000x128xf32, #tpu.memory_space<hbm>> -> memref<10000x128xf32, #tpu.memory_space<hbm>>
          tpu.wait_indirect_dma semaphore(%arg13 : memref<!tpu.dma_semaphore, #tpu.memory_space<semaphore_mem>>) src(%dma_wait3A_35 : memref<10000x128xf32, #tpu.memory_space<hbm>>) dst(%arg11 : memref<128x128xf32, #tpu.memory_space<vmem>>)
          "tpu.region"() ({
            %run_scoped3A = tpu.sem_alloc : memref<!tpu.dma_semaphore, #tpu.memory_space<semaphore_mem>>
            %dma_start3A_36 = arith.constant 0 : i32
            %dma_start3A_37 = tpu.memref_slice %arg10[%scan3A_25, %dma_start3A_36] : memref<32x128xi32, #tpu.memory_space<vmem>> -> memref<1x128xi32, #tpu.memory_space<vmem>>
            %dma_start3A_38 = tpu.memref_squeeze %dma_start3A_37 : memref<1x128xi32, #tpu.memory_space<vmem>> -> memref<128xi32, #tpu.memory_space<vmem>>
            %dma_start3A_39 = arith.constant 0 : i32
            %dma_start3A_40 = arith.constant 0 : i32
            %dma_start3A_41 = tpu.memref_slice %arg12[%dma_start3A_39, %dma_start3A_40] : memref<10112x128xf32, #tpu.memory_space<vmem_shared>> -> memref<10112x128xf32, #tpu.memory_space<vmem_shared>>
            tpu.enqueue_indirect_dma source(%arg11 : memref<128x128xf32, #tpu.memory_space<vmem>>) target(%dma_start3A_41 : memref<10112x128xf32, #tpu.memory_space<vmem_shared>>) offsets(%dma_start3A_38 : memref<128xi32, #tpu.memory_space<vmem>>) semaphore(%run_scoped3A : memref<!tpu.dma_semaphore, #tpu.memory_space<semaphore_mem>>) {add = true}
            %dma_wait3A_42 = arith.constant 0 : i32
            %dma_wait3A_43 = tpu.memref_slice %arg10[%scan3A_25, %dma_wait3A_42] : memref<32x128xi32, #tpu.memory_space<vmem>> -> memref<1x128xi32, #tpu.memory_space<vmem>>
            %dma_wait3A_44 = tpu.memref_squeeze %dma_wait3A_43 : memref<1x128xi32, #tpu.memory_space<vmem>> -> memref<128xi32, #tpu.memory_space<vmem>>
            %dma_wait3A_45 = arith.constant 0 : i32
            %dma_wait3A_46 = arith.constant 0 : i32
            %dma_wait3A_47 = tpu.memref_slice %arg12[%dma_wait3A_45, %dma_wait3A_46] : memref<10112x128xf32, #tpu.memory_space<vmem_shared>> -> memref<10112x128xf32, #tpu.memory_space<vmem_shared>>
            tpu.wait_indirect_dma semaphore(%run_scoped3A : memref<!tpu.dma_semaphore, #tpu.memory_space<semaphore_mem>>) src(%arg11 : memref<128x128xf32, #tpu.memory_space<vmem>>) dst(%dma_wait3A_47 : memref<10112x128xf32, #tpu.memory_space<vmem_shared>>)
            tpu.yield
          }) : () -> ()
        }
        %scan3A_24 = arith.constant 32 : i32
      }
      %scan3A_12 = arith.constant 5 : i32
      %barrier3A_13 = arith.constant 0 : index
      tpu.barrier barrier_id(%barrier3A_13)
      "tpu.region"() ({
        %run_scoped3A = tpu.sem_alloc : memref<!tpu.dma_semaphore, #tpu.memory_space<semaphore_mem>>
        %dma_start3A = arith.constant 0 : i32
        %dma_start3A_14 = tpu.memref_slice %arg7[%mul3A_0, %dma_start3A] : memref<10112x128xf32, #tpu.memory_space<hbm>> -> memref<632x128xf32, #tpu.memory_space<hbm>>
        %dma_start3A_15 = arith.constant 0 : i32
        %dma_start3A_16 = tpu.memref_slice %arg12[%mul3A_0, %dma_start3A_15] : memref<10112x128xf32, #tpu.memory_space<vmem_shared>> -> memref<632x128xf32, #tpu.memory_space<vmem_shared>>
        tpu.enqueue_dma source(%dma_start3A_16 : memref<632x128xf32, #tpu.memory_space<vmem_shared>>) target(%dma_start3A_14 : memref<632x128xf32, #tpu.memory_space<hbm>>) target_semaphore(%run_scoped3A : memref<!tpu.dma_semaphore, #tpu.memory_space<semaphore_mem>>)
        %dma_wait3A = arith.constant 0 : i32
        %dma_wait3A_17 = tpu.memref_slice %arg7[%mul3A_0, %dma_wait3A] : memref<10112x128xf32, #tpu.memory_space<hbm>> -> memref<632x128xf32, #tpu.memory_space<hbm>>
        %dma_wait3A_18 = arith.constant 0 : i32
        %dma_wait3A_19 = tpu.memref_slice %arg12[%mul3A_0, %dma_wait3A_18] : memref<10112x128xf32, #tpu.memory_space<vmem_shared>> -> memref<632x128xf32, #tpu.memory_space<vmem_shared>>
        tpu.wait_dma2 semaphore(%run_scoped3A : memref<!tpu.dma_semaphore, #tpu.memory_space<semaphore_mem>>) src(%dma_wait3A_19 : memref<632x128xf32, #tpu.memory_space<vmem_shared>>) dst(%dma_wait3A_17 : memref<632x128xf32, #tpu.memory_space<hbm>>)
        tpu.yield
      }) : () -> ()
    } else {
    }
    %eq3A_3 = arith.constant 1 : i32
    %eq3A_4 = arith.cmpi eq, %arg0, %eq3A_3 : i32
    %convert_element_type3A_5 = arith.extui %eq3A_4 : i1 to i32
    %cond3A_6 = arith.constant 0 : i32
    %cond3A_7 = arith.cmpi ne, %convert_element_type3A_5, %cond3A_6 : i32
    scf.if %cond3A_7 {
      "tpu.region"() ({
        %run_scoped3A = tpu.sem_alloc : memref<!tpu.dma_semaphore, #tpu.memory_space<semaphore_mem>>
        %dma_start3A = arith.constant 0 : i32
        %dma_start3A_14 = tpu.memref_slice %arg12[%mul3A_0, %dma_start3A] : memref<10112x128xf32, #tpu.memory_space<vmem_shared>> -> memref<632x128xf32, #tpu.memory_space<vmem_shared>>
        %dma_start3A_15 = arith.constant 0 : i32
        %dma_start3A_16 = tpu.memref_slice %arg6[%mul3A_0, %dma_start3A_15] : memref<10112x128xf32, #tpu.memory_space<hbm>> -> memref<632x128xf32, #tpu.memory_space<hbm>>
        tpu.enqueue_dma source(%dma_start3A_16 : memref<632x128xf32, #tpu.memory_space<hbm>>) target(%dma_start3A_14 : memref<632x128xf32, #tpu.memory_space<vmem_shared>>) target_semaphore(%run_scoped3A : memref<!tpu.dma_semaphore, #tpu.memory_space<semaphore_mem>>)
        %dma_wait3A = arith.constant 0 : i32
        %dma_wait3A_17 = tpu.memref_slice %arg12[%mul3A_0, %dma_wait3A] : memref<10112x128xf32, #tpu.memory_space<vmem_shared>> -> memref<632x128xf32, #tpu.memory_space<vmem_shared>>
        %dma_wait3A_18 = arith.constant 0 : i32
        %dma_wait3A_19 = tpu.memref_slice %arg6[%mul3A_0, %dma_wait3A_18] : memref<10112x128xf32, #tpu.memory_space<hbm>> -> memref<632x128xf32, #tpu.memory_space<hbm>>
        tpu.wait_dma2 semaphore(%run_scoped3A : memref<!tpu.dma_semaphore, #tpu.memory_space<semaphore_mem>>) src(%dma_wait3A_19 : memref<632x128xf32, #tpu.memory_space<hbm>>) dst(%dma_wait3A_17 : memref<632x128xf32, #tpu.memory_space<vmem_shared>>)
        tpu.yield
      }) : () -> ()
      %barrier3A = arith.constant 0 : index
      tpu.barrier barrier_id(%barrier3A)
      %scan3A = arith.constant 0 : i32
      %scan3A_8 = arith.constant 0 : i32
      %scan3A_9 = arith.constant 5 : i32
      %scan3A_10 = arith.addi %scan3A_8, %scan3A_9 : i32
      %scan3A_11 = arith.constant 1 : i32
      scf.for %scan3A_14 = %scan3A_8 to %scan3A_10 step %scan3A_11  : i32 {
        %mul3A_15 = arith.constant 32 : i32
        %mul3A_16 = arith.muli %scan3A_14, %mul3A_15 : i32
        "tpu.region"() ({
          %run_scoped3A = tpu.sem_alloc : memref<!tpu.dma_semaphore, #tpu.memory_space<semaphore_mem>>
          %dma_start3A = arith.constant 0 : i32
          %dma_start3A_25 = tpu.memref_slice %arg4[%arg1, %mul3A_16, %dma_start3A] : memref<16x160x128xi32, #tpu.memory_space<hbm>> -> memref<1x32x128xi32, #tpu.memory_space<hbm>>
          %dma_start3A_26 = tpu.memref_squeeze %dma_start3A_25 : memref<1x32x128xi32, #tpu.memory_space<hbm>> -> memref<32x128xi32, #tpu.memory_space<hbm>>
          %dma_start3A_27 = arith.constant 0 : i32
          %dma_start3A_28 = tpu.memref_slice %arg4[%arg1, %mul3A_16, %dma_start3A_27] : memref<16x160x128xi32, #tpu.memory_space<hbm>> -> memref<1x32x128xi32, #tpu.memory_space<hbm>>
          %dma_start3A_29 = tpu.memref_squeeze %dma_start3A_28 : memref<1x32x128xi32, #tpu.memory_space<hbm>> -> memref<32x128xi32, #tpu.memory_space<hbm>>
          tpu.enqueue_dma source(%dma_start3A_29 : memref<32x128xi32, #tpu.memory_space<hbm>>) target(%arg9 : memref<32x128xi32, #tpu.memory_space<vmem>>) target_semaphore(%run_scoped3A : memref<!tpu.dma_semaphore, #tpu.memory_space<semaphore_mem>>)
          %dma_wait3A = arith.constant 0 : i32
          %dma_wait3A_30 = tpu.memref_slice %arg4[%arg1, %mul3A_16, %dma_wait3A] : memref<16x160x128xi32, #tpu.memory_space<hbm>> -> memref<1x32x128xi32, #tpu.memory_space<hbm>>
          %dma_wait3A_31 = tpu.memref_squeeze %dma_wait3A_30 : memref<1x32x128xi32, #tpu.memory_space<hbm>> -> memref<32x128xi32, #tpu.memory_space<hbm>>
          %dma_wait3A_32 = arith.constant 0 : i32
          %dma_wait3A_33 = tpu.memref_slice %arg4[%arg1, %mul3A_16, %dma_wait3A_32] : memref<16x160x128xi32, #tpu.memory_space<hbm>> -> memref<1x32x128xi32, #tpu.memory_space<hbm>>
          %dma_wait3A_34 = tpu.memref_squeeze %dma_wait3A_33 : memref<1x32x128xi32, #tpu.memory_space<hbm>> -> memref<32x128xi32, #tpu.memory_space<hbm>>
          tpu.wait_dma2 semaphore(%run_scoped3A : memref<!tpu.dma_semaphore, #tpu.memory_space<semaphore_mem>>) src(%dma_wait3A_34 : memref<32x128xi32, #tpu.memory_space<hbm>>) dst(%arg9 : memref<32x128xi32, #tpu.memory_space<vmem>>)
          tpu.yield
        }) : () -> ()
        %mul3A_17 = arith.constant 32 : i32
        %mul3A_18 = arith.muli %scan3A_14, %mul3A_17 : i32
        "tpu.region"() ({
          %run_scoped3A = tpu.sem_alloc : memref<!tpu.dma_semaphore, #tpu.memory_space<semaphore_mem>>
          %dma_start3A = arith.constant 0 : i32
          %dma_start3A_25 = tpu.memref_slice %arg5[%arg1, %mul3A_18, %dma_start3A] : memref<16x160x128xi32, #tpu.memory_space<hbm>> -> memref<1x32x128xi32, #tpu.memory_space<hbm>>
          %dma_start3A_26 = tpu.memref_squeeze %dma_start3A_25 : memref<1x32x128xi32, #tpu.memory_space<hbm>> -> memref<32x128xi32, #tpu.memory_space<hbm>>
          %dma_start3A_27 = arith.constant 0 : i32
          %dma_start3A_28 = tpu.memref_slice %arg5[%arg1, %mul3A_18, %dma_start3A_27] : memref<16x160x128xi32, #tpu.memory_space<hbm>> -> memref<1x32x128xi32, #tpu.memory_space<hbm>>
          %dma_start3A_29 = tpu.memref_squeeze %dma_start3A_28 : memref<1x32x128xi32, #tpu.memory_space<hbm>> -> memref<32x128xi32, #tpu.memory_space<hbm>>
          tpu.enqueue_dma source(%dma_start3A_29 : memref<32x128xi32, #tpu.memory_space<hbm>>) target(%arg10 : memref<32x128xi32, #tpu.memory_space<vmem>>) target_semaphore(%run_scoped3A : memref<!tpu.dma_semaphore, #tpu.memory_space<semaphore_mem>>)
          %dma_wait3A = arith.constant 0 : i32
          %dma_wait3A_30 = tpu.memref_slice %arg5[%arg1, %mul3A_18, %dma_wait3A] : memref<16x160x128xi32, #tpu.memory_space<hbm>> -> memref<1x32x128xi32, #tpu.memory_space<hbm>>
          %dma_wait3A_31 = tpu.memref_squeeze %dma_wait3A_30 : memref<1x32x128xi32, #tpu.memory_space<hbm>> -> memref<32x128xi32, #tpu.memory_space<hbm>>
          %dma_wait3A_32 = arith.constant 0 : i32
          %dma_wait3A_33 = tpu.memref_slice %arg5[%arg1, %mul3A_18, %dma_wait3A_32] : memref<16x160x128xi32, #tpu.memory_space<hbm>> -> memref<1x32x128xi32, #tpu.memory_space<hbm>>
          %dma_wait3A_34 = tpu.memref_squeeze %dma_wait3A_33 : memref<1x32x128xi32, #tpu.memory_space<hbm>> -> memref<32x128xi32, #tpu.memory_space<hbm>>
          tpu.wait_dma2 semaphore(%run_scoped3A : memref<!tpu.dma_semaphore, #tpu.memory_space<semaphore_mem>>) src(%dma_wait3A_34 : memref<32x128xi32, #tpu.memory_space<hbm>>) dst(%arg10 : memref<32x128xi32, #tpu.memory_space<vmem>>)
          tpu.yield
        }) : () -> ()
        %scan3A_19 = arith.constant 0 : i32
        %scan3A_20 = arith.constant 0 : i32
        %scan3A_21 = arith.constant 32 : i32
        %scan3A_22 = arith.addi %scan3A_20, %scan3A_21 : i32
        %scan3A_23 = arith.constant 1 : i32
        scf.for %scan3A_25 = %scan3A_20 to %scan3A_22 step %scan3A_23  : i32 {
          %dma_start3A = arith.constant 0 : i32
          %dma_start3A_26 = tpu.memref_slice %arg9[%scan3A_25, %dma_start3A] : memref<32x128xi32, #tpu.memory_space<vmem>> -> memref<1x128xi32, #tpu.memory_space<vmem>>
          %dma_start3A_27 = tpu.memref_squeeze %dma_start3A_26 : memref<1x128xi32, #tpu.memory_space<vmem>> -> memref<128xi32, #tpu.memory_space<vmem>>
          %dma_start3A_28 = arith.constant 0 : i32
          %dma_start3A_29 = arith.constant 0 : i32
          %dma_start3A_30 = tpu.memref_slice %arg3[%dma_start3A_28, %dma_start3A_29] : memref<10000x128xf32, #tpu.memory_space<hbm>> -> memref<10000x128xf32, #tpu.memory_space<hbm>>
          tpu.enqueue_indirect_dma source(%dma_start3A_30 : memref<10000x128xf32, #tpu.memory_space<hbm>>) target(%arg11 : memref<128x128xf32, #tpu.memory_space<vmem>>) offsets(%dma_start3A_27 : memref<128xi32, #tpu.memory_space<vmem>>) semaphore(%arg13 : memref<!tpu.dma_semaphore, #tpu.memory_space<semaphore_mem>>)
          %dma_wait3A = arith.constant 0 : i32
          %dma_wait3A_31 = tpu.memref_slice %arg9[%scan3A_25, %dma_wait3A] : memref<32x128xi32, #tpu.memory_space<vmem>> -> memref<1x128xi32, #tpu.memory_space<vmem>>
          %dma_wait3A_32 = tpu.memref_squeeze %dma_wait3A_31 : memref<1x128xi32, #tpu.memory_space<vmem>> -> memref<128xi32, #tpu.memory_space<vmem>>
          %dma_wait3A_33 = arith.constant 0 : i32
          %dma_wait3A_34 = arith.constant 0 : i32
          %dma_wait3A_35 = tpu.memref_slice %arg3[%dma_wait3A_33, %dma_wait3A_34] : memref<10000x128xf32, #tpu.memory_space<hbm>> -> memref<10000x128xf32, #tpu.memory_space<hbm>>
          tpu.wait_indirect_dma semaphore(%arg13 : memref<!tpu.dma_semaphore, #tpu.memory_space<semaphore_mem>>) src(%dma_wait3A_35 : memref<10000x128xf32, #tpu.memory_space<hbm>>) dst(%arg11 : memref<128x128xf32, #tpu.memory_space<vmem>>)
          "tpu.region"() ({
            %run_scoped3A = tpu.sem_alloc : memref<!tpu.dma_semaphore, #tpu.memory_space<semaphore_mem>>
            %dma_start3A_36 = arith.constant 0 : i32
            %dma_start3A_37 = tpu.memref_slice %arg10[%scan3A_25, %dma_start3A_36] : memref<32x128xi32, #tpu.memory_space<vmem>> -> memref<1x128xi32, #tpu.memory_space<vmem>>
            %dma_start3A_38 = tpu.memref_squeeze %dma_start3A_37 : memref<1x128xi32, #tpu.memory_space<vmem>> -> memref<128xi32, #tpu.memory_space<vmem>>
            %dma_start3A_39 = arith.constant 0 : i32
            %dma_start3A_40 = arith.constant 0 : i32
            %dma_start3A_41 = tpu.memref_slice %arg12[%dma_start3A_39, %dma_start3A_40] : memref<10112x128xf32, #tpu.memory_space<vmem_shared>> -> memref<10112x128xf32, #tpu.memory_space<vmem_shared>>
            tpu.enqueue_indirect_dma source(%arg11 : memref<128x128xf32, #tpu.memory_space<vmem>>) target(%dma_start3A_41 : memref<10112x128xf32, #tpu.memory_space<vmem_shared>>) offsets(%dma_start3A_38 : memref<128xi32, #tpu.memory_space<vmem>>) semaphore(%run_scoped3A : memref<!tpu.dma_semaphore, #tpu.memory_space<semaphore_mem>>) {add = true}
            %dma_wait3A_42 = arith.constant 0 : i32
            %dma_wait3A_43 = tpu.memref_slice %arg10[%scan3A_25, %dma_wait3A_42] : memref<32x128xi32, #tpu.memory_space<vmem>> -> memref<1x128xi32, #tpu.memory_space<vmem>>
            %dma_wait3A_44 = tpu.memref_squeeze %dma_wait3A_43 : memref<1x128xi32, #tpu.memory_space<vmem>> -> memref<128xi32, #tpu.memory_space<vmem>>
            %dma_wait3A_45 = arith.constant 0 : i32
            %dma_wait3A_46 = arith.constant 0 : i32
            %dma_wait3A_47 = tpu.memref_slice %arg12[%dma_wait3A_45, %dma_wait3A_46] : memref<10112x128xf32, #tpu.memory_space<vmem_shared>> -> memref<10112x128xf32, #tpu.memory_space<vmem_shared>>
            tpu.wait_indirect_dma semaphore(%run_scoped3A : memref<!tpu.dma_semaphore, #tpu.memory_space<semaphore_mem>>) src(%arg11 : memref<128x128xf32, #tpu.memory_space<vmem>>) dst(%dma_wait3A_47 : memref<10112x128xf32, #tpu.memory_space<vmem_shared>>)
            tpu.yield
          }) : () -> ()
        }
        %scan3A_24 = arith.constant 32 : i32
      }
      %scan3A_12 = arith.constant 5 : i32
      %barrier3A_13 = arith.constant 0 : index
      tpu.barrier barrier_id(%barrier3A_13)
      "tpu.region"() ({
        %run_scoped3A = tpu.sem_alloc : memref<!tpu.dma_semaphore, #tpu.memory_space<semaphore_mem>>
        %dma_start3A = arith.constant 0 : i32
        %dma_start3A_14 = tpu.memref_slice %arg8[%mul3A_0, %dma_start3A] : memref<10112x128xf32, #tpu.memory_space<hbm>> -> memref<632x128xf32, #tpu.memory_space<hbm>>
        %dma_start3A_15 = arith.constant 0 : i32
        %dma_start3A_16 = tpu.memref_slice %arg12[%mul3A_0, %dma_start3A_15] : memref<10112x128xf32, #tpu.memory_space<vmem_shared>> -> memref<632x128xf32, #tpu.memory_space<vmem_shared>>
        tpu.enqueue_dma source(%dma_start3A_16 : memref<632x128xf32, #tpu.memory_space<vmem_shared>>) target(%dma_start3A_14 : memref<632x128xf32, #tpu.memory_space<hbm>>) target_semaphore(%run_scoped3A : memref<!tpu.dma_semaphore, #tpu.memory_space<semaphore_mem>>)
        %dma_wait3A = arith.constant 0 : i32
        %dma_wait3A_17 = tpu.memref_slice %arg8[%mul3A_0, %dma_wait3A] : memref<10112x128xf32, #tpu.memory_space<hbm>> -> memref<632x128xf32, #tpu.memory_space<hbm>>
        %dma_wait3A_18 = arith.constant 0 : i32
        %dma_wait3A_19 = tpu.memref_slice %arg12[%mul3A_0, %dma_wait3A_18] : memref<10112x128xf32, #tpu.memory_space<vmem_shared>> -> memref<632x128xf32, #tpu.memory_space<vmem_shared>>
        tpu.wait_dma2 semaphore(%run_scoped3A : memref<!tpu.dma_semaphore, #tpu.memory_space<semaphore_mem>>) src(%dma_wait3A_19 : memref<632x128xf32, #tpu.memory_space<vmem_shared>>) dst(%dma_wait3A_17 : memref<632x128xf32, #tpu.memory_space<hbm>>)
        tpu.yield
      }) : () -> ()
    } else {
    }
    return
  }
}

#map = affine_map<(d0, d1) -> (0, 0)>
#map1 = affine_map<(d0, d1) -> (0, 0, 0)>
module attributes {stable_mosaic.version = 14 : i64} {
  func.func @_sc_body(%arg0: i32, %arg1: i32, %arg2: memref<10000x128xf32, #tpu.memory_space<hbm>>, %arg3: memref<10000x128xf32, #tpu.memory_space<hbm>>, %arg4: memref<16x160x128xi32, #tpu.memory_space<hbm>>, %arg5: memref<16x160x128xi32, #tpu.memory_space<hbm>>, %arg6: memref<10112x128xf32, #tpu.memory_space<hbm>>, %arg7: memref<10112x128xf32, #tpu.memory_space<hbm>>, %arg8: memref<10112x128xf32, #tpu.memory_space<hbm>>, %arg9: memref<32x128xi32, #tpu.memory_space<vmem>>, %arg10: memref<32x128xi32, #tpu.memory_space<vmem>>, %arg11: memref<128x128xf32, #tpu.memory_space<vmem>>, %arg12: memref<10112x128xf32, #tpu.memory_space<vmem_shared>>, %arg13: memref<!tpu.dma_semaphore, #tpu.memory_space<semaphore_mem>>) attributes {dimension_semantics = [#tpu.dimension_semantics<core_parallel>, #tpu.dimension_semantics<subcore_parallel>], iteration_bounds = array<i64: 2, 16>, scalar_prefetch = 0 : i64, scratch_operands = 5 : i64, tpu.core_type = #tpu.core_type<sc_vector_subcore>, window_params = [{transform_indices = #map}, {transform_indices = #map}, {transform_indices = #map1}, {transform_indices = #map1}, {transform_indices = #map}, {transform_indices = #map}, {transform_indices = #map}]} {
    %mul3A = arith.constant 632 : i32
    %mul3A_0 = arith.muli %arg1, %mul3A : i32
    %eq3A = arith.constant 0 : i32
    %eq3A_1 = arith.cmpi eq, %arg0, %eq3A : i32
    %convert_element_type3A = arith.extui %eq3A_1 : i1 to i32
    %cond3A = arith.constant 0 : i32
    %cond3A_2 = arith.cmpi ne, %convert_element_type3A, %cond3A : i32
    scf.if %cond3A_2 {
      "tpu.region"() ({
        %run_scoped3A = tpu.sem_alloc : memref<!tpu.dma_semaphore, #tpu.memory_space<semaphore_mem>>
        %dma_start3A = arith.constant 0 : i32
        %dma_start3A_14 = tpu.memref_slice %arg12[%mul3A_0, %dma_start3A] : memref<10112x128xf32, #tpu.memory_space<vmem_shared>> -> memref<632x128xf32, #tpu.memory_space<vmem_shared>>
        %dma_start3A_15 = arith.constant 0 : i32
        %dma_start3A_16 = tpu.memref_slice %arg6[%mul3A_0, %dma_start3A_15] : memref<10112x128xf32, #tpu.memory_space<hbm>> -> memref<632x128xf32, #tpu.memory_space<hbm>>
        tpu.enqueue_dma source(%dma_start3A_16 : memref<632x128xf32, #tpu.memory_space<hbm>>) target(%dma_start3A_14 : memref<632x128xf32, #tpu.memory_space<vmem_shared>>) target_semaphore(%run_scoped3A : memref<!tpu.dma_semaphore, #tpu.memory_space<semaphore_mem>>)
        %dma_wait3A = arith.constant 0 : i32
        %dma_wait3A_17 = tpu.memref_slice %arg12[%mul3A_0, %dma_wait3A] : memref<10112x128xf32, #tpu.memory_space<vmem_shared>> -> memref<632x128xf32, #tpu.memory_space<vmem_shared>>
        %dma_wait3A_18 = arith.constant 0 : i32
        %dma_wait3A_19 = tpu.memref_slice %arg6[%mul3A_0, %dma_wait3A_18] : memref<10112x128xf32, #tpu.memory_space<hbm>> -> memref<632x128xf32, #tpu.memory_space<hbm>>
        tpu.wait_dma2 semaphore(%run_scoped3A : memref<!tpu.dma_semaphore, #tpu.memory_space<semaphore_mem>>) src(%dma_wait3A_19 : memref<632x128xf32, #tpu.memory_space<hbm>>) dst(%dma_wait3A_17 : memref<632x128xf32, #tpu.memory_space<vmem_shared>>)
        tpu.yield
      }) : () -> ()
      %barrier3A = arith.constant 0 : index
      tpu.barrier barrier_id(%barrier3A)
      %scan3A = arith.constant 0 : i32
      %scan3A_8 = arith.constant 0 : i32
      %scan3A_9 = arith.constant 5 : i32
      %scan3A_10 = arith.addi %scan3A_8, %scan3A_9 : i32
      %scan3A_11 = arith.constant 1 : i32
      scf.for %scan3A_14 = %scan3A_8 to %scan3A_10 step %scan3A_11  : i32 {
        %mul3A_15 = arith.constant 32 : i32
        %mul3A_16 = arith.muli %scan3A_14, %mul3A_15 : i32
        "tpu.region"() ({
          %run_scoped3A = tpu.sem_alloc : memref<!tpu.dma_semaphore, #tpu.memory_space<semaphore_mem>>
          %dma_start3A = arith.constant 0 : i32
          %dma_start3A_25 = tpu.memref_slice %arg4[%arg1, %mul3A_16, %dma_start3A] : memref<16x160x128xi32, #tpu.memory_space<hbm>> -> memref<1x32x128xi32, #tpu.memory_space<hbm>>
          %dma_start3A_26 = tpu.memref_squeeze %dma_start3A_25 : memref<1x32x128xi32, #tpu.memory_space<hbm>> -> memref<32x128xi32, #tpu.memory_space<hbm>>
          %dma_start3A_27 = arith.constant 0 : i32
          %dma_start3A_28 = tpu.memref_slice %arg4[%arg1, %mul3A_16, %dma_start3A_27] : memref<16x160x128xi32, #tpu.memory_space<hbm>> -> memref<1x32x128xi32, #tpu.memory_space<hbm>>
          %dma_start3A_29 = tpu.memref_squeeze %dma_start3A_28 : memref<1x32x128xi32, #tpu.memory_space<hbm>> -> memref<32x128xi32, #tpu.memory_space<hbm>>
          tpu.enqueue_dma source(%dma_start3A_29 : memref<32x128xi32, #tpu.memory_space<hbm>>) target(%arg9 : memref<32x128xi32, #tpu.memory_space<vmem>>) target_semaphore(%run_scoped3A : memref<!tpu.dma_semaphore, #tpu.memory_space<semaphore_mem>>)
          %dma_wait3A = arith.constant 0 : i32
          %dma_wait3A_30 = tpu.memref_slice %arg4[%arg1, %mul3A_16, %dma_wait3A] : memref<16x160x128xi32, #tpu.memory_space<hbm>> -> memref<1x32x128xi32, #tpu.memory_space<hbm>>
          %dma_wait3A_31 = tpu.memref_squeeze %dma_wait3A_30 : memref<1x32x128xi32, #tpu.memory_space<hbm>> -> memref<32x128xi32, #tpu.memory_space<hbm>>
          %dma_wait3A_32 = arith.constant 0 : i32
          %dma_wait3A_33 = tpu.memref_slice %arg4[%arg1, %mul3A_16, %dma_wait3A_32] : memref<16x160x128xi32, #tpu.memory_space<hbm>> -> memref<1x32x128xi32, #tpu.memory_space<hbm>>
          %dma_wait3A_34 = tpu.memref_squeeze %dma_wait3A_33 : memref<1x32x128xi32, #tpu.memory_space<hbm>> -> memref<32x128xi32, #tpu.memory_space<hbm>>
          tpu.wait_dma2 semaphore(%run_scoped3A : memref<!tpu.dma_semaphore, #tpu.memory_space<semaphore_mem>>) src(%dma_wait3A_34 : memref<32x128xi32, #tpu.memory_space<hbm>>) dst(%arg9 : memref<32x128xi32, #tpu.memory_space<vmem>>)
          tpu.yield
        }) : () -> ()
        %mul3A_17 = arith.constant 32 : i32
        %mul3A_18 = arith.muli %scan3A_14, %mul3A_17 : i32
        "tpu.region"() ({
          %run_scoped3A = tpu.sem_alloc : memref<!tpu.dma_semaphore, #tpu.memory_space<semaphore_mem>>
          %dma_start3A = arith.constant 0 : i32
          %dma_start3A_25 = tpu.memref_slice %arg5[%arg1, %mul3A_18, %dma_start3A] : memref<16x160x128xi32, #tpu.memory_space<hbm>> -> memref<1x32x128xi32, #tpu.memory_space<hbm>>
          %dma_start3A_26 = tpu.memref_squeeze %dma_start3A_25 : memref<1x32x128xi32, #tpu.memory_space<hbm>> -> memref<32x128xi32, #tpu.memory_space<hbm>>
          %dma_start3A_27 = arith.constant 0 : i32
          %dma_start3A_28 = tpu.memref_slice %arg5[%arg1, %mul3A_18, %dma_start3A_27] : memref<16x160x128xi32, #tpu.memory_space<hbm>> -> memref<1x32x128xi32, #tpu.memory_space<hbm>>
          %dma_start3A_29 = tpu.memref_squeeze %dma_start3A_28 : memref<1x32x128xi32, #tpu.memory_space<hbm>> -> memref<32x128xi32, #tpu.memory_space<hbm>>
          tpu.enqueue_dma source(%dma_start3A_29 : memref<32x128xi32, #tpu.memory_space<hbm>>) target(%arg10 : memref<32x128xi32, #tpu.memory_space<vmem>>) target_semaphore(%run_scoped3A : memref<!tpu.dma_semaphore, #tpu.memory_space<semaphore_mem>>)
          %dma_wait3A = arith.constant 0 : i32
          %dma_wait3A_30 = tpu.memref_slice %arg5[%arg1, %mul3A_18, %dma_wait3A] : memref<16x160x128xi32, #tpu.memory_space<hbm>> -> memref<1x32x128xi32, #tpu.memory_space<hbm>>
          %dma_wait3A_31 = tpu.memref_squeeze %dma_wait3A_30 : memref<1x32x128xi32, #tpu.memory_space<hbm>> -> memref<32x128xi32, #tpu.memory_space<hbm>>
          %dma_wait3A_32 = arith.constant 0 : i32
          %dma_wait3A_33 = tpu.memref_slice %arg5[%arg1, %mul3A_18, %dma_wait3A_32] : memref<16x160x128xi32, #tpu.memory_space<hbm>> -> memref<1x32x128xi32, #tpu.memory_space<hbm>>
          %dma_wait3A_34 = tpu.memref_squeeze %dma_wait3A_33 : memref<1x32x128xi32, #tpu.memory_space<hbm>> -> memref<32x128xi32, #tpu.memory_space<hbm>>
          tpu.wait_dma2 semaphore(%run_scoped3A : memref<!tpu.dma_semaphore, #tpu.memory_space<semaphore_mem>>) src(%dma_wait3A_34 : memref<32x128xi32, #tpu.memory_space<hbm>>) dst(%arg10 : memref<32x128xi32, #tpu.memory_space<vmem>>)
          tpu.yield
        }) : () -> ()
        %scan3A_19 = arith.constant 0 : i32
        %scan3A_20 = arith.constant 0 : i32
        %scan3A_21 = arith.constant 32 : i32
        %scan3A_22 = arith.addi %scan3A_20, %scan3A_21 : i32
        %scan3A_23 = arith.constant 1 : i32
        scf.for %scan3A_25 = %scan3A_20 to %scan3A_22 step %scan3A_23  : i32 {
          %dma_start3A = arith.constant 0 : i32
          %dma_start3A_26 = tpu.memref_slice %arg9[%scan3A_25, %dma_start3A] : memref<32x128xi32, #tpu.memory_space<vmem>> -> memref<1x128xi32, #tpu.memory_space<vmem>>
          %dma_start3A_27 = tpu.memref_squeeze %dma_start3A_26 : memref<1x128xi32, #tpu.memory_space<vmem>> -> memref<128xi32, #tpu.memory_space<vmem>>
          %dma_start3A_28 = arith.constant 0 : i32
          %dma_start3A_29 = arith.constant 0 : i32
          %dma_start3A_30 = tpu.memref_slice %arg2[%dma_start3A_28, %dma_start3A_29] : memref<10000x128xf32, #tpu.memory_space<hbm>> -> memref<10000x128xf32, #tpu.memory_space<hbm>>
          tpu.enqueue_indirect_dma source(%dma_start3A_30 : memref<10000x128xf32, #tpu.memory_space<hbm>>) target(%arg11 : memref<128x128xf32, #tpu.memory_space<vmem>>) offsets(%dma_start3A_27 : memref<128xi32, #tpu.memory_space<vmem>>) semaphore(%arg13 : memref<!tpu.dma_semaphore, #tpu.memory_space<semaphore_mem>>)
          %dma_wait3A = arith.constant 0 : i32
          %dma_wait3A_31 = tpu.memref_slice %arg9[%scan3A_25, %dma_wait3A] : memref<32x128xi32, #tpu.memory_space<vmem>> -> memref<1x128xi32, #tpu.memory_space<vmem>>
          %dma_wait3A_32 = tpu.memref_squeeze %dma_wait3A_31 : memref<1x128xi32, #tpu.memory_space<vmem>> -> memref<128xi32, #tpu.memory_space<vmem>>
          %dma_wait3A_33 = arith.constant 0 : i32
          %dma_wait3A_34 = arith.constant 0 : i32
          %dma_wait3A_35 = tpu.memref_slice %arg2[%dma_wait3A_33, %dma_wait3A_34] : memref<10000x128xf32, #tpu.memory_space<hbm>> -> memref<10000x128xf32, #tpu.memory_space<hbm>>
          tpu.wait_indirect_dma semaphore(%arg13 : memref<!tpu.dma_semaphore, #tpu.memory_space<semaphore_mem>>) src(%dma_wait3A_35 : memref<10000x128xf32, #tpu.memory_space<hbm>>) dst(%arg11 : memref<128x128xf32, #tpu.memory_space<vmem>>)
          "tpu.region"() ({
            %run_scoped3A = tpu.sem_alloc : memref<!tpu.dma_semaphore, #tpu.memory_space<semaphore_mem>>
            %dma_start3A_36 = arith.constant 0 : i32
            %dma_start3A_37 = tpu.memref_slice %arg10[%scan3A_25, %dma_start3A_36] : memref<32x128xi32, #tpu.memory_space<vmem>> -> memref<1x128xi32, #tpu.memory_space<vmem>>
            %dma_start3A_38 = tpu.memref_squeeze %dma_start3A_37 : memref<1x128xi32, #tpu.memory_space<vmem>> -> memref<128xi32, #tpu.memory_space<vmem>>
            %dma_start3A_39 = arith.constant 0 : i32
            %dma_start3A_40 = arith.constant 0 : i32
            %dma_start3A_41 = tpu.memref_slice %arg12[%dma_start3A_39, %dma_start3A_40] : memref<10112x128xf32, #tpu.memory_space<vmem_shared>> -> memref<10112x128xf32, #tpu.memory_space<vmem_shared>>
            tpu.enqueue_indirect_dma source(%arg11 : memref<128x128xf32, #tpu.memory_space<vmem>>) target(%dma_start3A_41 : memref<10112x128xf32, #tpu.memory_space<vmem_shared>>) offsets(%dma_start3A_38 : memref<128xi32, #tpu.memory_space<vmem>>) semaphore(%run_scoped3A : memref<!tpu.dma_semaphore, #tpu.memory_space<semaphore_mem>>) {add = true}
            %dma_wait3A_42 = arith.constant 0 : i32
            %dma_wait3A_43 = tpu.memref_slice %arg10[%scan3A_25, %dma_wait3A_42] : memref<32x128xi32, #tpu.memory_space<vmem>> -> memref<1x128xi32, #tpu.memory_space<vmem>>
            %dma_wait3A_44 = tpu.memref_squeeze %dma_wait3A_43 : memref<1x128xi32, #tpu.memory_space<vmem>> -> memref<128xi32, #tpu.memory_space<vmem>>
            %dma_wait3A_45 = arith.constant 0 : i32
            %dma_wait3A_46 = arith.constant 0 : i32
            %dma_wait3A_47 = tpu.memref_slice %arg12[%dma_wait3A_45, %dma_wait3A_46] : memref<10112x128xf32, #tpu.memory_space<vmem_shared>> -> memref<10112x128xf32, #tpu.memory_space<vmem_shared>>
            tpu.wait_indirect_dma semaphore(%run_scoped3A : memref<!tpu.dma_semaphore, #tpu.memory_space<semaphore_mem>>) src(%arg11 : memref<128x128xf32, #tpu.memory_space<vmem>>) dst(%dma_wait3A_47 : memref<10112x128xf32, #tpu.memory_space<vmem_shared>>)
            tpu.yield
          }) : () -> ()
        }
        %scan3A_24 = arith.constant 32 : i32
      }
      %scan3A_12 = arith.constant 5 : i32
      %barrier3A_13 = arith.constant 0 : index
      tpu.barrier barrier_id(%barrier3A_13)
      "tpu.region"() ({
        %run_scoped3A = tpu.sem_alloc : memref<!tpu.dma_semaphore, #tpu.memory_space<semaphore_mem>>
        %dma_start3A = arith.constant 0 : i32
        %dma_start3A_14 = tpu.memref_slice %arg7[%mul3A_0, %dma_start3A] : memref<10112x128xf32, #tpu.memory_space<hbm>> -> memref<632x128xf32, #tpu.memory_space<hbm>>
        %dma_start3A_15 = arith.constant 0 : i32
        %dma_start3A_16 = tpu.memref_slice %arg12[%mul3A_0, %dma_start3A_15] : memref<10112x128xf32, #tpu.memory_space<vmem_shared>> -> memref<632x128xf32, #tpu.memory_space<vmem_shared>>
        tpu.enqueue_dma source(%dma_start3A_16 : memref<632x128xf32, #tpu.memory_space<vmem_shared>>) target(%dma_start3A_14 : memref<632x128xf32, #tpu.memory_space<hbm>>) target_semaphore(%run_scoped3A : memref<!tpu.dma_semaphore, #tpu.memory_space<semaphore_mem>>)
        %dma_wait3A = arith.constant 0 : i32
        %dma_wait3A_17 = tpu.memref_slice %arg7[%mul3A_0, %dma_wait3A] : memref<10112x128xf32, #tpu.memory_space<hbm>> -> memref<632x128xf32, #tpu.memory_space<hbm>>
        %dma_wait3A_18 = arith.constant 0 : i32
        %dma_wait3A_19 = tpu.memref_slice %arg12[%mul3A_0, %dma_wait3A_18] : memref<10112x128xf32, #tpu.memory_space<vmem_shared>> -> memref<632x128xf32, #tpu.memory_space<vmem_shared>>
        tpu.wait_dma2 semaphore(%run_scoped3A : memref<!tpu.dma_semaphore, #tpu.memory_space<semaphore_mem>>) src(%dma_wait3A_19 : memref<632x128xf32, #tpu.memory_space<vmem_shared>>) dst(%dma_wait3A_17 : memref<632x128xf32, #tpu.memory_space<hbm>>)
        tpu.yield
      }) : () -> ()
    } else {
    }
    %eq3A_3 = arith.constant 1 : i32
    %eq3A_4 = arith.cmpi eq, %arg0, %eq3A_3 : i32
    %convert_element_type3A_5 = arith.extui %eq3A_4 : i1 to i32
    %cond3A_6 = arith.constant 0 : i32
    %cond3A_7 = arith.cmpi ne, %convert_element_type3A_5, %cond3A_6 : i32
    scf.if %cond3A_7 {
      "tpu.region"() ({
        %run_scoped3A = tpu.sem_alloc : memref<!tpu.dma_semaphore, #tpu.memory_space<semaphore_mem>>
        %dma_start3A = arith.constant 0 : i32
        %dma_start3A_14 = tpu.memref_slice %arg12[%mul3A_0, %dma_start3A] : memref<10112x128xf32, #tpu.memory_space<vmem_shared>> -> memref<632x128xf32, #tpu.memory_space<vmem_shared>>
        %dma_start3A_15 = arith.constant 0 : i32
        %dma_start3A_16 = tpu.memref_slice %arg6[%mul3A_0, %dma_start3A_15] : memref<10112x128xf32, #tpu.memory_space<hbm>> -> memref<632x128xf32, #tpu.memory_space<hbm>>
        tpu.enqueue_dma source(%dma_start3A_16 : memref<632x128xf32, #tpu.memory_space<hbm>>) target(%dma_start3A_14 : memref<632x128xf32, #tpu.memory_space<vmem_shared>>) target_semaphore(%run_scoped3A : memref<!tpu.dma_semaphore, #tpu.memory_space<semaphore_mem>>)
        %dma_wait3A = arith.constant 0 : i32
        %dma_wait3A_17 = tpu.memref_slice %arg12[%mul3A_0, %dma_wait3A] : memref<10112x128xf32, #tpu.memory_space<vmem_shared>> -> memref<632x128xf32, #tpu.memory_space<vmem_shared>>
        %dma_wait3A_18 = arith.constant 0 : i32
        %dma_wait3A_19 = tpu.memref_slice %arg6[%mul3A_0, %dma_wait3A_18] : memref<10112x128xf32, #tpu.memory_space<hbm>> -> memref<632x128xf32, #tpu.memory_space<hbm>>
        tpu.wait_dma2 semaphore(%run_scoped3A : memref<!tpu.dma_semaphore, #tpu.memory_space<semaphore_mem>>) src(%dma_wait3A_19 : memref<632x128xf32, #tpu.memory_space<hbm>>) dst(%dma_wait3A_17 : memref<632x128xf32, #tpu.memory_space<vmem_shared>>)
        tpu.yield
      }) : () -> ()
      %barrier3A = arith.constant 0 : index
      tpu.barrier barrier_id(%barrier3A)
      %scan3A = arith.constant 0 : i32
      %scan3A_8 = arith.constant 0 : i32
      %scan3A_9 = arith.constant 5 : i32
      %scan3A_10 = arith.addi %scan3A_8, %scan3A_9 : i32
      %scan3A_11 = arith.constant 1 : i32
      scf.for %scan3A_14 = %scan3A_8 to %scan3A_10 step %scan3A_11  : i32 {
        %mul3A_15 = arith.constant 32 : i32
        %mul3A_16 = arith.muli %scan3A_14, %mul3A_15 : i32
        "tpu.region"() ({
          %run_scoped3A = tpu.sem_alloc : memref<!tpu.dma_semaphore, #tpu.memory_space<semaphore_mem>>
          %dma_start3A = arith.constant 0 : i32
          %dma_start3A_25 = tpu.memref_slice %arg4[%arg1, %mul3A_16, %dma_start3A] : memref<16x160x128xi32, #tpu.memory_space<hbm>> -> memref<1x32x128xi32, #tpu.memory_space<hbm>>
          %dma_start3A_26 = tpu.memref_squeeze %dma_start3A_25 : memref<1x32x128xi32, #tpu.memory_space<hbm>> -> memref<32x128xi32, #tpu.memory_space<hbm>>
          %dma_start3A_27 = arith.constant 0 : i32
          %dma_start3A_28 = tpu.memref_slice %arg4[%arg1, %mul3A_16, %dma_start3A_27] : memref<16x160x128xi32, #tpu.memory_space<hbm>> -> memref<1x32x128xi32, #tpu.memory_space<hbm>>
          %dma_start3A_29 = tpu.memref_squeeze %dma_start3A_28 : memref<1x32x128xi32, #tpu.memory_space<hbm>> -> memref<32x128xi32, #tpu.memory_space<hbm>>
          tpu.enqueue_dma source(%dma_start3A_29 : memref<32x128xi32, #tpu.memory_space<hbm>>) target(%arg9 : memref<32x128xi32, #tpu.memory_space<vmem>>) target_semaphore(%run_scoped3A : memref<!tpu.dma_semaphore, #tpu.memory_space<semaphore_mem>>)
          %dma_wait3A = arith.constant 0 : i32
          %dma_wait3A_30 = tpu.memref_slice %arg4[%arg1, %mul3A_16, %dma_wait3A] : memref<16x160x128xi32, #tpu.memory_space<hbm>> -> memref<1x32x128xi32, #tpu.memory_space<hbm>>
          %dma_wait3A_31 = tpu.memref_squeeze %dma_wait3A_30 : memref<1x32x128xi32, #tpu.memory_space<hbm>> -> memref<32x128xi32, #tpu.memory_space<hbm>>
          %dma_wait3A_32 = arith.constant 0 : i32
          %dma_wait3A_33 = tpu.memref_slice %arg4[%arg1, %mul3A_16, %dma_wait3A_32] : memref<16x160x128xi32, #tpu.memory_space<hbm>> -> memref<1x32x128xi32, #tpu.memory_space<hbm>>
          %dma_wait3A_34 = tpu.memref_squeeze %dma_wait3A_33 : memref<1x32x128xi32, #tpu.memory_space<hbm>> -> memref<32x128xi32, #tpu.memory_space<hbm>>
          tpu.wait_dma2 semaphore(%run_scoped3A : memref<!tpu.dma_semaphore, #tpu.memory_space<semaphore_mem>>) src(%dma_wait3A_34 : memref<32x128xi32, #tpu.memory_space<hbm>>) dst(%arg9 : memref<32x128xi32, #tpu.memory_space<vmem>>)
          tpu.yield
        }) : () -> ()
        %mul3A_17 = arith.constant 32 : i32
        %mul3A_18 = arith.muli %scan3A_14, %mul3A_17 : i32
        "tpu.region"() ({
          %run_scoped3A = tpu.sem_alloc : memref<!tpu.dma_semaphore, #tpu.memory_space<semaphore_mem>>
          %dma_start3A = arith.constant 0 : i32
          %dma_start3A_25 = tpu.memref_slice %arg5[%arg1, %mul3A_18, %dma_start3A] : memref<16x160x128xi32, #tpu.memory_space<hbm>> -> memref<1x32x128xi32, #tpu.memory_space<hbm>>
          %dma_start3A_26 = tpu.memref_squeeze %dma_start3A_25 : memref<1x32x128xi32, #tpu.memory_space<hbm>> -> memref<32x128xi32, #tpu.memory_space<hbm>>
          %dma_start3A_27 = arith.constant 0 : i32
          %dma_start3A_28 = tpu.memref_slice %arg5[%arg1, %mul3A_18, %dma_start3A_27] : memref<16x160x128xi32, #tpu.memory_space<hbm>> -> memref<1x32x128xi32, #tpu.memory_space<hbm>>
          %dma_start3A_29 = tpu.memref_squeeze %dma_start3A_28 : memref<1x32x128xi32, #tpu.memory_space<hbm>> -> memref<32x128xi32, #tpu.memory_space<hbm>>
          tpu.enqueue_dma source(%dma_start3A_29 : memref<32x128xi32, #tpu.memory_space<hbm>>) target(%arg10 : memref<32x128xi32, #tpu.memory_space<vmem>>) target_semaphore(%run_scoped3A : memref<!tpu.dma_semaphore, #tpu.memory_space<semaphore_mem>>)
          %dma_wait3A = arith.constant 0 : i32
          %dma_wait3A_30 = tpu.memref_slice %arg5[%arg1, %mul3A_18, %dma_wait3A] : memref<16x160x128xi32, #tpu.memory_space<hbm>> -> memref<1x32x128xi32, #tpu.memory_space<hbm>>
          %dma_wait3A_31 = tpu.memref_squeeze %dma_wait3A_30 : memref<1x32x128xi32, #tpu.memory_space<hbm>> -> memref<32x128xi32, #tpu.memory_space<hbm>>
          %dma_wait3A_32 = arith.constant 0 : i32
          %dma_wait3A_33 = tpu.memref_slice %arg5[%arg1, %mul3A_18, %dma_wait3A_32] : memref<16x160x128xi32, #tpu.memory_space<hbm>> -> memref<1x32x128xi32, #tpu.memory_space<hbm>>
          %dma_wait3A_34 = tpu.memref_squeeze %dma_wait3A_33 : memref<1x32x128xi32, #tpu.memory_space<hbm>> -> memref<32x128xi32, #tpu.memory_space<hbm>>
          tpu.wait_dma2 semaphore(%run_scoped3A : memref<!tpu.dma_semaphore, #tpu.memory_space<semaphore_mem>>) src(%dma_wait3A_34 : memref<32x128xi32, #tpu.memory_space<hbm>>) dst(%arg10 : memref<32x128xi32, #tpu.memory_space<vmem>>)
          tpu.yield
        }) : () -> ()
        %scan3A_19 = arith.constant 0 : i32
        %scan3A_20 = arith.constant 0 : i32
        %scan3A_21 = arith.constant 32 : i32
        %scan3A_22 = arith.addi %scan3A_20, %scan3A_21 : i32
        %scan3A_23 = arith.constant 1 : i32
        scf.for %scan3A_25 = %scan3A_20 to %scan3A_22 step %scan3A_23  : i32 {
          %dma_start3A = arith.constant 0 : i32
          %dma_start3A_26 = tpu.memref_slice %arg9[%scan3A_25, %dma_start3A] : memref<32x128xi32, #tpu.memory_space<vmem>> -> memref<1x128xi32, #tpu.memory_space<vmem>>
          %dma_start3A_27 = tpu.memref_squeeze %dma_start3A_26 : memref<1x128xi32, #tpu.memory_space<vmem>> -> memref<128xi32, #tpu.memory_space<vmem>>
          %dma_start3A_28 = arith.constant 0 : i32
          %dma_start3A_29 = arith.constant 0 : i32
          %dma_start3A_30 = tpu.memref_slice %arg3[%dma_start3A_28, %dma_start3A_29] : memref<10000x128xf32, #tpu.memory_space<hbm>> -> memref<10000x128xf32, #tpu.memory_space<hbm>>
          tpu.enqueue_indirect_dma source(%dma_start3A_30 : memref<10000x128xf32, #tpu.memory_space<hbm>>) target(%arg11 : memref<128x128xf32, #tpu.memory_space<vmem>>) offsets(%dma_start3A_27 : memref<128xi32, #tpu.memory_space<vmem>>) semaphore(%arg13 : memref<!tpu.dma_semaphore, #tpu.memory_space<semaphore_mem>>)
          %dma_wait3A = arith.constant 0 : i32
          %dma_wait3A_31 = tpu.memref_slice %arg9[%scan3A_25, %dma_wait3A] : memref<32x128xi32, #tpu.memory_space<vmem>> -> memref<1x128xi32, #tpu.memory_space<vmem>>
          %dma_wait3A_32 = tpu.memref_squeeze %dma_wait3A_31 : memref<1x128xi32, #tpu.memory_space<vmem>> -> memref<128xi32, #tpu.memory_space<vmem>>
          %dma_wait3A_33 = arith.constant 0 : i32
          %dma_wait3A_34 = arith.constant 0 : i32
          %dma_wait3A_35 = tpu.memref_slice %arg3[%dma_wait3A_33, %dma_wait3A_34] : memref<10000x128xf32, #tpu.memory_space<hbm>> -> memref<10000x128xf32, #tpu.memory_space<hbm>>
          tpu.wait_indirect_dma semaphore(%arg13 : memref<!tpu.dma_semaphore, #tpu.memory_space<semaphore_mem>>) src(%dma_wait3A_35 : memref<10000x128xf32, #tpu.memory_space<hbm>>) dst(%arg11 : memref<128x128xf32, #tpu.memory_space<vmem>>)
          "tpu.region"() ({
            %run_scoped3A = tpu.sem_alloc : memref<!tpu.dma_semaphore, #tpu.memory_space<semaphore_mem>>
            %dma_start3A_36 = arith.constant 0 : i32
            %dma_start3A_37 = tpu.memref_slice %arg10[%scan3A_25, %dma_start3A_36] : memref<32x128xi32, #tpu.memory_space<vmem>> -> memref<1x128xi32, #tpu.memory_space<vmem>>
            %dma_start3A_38 = tpu.memref_squeeze %dma_start3A_37 : memref<1x128xi32, #tpu.memory_space<vmem>> -> memref<128xi32, #tpu.memory_space<vmem>>
            %dma_start3A_39 = arith.constant 0 : i32
            %dma_start3A_40 = arith.constant 0 : i32
            %dma_start3A_41 = tpu.memref_slice %arg12[%dma_start3A_39, %dma_start3A_40] : memref<10112x128xf32, #tpu.memory_space<vmem_shared>> -> memref<10112x128xf32, #tpu.memory_space<vmem_shared>>
            tpu.enqueue_indirect_dma source(%arg11 : memref<128x128xf32, #tpu.memory_space<vmem>>) target(%dma_start3A_41 : memref<10112x128xf32, #tpu.memory_space<vmem_shared>>) offsets(%dma_start3A_38 : memref<128xi32, #tpu.memory_space<vmem>>) semaphore(%run_scoped3A : memref<!tpu.dma_semaphore, #tpu.memory_space<semaphore_mem>>) {add = true}
            %dma_wait3A_42 = arith.constant 0 : i32
            %dma_wait3A_43 = tpu.memref_slice %arg10[%scan3A_25, %dma_wait3A_42] : memref<32x128xi32, #tpu.memory_space<vmem>> -> memref<1x128xi32, #tpu.memory_space<vmem>>
            %dma_wait3A_44 = tpu.memref_squeeze %dma_wait3A_43 : memref<1x128xi32, #tpu.memory_space<vmem>> -> memref<128xi32, #tpu.memory_space<vmem>>
            %dma_wait3A_45 = arith.constant 0 : i32
            %dma_wait3A_46 = arith.constant 0 : i32
            %dma_wait3A_47 = tpu.memref_slice %arg12[%dma_wait3A_45, %dma_wait3A_46] : memref<10112x128xf32, #tpu.memory_space<vmem_shared>> -> memref<10112x128xf32, #tpu.memory_space<vmem_shared>>
            tpu.wait_indirect_dma semaphore(%run_scoped3A : memref<!tpu.dma_semaphore, #tpu.memory_space<semaphore_mem>>) src(%arg11 : memref<128x128xf32, #tpu.memory_space<vmem>>) dst(%dma_wait3A_47 : memref<10112x128xf32, #tpu.memory_space<vmem_shared>>)
            tpu.yield
          }) : () -> ()
        }
        %scan3A_24 = arith.constant 32 : i32
      }
      %scan3A_12 = arith.constant 5 : i32
      %barrier3A_13 = arith.constant 0 : index
      tpu.barrier barrier_id(%barrier3A_13)
      "tpu.region"() ({
        %run_scoped3A = tpu.sem_alloc : memref<!tpu.dma_semaphore, #tpu.memory_space<semaphore_mem>>
        %dma_start3A = arith.constant 0 : i32
        %dma_start3A_14 = tpu.memref_slice %arg8[%mul3A_0, %dma_start3A] : memref<10112x128xf32, #tpu.memory_space<hbm>> -> memref<632x128xf32, #tpu.memory_space<hbm>>
        %dma_start3A_15 = arith.constant 0 : i32
        %dma_start3A_16 = tpu.memref_slice %arg12[%mul3A_0, %dma_start3A_15] : memref<10112x128xf32, #tpu.memory_space<vmem_shared>> -> memref<632x128xf32, #tpu.memory_space<vmem_shared>>
        tpu.enqueue_dma source(%dma_start3A_16 : memref<632x128xf32, #tpu.memory_space<vmem_shared>>) target(%dma_start3A_14 : memref<632x128xf32, #tpu.memory_space<hbm>>) target_semaphore(%run_scoped3A : memref<!tpu.dma_semaphore, #tpu.memory_space<semaphore_mem>>)
        %dma_wait3A = arith.constant 0 : i32
        %dma_wait3A_17 = tpu.memref_slice %arg8[%mul3A_0, %dma_wait3A] : memref<10112x128xf32, #tpu.memory_space<hbm>> -> memref<632x128xf32, #tpu.memory_space<hbm>>
        %dma_wait3A_18 = arith.constant 0 : i32
        %dma_wait3A_19 = tpu.memref_slice %arg12[%mul3A_0, %dma_wait3A_18] : memref<10112x128xf32, #tpu.memory_space<vmem_shared>> -> memref<632x128xf32, #tpu.memory_space<vmem_shared>>
        tpu.wait_dma2 semaphore(%run_scoped3A : memref<!tpu.dma_semaphore, #tpu.memory_space<semaphore_mem>>) src(%dma_wait3A_19 : memref<632x128xf32, #tpu.memory_space<vmem_shared>>) dst(%dma_wait3A_17 : memref<632x128xf32, #tpu.memory_space<hbm>>)
        tpu.yield
      }) : () -> ()
    } else {
    }
    return
  }
}

#map = affine_map<(d0, d1) -> (0, 0)>
#map1 = affine_map<(d0, d1) -> (0, 0, 0)>
module attributes {stable_mosaic.version = 14 : i64} {
  func.func @_sc_body(%arg0: i32, %arg1: i32, %arg2: memref<10000x128xf32, #tpu.memory_space<hbm>>, %arg3: memref<10000x128xf32, #tpu.memory_space<hbm>>, %arg4: memref<16x160x128xi32, #tpu.memory_space<hbm>>, %arg5: memref<16x160x128xi32, #tpu.memory_space<hbm>>, %arg6: memref<10112x128xf32, #tpu.memory_space<hbm>>, %arg7: memref<10112x128xf32, #tpu.memory_space<hbm>>, %arg8: memref<10112x128xf32, #tpu.memory_space<hbm>>, %arg9: memref<32x128xi32, #tpu.memory_space<vmem>>, %arg10: memref<32x128xi32, #tpu.memory_space<vmem>>, %arg11: memref<128x128xf32, #tpu.memory_space<vmem>>, %arg12: memref<10112x128xf32, #tpu.memory_space<vmem_shared>>, %arg13: memref<!tpu.dma_semaphore, #tpu.memory_space<semaphore_mem>>) attributes {dimension_semantics = [#tpu.dimension_semantics<core_parallel>, #tpu.dimension_semantics<subcore_parallel>], iteration_bounds = array<i64: 2, 16>, scalar_prefetch = 0 : i64, scratch_operands = 5 : i64, tpu.core_type = #tpu.core_type<sc_vector_subcore>, window_params = [{transform_indices = #map}, {transform_indices = #map}, {transform_indices = #map1}, {transform_indices = #map1}, {transform_indices = #map}, {transform_indices = #map}, {transform_indices = #map}]} {
    %mul3A = arith.constant 632 : i32
    %mul3A_0 = arith.muli %arg1, %mul3A : i32
    %eq3A = arith.constant 0 : i32
    %eq3A_1 = arith.cmpi eq, %arg0, %eq3A : i32
    %convert_element_type3A = arith.extui %eq3A_1 : i1 to i32
    %cond3A = arith.constant 0 : i32
    %cond3A_2 = arith.cmpi ne, %convert_element_type3A, %cond3A : i32
    scf.if %cond3A_2 {
      "tpu.region"() ({
        %run_scoped3A = tpu.sem_alloc : memref<!tpu.dma_semaphore, #tpu.memory_space<semaphore_mem>>
        %dma_start3A = arith.constant 0 : i32
        %dma_start3A_14 = tpu.memref_slice %arg12[%mul3A_0, %dma_start3A] : memref<10112x128xf32, #tpu.memory_space<vmem_shared>> -> memref<632x128xf32, #tpu.memory_space<vmem_shared>>
        %dma_start3A_15 = arith.constant 0 : i32
        %dma_start3A_16 = tpu.memref_slice %arg6[%mul3A_0, %dma_start3A_15] : memref<10112x128xf32, #tpu.memory_space<hbm>> -> memref<632x128xf32, #tpu.memory_space<hbm>>
        tpu.enqueue_dma source(%dma_start3A_16 : memref<632x128xf32, #tpu.memory_space<hbm>>) target(%dma_start3A_14 : memref<632x128xf32, #tpu.memory_space<vmem_shared>>) target_semaphore(%run_scoped3A : memref<!tpu.dma_semaphore, #tpu.memory_space<semaphore_mem>>)
        %dma_wait3A = arith.constant 0 : i32
        %dma_wait3A_17 = tpu.memref_slice %arg12[%mul3A_0, %dma_wait3A] : memref<10112x128xf32, #tpu.memory_space<vmem_shared>> -> memref<632x128xf32, #tpu.memory_space<vmem_shared>>
        %dma_wait3A_18 = arith.constant 0 : i32
        %dma_wait3A_19 = tpu.memref_slice %arg6[%mul3A_0, %dma_wait3A_18] : memref<10112x128xf32, #tpu.memory_space<hbm>> -> memref<632x128xf32, #tpu.memory_space<hbm>>
        tpu.wait_dma2 semaphore(%run_scoped3A : memref<!tpu.dma_semaphore, #tpu.memory_space<semaphore_mem>>) src(%dma_wait3A_19 : memref<632x128xf32, #tpu.memory_space<hbm>>) dst(%dma_wait3A_17 : memref<632x128xf32, #tpu.memory_space<vmem_shared>>)
        tpu.yield
      }) : () -> ()
      %barrier3A = arith.constant 0 : index
      tpu.barrier barrier_id(%barrier3A)
      %scan3A = arith.constant 0 : i32
      %scan3A_8 = arith.constant 0 : i32
      %scan3A_9 = arith.constant 5 : i32
      %scan3A_10 = arith.addi %scan3A_8, %scan3A_9 : i32
      %scan3A_11 = arith.constant 1 : i32
      scf.for %scan3A_14 = %scan3A_8 to %scan3A_10 step %scan3A_11  : i32 {
        %mul3A_15 = arith.constant 32 : i32
        %mul3A_16 = arith.muli %scan3A_14, %mul3A_15 : i32
        "tpu.region"() ({
          %run_scoped3A = tpu.sem_alloc : memref<!tpu.dma_semaphore, #tpu.memory_space<semaphore_mem>>
          %dma_start3A = arith.constant 0 : i32
          %dma_start3A_25 = tpu.memref_slice %arg4[%arg1, %mul3A_16, %dma_start3A] : memref<16x160x128xi32, #tpu.memory_space<hbm>> -> memref<1x32x128xi32, #tpu.memory_space<hbm>>
          %dma_start3A_26 = tpu.memref_squeeze %dma_start3A_25 : memref<1x32x128xi32, #tpu.memory_space<hbm>> -> memref<32x128xi32, #tpu.memory_space<hbm>>
          %dma_start3A_27 = arith.constant 0 : i32
          %dma_start3A_28 = tpu.memref_slice %arg4[%arg1, %mul3A_16, %dma_start3A_27] : memref<16x160x128xi32, #tpu.memory_space<hbm>> -> memref<1x32x128xi32, #tpu.memory_space<hbm>>
          %dma_start3A_29 = tpu.memref_squeeze %dma_start3A_28 : memref<1x32x128xi32, #tpu.memory_space<hbm>> -> memref<32x128xi32, #tpu.memory_space<hbm>>
          tpu.enqueue_dma source(%dma_start3A_29 : memref<32x128xi32, #tpu.memory_space<hbm>>) target(%arg9 : memref<32x128xi32, #tpu.memory_space<vmem>>) target_semaphore(%run_scoped3A : memref<!tpu.dma_semaphore, #tpu.memory_space<semaphore_mem>>)
          %dma_wait3A = arith.constant 0 : i32
          %dma_wait3A_30 = tpu.memref_slice %arg4[%arg1, %mul3A_16, %dma_wait3A] : memref<16x160x128xi32, #tpu.memory_space<hbm>> -> memref<1x32x128xi32, #tpu.memory_space<hbm>>
          %dma_wait3A_31 = tpu.memref_squeeze %dma_wait3A_30 : memref<1x32x128xi32, #tpu.memory_space<hbm>> -> memref<32x128xi32, #tpu.memory_space<hbm>>
          %dma_wait3A_32 = arith.constant 0 : i32
          %dma_wait3A_33 = tpu.memref_slice %arg4[%arg1, %mul3A_16, %dma_wait3A_32] : memref<16x160x128xi32, #tpu.memory_space<hbm>> -> memref<1x32x128xi32, #tpu.memory_space<hbm>>
          %dma_wait3A_34 = tpu.memref_squeeze %dma_wait3A_33 : memref<1x32x128xi32, #tpu.memory_space<hbm>> -> memref<32x128xi32, #tpu.memory_space<hbm>>
          tpu.wait_dma2 semaphore(%run_scoped3A : memref<!tpu.dma_semaphore, #tpu.memory_space<semaphore_mem>>) src(%dma_wait3A_34 : memref<32x128xi32, #tpu.memory_space<hbm>>) dst(%arg9 : memref<32x128xi32, #tpu.memory_space<vmem>>)
          tpu.yield
        }) : () -> ()
        %mul3A_17 = arith.constant 32 : i32
        %mul3A_18 = arith.muli %scan3A_14, %mul3A_17 : i32
        "tpu.region"() ({
          %run_scoped3A = tpu.sem_alloc : memref<!tpu.dma_semaphore, #tpu.memory_space<semaphore_mem>>
          %dma_start3A = arith.constant 0 : i32
          %dma_start3A_25 = tpu.memref_slice %arg5[%arg1, %mul3A_18, %dma_start3A] : memref<16x160x128xi32, #tpu.memory_space<hbm>> -> memref<1x32x128xi32, #tpu.memory_space<hbm>>
          %dma_start3A_26 = tpu.memref_squeeze %dma_start3A_25 : memref<1x32x128xi32, #tpu.memory_space<hbm>> -> memref<32x128xi32, #tpu.memory_space<hbm>>
          %dma_start3A_27 = arith.constant 0 : i32
          %dma_start3A_28 = tpu.memref_slice %arg5[%arg1, %mul3A_18, %dma_start3A_27] : memref<16x160x128xi32, #tpu.memory_space<hbm>> -> memref<1x32x128xi32, #tpu.memory_space<hbm>>
          %dma_start3A_29 = tpu.memref_squeeze %dma_start3A_28 : memref<1x32x128xi32, #tpu.memory_space<hbm>> -> memref<32x128xi32, #tpu.memory_space<hbm>>
          tpu.enqueue_dma source(%dma_start3A_29 : memref<32x128xi32, #tpu.memory_space<hbm>>) target(%arg10 : memref<32x128xi32, #tpu.memory_space<vmem>>) target_semaphore(%run_scoped3A : memref<!tpu.dma_semaphore, #tpu.memory_space<semaphore_mem>>)
          %dma_wait3A = arith.constant 0 : i32
          %dma_wait3A_30 = tpu.memref_slice %arg5[%arg1, %mul3A_18, %dma_wait3A] : memref<16x160x128xi32, #tpu.memory_space<hbm>> -> memref<1x32x128xi32, #tpu.memory_space<hbm>>
          %dma_wait3A_31 = tpu.memref_squeeze %dma_wait3A_30 : memref<1x32x128xi32, #tpu.memory_space<hbm>> -> memref<32x128xi32, #tpu.memory_space<hbm>>
          %dma_wait3A_32 = arith.constant 0 : i32
          %dma_wait3A_33 = tpu.memref_slice %arg5[%arg1, %mul3A_18, %dma_wait3A_32] : memref<16x160x128xi32, #tpu.memory_space<hbm>> -> memref<1x32x128xi32, #tpu.memory_space<hbm>>
          %dma_wait3A_34 = tpu.memref_squeeze %dma_wait3A_33 : memref<1x32x128xi32, #tpu.memory_space<hbm>> -> memref<32x128xi32, #tpu.memory_space<hbm>>
          tpu.wait_dma2 semaphore(%run_scoped3A : memref<!tpu.dma_semaphore, #tpu.memory_space<semaphore_mem>>) src(%dma_wait3A_34 : memref<32x128xi32, #tpu.memory_space<hbm>>) dst(%arg10 : memref<32x128xi32, #tpu.memory_space<vmem>>)
          tpu.yield
        }) : () -> ()
        %scan3A_19 = arith.constant 0 : i32
        %scan3A_20 = arith.constant 0 : i32
        %scan3A_21 = arith.constant 32 : i32
        %scan3A_22 = arith.addi %scan3A_20, %scan3A_21 : i32
        %scan3A_23 = arith.constant 1 : i32
        scf.for %scan3A_25 = %scan3A_20 to %scan3A_22 step %scan3A_23  : i32 {
          %dma_start3A = arith.constant 0 : i32
          %dma_start3A_26 = tpu.memref_slice %arg9[%scan3A_25, %dma_start3A] : memref<32x128xi32, #tpu.memory_space<vmem>> -> memref<1x128xi32, #tpu.memory_space<vmem>>
          %dma_start3A_27 = tpu.memref_squeeze %dma_start3A_26 : memref<1x128xi32, #tpu.memory_space<vmem>> -> memref<128xi32, #tpu.memory_space<vmem>>
          %dma_start3A_28 = arith.constant 0 : i32
          %dma_start3A_29 = arith.constant 0 : i32
          %dma_start3A_30 = tpu.memref_slice %arg2[%dma_start3A_28, %dma_start3A_29] : memref<10000x128xf32, #tpu.memory_space<hbm>> -> memref<10000x128xf32, #tpu.memory_space<hbm>>
          tpu.enqueue_indirect_dma source(%dma_start3A_30 : memref<10000x128xf32, #tpu.memory_space<hbm>>) target(%arg11 : memref<128x128xf32, #tpu.memory_space<vmem>>) offsets(%dma_start3A_27 : memref<128xi32, #tpu.memory_space<vmem>>) semaphore(%arg13 : memref<!tpu.dma_semaphore, #tpu.memory_space<semaphore_mem>>)
          %dma_wait3A = arith.constant 0 : i32
          %dma_wait3A_31 = tpu.memref_slice %arg9[%scan3A_25, %dma_wait3A] : memref<32x128xi32, #tpu.memory_space<vmem>> -> memref<1x128xi32, #tpu.memory_space<vmem>>
          %dma_wait3A_32 = tpu.memref_squeeze %dma_wait3A_31 : memref<1x128xi32, #tpu.memory_space<vmem>> -> memref<128xi32, #tpu.memory_space<vmem>>
          %dma_wait3A_33 = arith.constant 0 : i32
          %dma_wait3A_34 = arith.constant 0 : i32
          %dma_wait3A_35 = tpu.memref_slice %arg2[%dma_wait3A_33, %dma_wait3A_34] : memref<10000x128xf32, #tpu.memory_space<hbm>> -> memref<10000x128xf32, #tpu.memory_space<hbm>>
          tpu.wait_indirect_dma semaphore(%arg13 : memref<!tpu.dma_semaphore, #tpu.memory_space<semaphore_mem>>) src(%dma_wait3A_35 : memref<10000x128xf32, #tpu.memory_space<hbm>>) dst(%arg11 : memref<128x128xf32, #tpu.memory_space<vmem>>)
          "tpu.region"() ({
            %run_scoped3A = tpu.sem_alloc : memref<!tpu.dma_semaphore, #tpu.memory_space<semaphore_mem>>
            %dma_start3A_36 = arith.constant 0 : i32
            %dma_start3A_37 = tpu.memref_slice %arg10[%scan3A_25, %dma_start3A_36] : memref<32x128xi32, #tpu.memory_space<vmem>> -> memref<1x128xi32, #tpu.memory_space<vmem>>
            %dma_start3A_38 = tpu.memref_squeeze %dma_start3A_37 : memref<1x128xi32, #tpu.memory_space<vmem>> -> memref<128xi32, #tpu.memory_space<vmem>>
            %dma_start3A_39 = arith.constant 0 : i32
            %dma_start3A_40 = arith.constant 0 : i32
            %dma_start3A_41 = tpu.memref_slice %arg12[%dma_start3A_39, %dma_start3A_40] : memref<10112x128xf32, #tpu.memory_space<vmem_shared>> -> memref<10112x128xf32, #tpu.memory_space<vmem_shared>>
            tpu.enqueue_indirect_dma source(%arg11 : memref<128x128xf32, #tpu.memory_space<vmem>>) target(%dma_start3A_41 : memref<10112x128xf32, #tpu.memory_space<vmem_shared>>) offsets(%dma_start3A_38 : memref<128xi32, #tpu.memory_space<vmem>>) semaphore(%run_scoped3A : memref<!tpu.dma_semaphore, #tpu.memory_space<semaphore_mem>>) {add = true}
            %dma_wait3A_42 = arith.constant 0 : i32
            %dma_wait3A_43 = tpu.memref_slice %arg10[%scan3A_25, %dma_wait3A_42] : memref<32x128xi32, #tpu.memory_space<vmem>> -> memref<1x128xi32, #tpu.memory_space<vmem>>
            %dma_wait3A_44 = tpu.memref_squeeze %dma_wait3A_43 : memref<1x128xi32, #tpu.memory_space<vmem>> -> memref<128xi32, #tpu.memory_space<vmem>>
            %dma_wait3A_45 = arith.constant 0 : i32
            %dma_wait3A_46 = arith.constant 0 : i32
            %dma_wait3A_47 = tpu.memref_slice %arg12[%dma_wait3A_45, %dma_wait3A_46] : memref<10112x128xf32, #tpu.memory_space<vmem_shared>> -> memref<10112x128xf32, #tpu.memory_space<vmem_shared>>
            tpu.wait_indirect_dma semaphore(%run_scoped3A : memref<!tpu.dma_semaphore, #tpu.memory_space<semaphore_mem>>) src(%arg11 : memref<128x128xf32, #tpu.memory_space<vmem>>) dst(%dma_wait3A_47 : memref<10112x128xf32, #tpu.memory_space<vmem_shared>>)
            tpu.yield
          }) : () -> ()
        }
        %scan3A_24 = arith.constant 32 : i32
      }
      %scan3A_12 = arith.constant 5 : i32
      %barrier3A_13 = arith.constant 0 : index
      tpu.barrier barrier_id(%barrier3A_13)
      "tpu.region"() ({
        %run_scoped3A = tpu.sem_alloc : memref<!tpu.dma_semaphore, #tpu.memory_space<semaphore_mem>>
        %dma_start3A = arith.constant 0 : i32
        %dma_start3A_14 = tpu.memref_slice %arg7[%mul3A_0, %dma_start3A] : memref<10112x128xf32, #tpu.memory_space<hbm>> -> memref<632x128xf32, #tpu.memory_space<hbm>>
        %dma_start3A_15 = arith.constant 0 : i32
        %dma_start3A_16 = tpu.memref_slice %arg12[%mul3A_0, %dma_start3A_15] : memref<10112x128xf32, #tpu.memory_space<vmem_shared>> -> memref<632x128xf32, #tpu.memory_space<vmem_shared>>
        tpu.enqueue_dma source(%dma_start3A_16 : memref<632x128xf32, #tpu.memory_space<vmem_shared>>) target(%dma_start3A_14 : memref<632x128xf32, #tpu.memory_space<hbm>>) target_semaphore(%run_scoped3A : memref<!tpu.dma_semaphore, #tpu.memory_space<semaphore_mem>>)
        %dma_wait3A = arith.constant 0 : i32
        %dma_wait3A_17 = tpu.memref_slice %arg7[%mul3A_0, %dma_wait3A] : memref<10112x128xf32, #tpu.memory_space<hbm>> -> memref<632x128xf32, #tpu.memory_space<hbm>>
        %dma_wait3A_18 = arith.constant 0 : i32
        %dma_wait3A_19 = tpu.memref_slice %arg12[%mul3A_0, %dma_wait3A_18] : memref<10112x128xf32, #tpu.memory_space<vmem_shared>> -> memref<632x128xf32, #tpu.memory_space<vmem_shared>>
        tpu.wait_dma2 semaphore(%run_scoped3A : memref<!tpu.dma_semaphore, #tpu.memory_space<semaphore_mem>>) src(%dma_wait3A_19 : memref<632x128xf32, #tpu.memory_space<vmem_shared>>) dst(%dma_wait3A_17 : memref<632x128xf32, #tpu.memory_space<hbm>>)
        tpu.yield
      }) : () -> ()
    } else {
    }
    %eq3A_3 = arith.constant 1 : i32
    %eq3A_4 = arith.cmpi eq, %arg0, %eq3A_3 : i32
    %convert_element_type3A_5 = arith.extui %eq3A_4 : i1 to i32
    %cond3A_6 = arith.constant 0 : i32
    %cond3A_7 = arith.cmpi ne, %convert_element_type3A_5, %cond3A_6 : i32
    scf.if %cond3A_7 {
      "tpu.region"() ({
        %run_scoped3A = tpu.sem_alloc : memref<!tpu.dma_semaphore, #tpu.memory_space<semaphore_mem>>
        %dma_start3A = arith.constant 0 : i32
        %dma_start3A_14 = tpu.memref_slice %arg12[%mul3A_0, %dma_start3A] : memref<10112x128xf32, #tpu.memory_space<vmem_shared>> -> memref<632x128xf32, #tpu.memory_space<vmem_shared>>
        %dma_start3A_15 = arith.constant 0 : i32
        %dma_start3A_16 = tpu.memref_slice %arg6[%mul3A_0, %dma_start3A_15] : memref<10112x128xf32, #tpu.memory_space<hbm>> -> memref<632x128xf32, #tpu.memory_space<hbm>>
        tpu.enqueue_dma source(%dma_start3A_16 : memref<632x128xf32, #tpu.memory_space<hbm>>) target(%dma_start3A_14 : memref<632x128xf32, #tpu.memory_space<vmem_shared>>) target_semaphore(%run_scoped3A : memref<!tpu.dma_semaphore, #tpu.memory_space<semaphore_mem>>)
        %dma_wait3A = arith.constant 0 : i32
        %dma_wait3A_17 = tpu.memref_slice %arg12[%mul3A_0, %dma_wait3A] : memref<10112x128xf32, #tpu.memory_space<vmem_shared>> -> memref<632x128xf32, #tpu.memory_space<vmem_shared>>
        %dma_wait3A_18 = arith.constant 0 : i32
        %dma_wait3A_19 = tpu.memref_slice %arg6[%mul3A_0, %dma_wait3A_18] : memref<10112x128xf32, #tpu.memory_space<hbm>> -> memref<632x128xf32, #tpu.memory_space<hbm>>
        tpu.wait_dma2 semaphore(%run_scoped3A : memref<!tpu.dma_semaphore, #tpu.memory_space<semaphore_mem>>) src(%dma_wait3A_19 : memref<632x128xf32, #tpu.memory_space<hbm>>) dst(%dma_wait3A_17 : memref<632x128xf32, #tpu.memory_space<vmem_shared>>)
        tpu.yield
      }) : () -> ()
      %barrier3A = arith.constant 0 : index
      tpu.barrier barrier_id(%barrier3A)
      %scan3A = arith.constant 0 : i32
      %scan3A_8 = arith.constant 0 : i32
      %scan3A_9 = arith.constant 5 : i32
      %scan3A_10 = arith.addi %scan3A_8, %scan3A_9 : i32
      %scan3A_11 = arith.constant 1 : i32
      scf.for %scan3A_14 = %scan3A_8 to %scan3A_10 step %scan3A_11  : i32 {
        %mul3A_15 = arith.constant 32 : i32
        %mul3A_16 = arith.muli %scan3A_14, %mul3A_15 : i32
        "tpu.region"() ({
          %run_scoped3A = tpu.sem_alloc : memref<!tpu.dma_semaphore, #tpu.memory_space<semaphore_mem>>
          %dma_start3A = arith.constant 0 : i32
          %dma_start3A_25 = tpu.memref_slice %arg4[%arg1, %mul3A_16, %dma_start3A] : memref<16x160x128xi32, #tpu.memory_space<hbm>> -> memref<1x32x128xi32, #tpu.memory_space<hbm>>
          %dma_start3A_26 = tpu.memref_squeeze %dma_start3A_25 : memref<1x32x128xi32, #tpu.memory_space<hbm>> -> memref<32x128xi32, #tpu.memory_space<hbm>>
          %dma_start3A_27 = arith.constant 0 : i32
          %dma_start3A_28 = tpu.memref_slice %arg4[%arg1, %mul3A_16, %dma_start3A_27] : memref<16x160x128xi32, #tpu.memory_space<hbm>> -> memref<1x32x128xi32, #tpu.memory_space<hbm>>
          %dma_start3A_29 = tpu.memref_squeeze %dma_start3A_28 : memref<1x32x128xi32, #tpu.memory_space<hbm>> -> memref<32x128xi32, #tpu.memory_space<hbm>>
          tpu.enqueue_dma source(%dma_start3A_29 : memref<32x128xi32, #tpu.memory_space<hbm>>) target(%arg9 : memref<32x128xi32, #tpu.memory_space<vmem>>) target_semaphore(%run_scoped3A : memref<!tpu.dma_semaphore, #tpu.memory_space<semaphore_mem>>)
          %dma_wait3A = arith.constant 0 : i32
          %dma_wait3A_30 = tpu.memref_slice %arg4[%arg1, %mul3A_16, %dma_wait3A] : memref<16x160x128xi32, #tpu.memory_space<hbm>> -> memref<1x32x128xi32, #tpu.memory_space<hbm>>
          %dma_wait3A_31 = tpu.memref_squeeze %dma_wait3A_30 : memref<1x32x128xi32, #tpu.memory_space<hbm>> -> memref<32x128xi32, #tpu.memory_space<hbm>>
          %dma_wait3A_32 = arith.constant 0 : i32
          %dma_wait3A_33 = tpu.memref_slice %arg4[%arg1, %mul3A_16, %dma_wait3A_32] : memref<16x160x128xi32, #tpu.memory_space<hbm>> -> memref<1x32x128xi32, #tpu.memory_space<hbm>>
          %dma_wait3A_34 = tpu.memref_squeeze %dma_wait3A_33 : memref<1x32x128xi32, #tpu.memory_space<hbm>> -> memref<32x128xi32, #tpu.memory_space<hbm>>
          tpu.wait_dma2 semaphore(%run_scoped3A : memref<!tpu.dma_semaphore, #tpu.memory_space<semaphore_mem>>) src(%dma_wait3A_34 : memref<32x128xi32, #tpu.memory_space<hbm>>) dst(%arg9 : memref<32x128xi32, #tpu.memory_space<vmem>>)
          tpu.yield
        }) : () -> ()
        %mul3A_17 = arith.constant 32 : i32
        %mul3A_18 = arith.muli %scan3A_14, %mul3A_17 : i32
        "tpu.region"() ({
          %run_scoped3A = tpu.sem_alloc : memref<!tpu.dma_semaphore, #tpu.memory_space<semaphore_mem>>
          %dma_start3A = arith.constant 0 : i32
          %dma_start3A_25 = tpu.memref_slice %arg5[%arg1, %mul3A_18, %dma_start3A] : memref<16x160x128xi32, #tpu.memory_space<hbm>> -> memref<1x32x128xi32, #tpu.memory_space<hbm>>
          %dma_start3A_26 = tpu.memref_squeeze %dma_start3A_25 : memref<1x32x128xi32, #tpu.memory_space<hbm>> -> memref<32x128xi32, #tpu.memory_space<hbm>>
          %dma_start3A_27 = arith.constant 0 : i32
          %dma_start3A_28 = tpu.memref_slice %arg5[%arg1, %mul3A_18, %dma_start3A_27] : memref<16x160x128xi32, #tpu.memory_space<hbm>> -> memref<1x32x128xi32, #tpu.memory_space<hbm>>
          %dma_start3A_29 = tpu.memref_squeeze %dma_start3A_28 : memref<1x32x128xi32, #tpu.memory_space<hbm>> -> memref<32x128xi32, #tpu.memory_space<hbm>>
          tpu.enqueue_dma source(%dma_start3A_29 : memref<32x128xi32, #tpu.memory_space<hbm>>) target(%arg10 : memref<32x128xi32, #tpu.memory_space<vmem>>) target_semaphore(%run_scoped3A : memref<!tpu.dma_semaphore, #tpu.memory_space<semaphore_mem>>)
          %dma_wait3A = arith.constant 0 : i32
          %dma_wait3A_30 = tpu.memref_slice %arg5[%arg1, %mul3A_18, %dma_wait3A] : memref<16x160x128xi32, #tpu.memory_space<hbm>> -> memref<1x32x128xi32, #tpu.memory_space<hbm>>
          %dma_wait3A_31 = tpu.memref_squeeze %dma_wait3A_30 : memref<1x32x128xi32, #tpu.memory_space<hbm>> -> memref<32x128xi32, #tpu.memory_space<hbm>>
          %dma_wait3A_32 = arith.constant 0 : i32
          %dma_wait3A_33 = tpu.memref_slice %arg5[%arg1, %mul3A_18, %dma_wait3A_32] : memref<16x160x128xi32, #tpu.memory_space<hbm>> -> memref<1x32x128xi32, #tpu.memory_space<hbm>>
          %dma_wait3A_34 = tpu.memref_squeeze %dma_wait3A_33 : memref<1x32x128xi32, #tpu.memory_space<hbm>> -> memref<32x128xi32, #tpu.memory_space<hbm>>
          tpu.wait_dma2 semaphore(%run_scoped3A : memref<!tpu.dma_semaphore, #tpu.memory_space<semaphore_mem>>) src(%dma_wait3A_34 : memref<32x128xi32, #tpu.memory_space<hbm>>) dst(%arg10 : memref<32x128xi32, #tpu.memory_space<vmem>>)
          tpu.yield
        }) : () -> ()
        %scan3A_19 = arith.constant 0 : i32
        %scan3A_20 = arith.constant 0 : i32
        %scan3A_21 = arith.constant 32 : i32
        %scan3A_22 = arith.addi %scan3A_20, %scan3A_21 : i32
        %scan3A_23 = arith.constant 1 : i32
        scf.for %scan3A_25 = %scan3A_20 to %scan3A_22 step %scan3A_23  : i32 {
          %dma_start3A = arith.constant 0 : i32
          %dma_start3A_26 = tpu.memref_slice %arg9[%scan3A_25, %dma_start3A] : memref<32x128xi32, #tpu.memory_space<vmem>> -> memref<1x128xi32, #tpu.memory_space<vmem>>
          %dma_start3A_27 = tpu.memref_squeeze %dma_start3A_26 : memref<1x128xi32, #tpu.memory_space<vmem>> -> memref<128xi32, #tpu.memory_space<vmem>>
          %dma_start3A_28 = arith.constant 0 : i32
          %dma_start3A_29 = arith.constant 0 : i32
          %dma_start3A_30 = tpu.memref_slice %arg3[%dma_start3A_28, %dma_start3A_29] : memref<10000x128xf32, #tpu.memory_space<hbm>> -> memref<10000x128xf32, #tpu.memory_space<hbm>>
          tpu.enqueue_indirect_dma source(%dma_start3A_30 : memref<10000x128xf32, #tpu.memory_space<hbm>>) target(%arg11 : memref<128x128xf32, #tpu.memory_space<vmem>>) offsets(%dma_start3A_27 : memref<128xi32, #tpu.memory_space<vmem>>) semaphore(%arg13 : memref<!tpu.dma_semaphore, #tpu.memory_space<semaphore_mem>>)
          %dma_wait3A = arith.constant 0 : i32
          %dma_wait3A_31 = tpu.memref_slice %arg9[%scan3A_25, %dma_wait3A] : memref<32x128xi32, #tpu.memory_space<vmem>> -> memref<1x128xi32, #tpu.memory_space<vmem>>
          %dma_wait3A_32 = tpu.memref_squeeze %dma_wait3A_31 : memref<1x128xi32, #tpu.memory_space<vmem>> -> memref<128xi32, #tpu.memory_space<vmem>>
          %dma_wait3A_33 = arith.constant 0 : i32
          %dma_wait3A_34 = arith.constant 0 : i32
          %dma_wait3A_35 = tpu.memref_slice %arg3[%dma_wait3A_33, %dma_wait3A_34] : memref<10000x128xf32, #tpu.memory_space<hbm>> -> memref<10000x128xf32, #tpu.memory_space<hbm>>
          tpu.wait_indirect_dma semaphore(%arg13 : memref<!tpu.dma_semaphore, #tpu.memory_space<semaphore_mem>>) src(%dma_wait3A_35 : memref<10000x128xf32, #tpu.memory_space<hbm>>) dst(%arg11 : memref<128x128xf32, #tpu.memory_space<vmem>>)
          "tpu.region"() ({
            %run_scoped3A = tpu.sem_alloc : memref<!tpu.dma_semaphore, #tpu.memory_space<semaphore_mem>>
            %dma_start3A_36 = arith.constant 0 : i32
            %dma_start3A_37 = tpu.memref_slice %arg10[%scan3A_25, %dma_start3A_36] : memref<32x128xi32, #tpu.memory_space<vmem>> -> memref<1x128xi32, #tpu.memory_space<vmem>>
            %dma_start3A_38 = tpu.memref_squeeze %dma_start3A_37 : memref<1x128xi32, #tpu.memory_space<vmem>> -> memref<128xi32, #tpu.memory_space<vmem>>
            %dma_start3A_39 = arith.constant 0 : i32
            %dma_start3A_40 = arith.constant 0 : i32
            %dma_start3A_41 = tpu.memref_slice %arg12[%dma_start3A_39, %dma_start3A_40] : memref<10112x128xf32, #tpu.memory_space<vmem_shared>> -> memref<10112x128xf32, #tpu.memory_space<vmem_shared>>
            tpu.enqueue_indirect_dma source(%arg11 : memref<128x128xf32, #tpu.memory_space<vmem>>) target(%dma_start3A_41 : memref<10112x128xf32, #tpu.memory_space<vmem_shared>>) offsets(%dma_start3A_38 : memref<128xi32, #tpu.memory_space<vmem>>) semaphore(%run_scoped3A : memref<!tpu.dma_semaphore, #tpu.memory_space<semaphore_mem>>) {add = true}
            %dma_wait3A_42 = arith.constant 0 : i32
            %dma_wait3A_43 = tpu.memref_slice %arg10[%scan3A_25, %dma_wait3A_42] : memref<32x128xi32, #tpu.memory_space<vmem>> -> memref<1x128xi32, #tpu.memory_space<vmem>>
            %dma_wait3A_44 = tpu.memref_squeeze %dma_wait3A_43 : memref<1x128xi32, #tpu.memory_space<vmem>> -> memref<128xi32, #tpu.memory_space<vmem>>
            %dma_wait3A_45 = arith.constant 0 : i32
            %dma_wait3A_46 = arith.constant 0 : i32
            %dma_wait3A_47 = tpu.memref_slice %arg12[%dma_wait3A_45, %dma_wait3A_46] : memref<10112x128xf32, #tpu.memory_space<vmem_shared>> -> memref<10112x128xf32, #tpu.memory_space<vmem_shared>>
            tpu.wait_indirect_dma semaphore(%run_scoped3A : memref<!tpu.dma_semaphore, #tpu.memory_space<semaphore_mem>>) src(%arg11 : memref<128x128xf32, #tpu.memory_space<vmem>>) dst(%dma_wait3A_47 : memref<10112x128xf32, #tpu.memory_space<vmem_shared>>)
            tpu.yield
          }) : () -> ()
        }
        %scan3A_24 = arith.constant 32 : i32
      }
      %scan3A_12 = arith.constant 5 : i32
      %barrier3A_13 = arith.constant 0 : index
      tpu.barrier barrier_id(%barrier3A_13)
      "tpu.region"() ({
        %run_scoped3A = tpu.sem_alloc : memref<!tpu.dma_semaphore, #tpu.memory_space<semaphore_mem>>
        %dma_start3A = arith.constant 0 : i32
        %dma_start3A_14 = tpu.memref_slice %arg8[%mul3A_0, %dma_start3A] : memref<10112x128xf32, #tpu.memory_space<hbm>> -> memref<632x128xf32, #tpu.memory_space<hbm>>
        %dma_start3A_15 = arith.constant 0 : i32
        %dma_start3A_16 = tpu.memref_slice %arg12[%mul3A_0, %dma_start3A_15] : memref<10112x128xf32, #tpu.memory_space<vmem_shared>> -> memref<632x128xf32, #tpu.memory_space<vmem_shared>>
        tpu.enqueue_dma source(%dma_start3A_16 : memref<632x128xf32, #tpu.memory_space<vmem_shared>>) target(%dma_start3A_14 : memref<632x128xf32, #tpu.memory_space<hbm>>) target_semaphore(%run_scoped3A : memref<!tpu.dma_semaphore, #tpu.memory_space<semaphore_mem>>)
        %dma_wait3A = arith.constant 0 : i32
        %dma_wait3A_17 = tpu.memref_slice %arg8[%mul3A_0, %dma_wait3A] : memref<10112x128xf32, #tpu.memory_space<hbm>> -> memref<632x128xf32, #tpu.memory_space<hbm>>
        %dma_wait3A_18 = arith.constant 0 : i32
        %dma_wait3A_19 = tpu.memref_slice %arg12[%mul3A_0, %dma_wait3A_18] : memref<10112x128xf32, #tpu.memory_space<vmem_shared>> -> memref<632x128xf32, #tpu.memory_space<vmem_shared>>
        tpu.wait_dma2 semaphore(%run_scoped3A : memref<!tpu.dma_semaphore, #tpu.memory_space<semaphore_mem>>) src(%dma_wait3A_19 : memref<632x128xf32, #tpu.memory_space<vmem_shared>>) dst(%dma_wait3A_17 : memref<632x128xf32, #tpu.memory_space<hbm>>)
        tpu.yield
      }) : () -> ()
    } else {
    }
    return
  }
}

#map = affine_map<(d0, d1) -> (0, 0)>
#map1 = affine_map<(d0, d1) -> (0, 0, 0)>
module attributes {stable_mosaic.version = 14 : i64} {
  func.func @_sc_body(%arg0: i32, %arg1: i32, %arg2: memref<10000x128xf32, #tpu.memory_space<hbm>>, %arg3: memref<10000x128xf32, #tpu.memory_space<hbm>>, %arg4: memref<16x160x128xi32, #tpu.memory_space<hbm>>, %arg5: memref<16x160x128xi32, #tpu.memory_space<hbm>>, %arg6: memref<10112x128xf32, #tpu.memory_space<hbm>>, %arg7: memref<10112x128xf32, #tpu.memory_space<hbm>>, %arg8: memref<10112x128xf32, #tpu.memory_space<hbm>>, %arg9: memref<32x128xi32, #tpu.memory_space<vmem>>, %arg10: memref<32x128xi32, #tpu.memory_space<vmem>>, %arg11: memref<128x128xf32, #tpu.memory_space<vmem>>, %arg12: memref<10112x128xf32, #tpu.memory_space<vmem_shared>>, %arg13: memref<!tpu.dma_semaphore, #tpu.memory_space<semaphore_mem>>) attributes {dimension_semantics = [#tpu.dimension_semantics<core_parallel>, #tpu.dimension_semantics<subcore_parallel>], iteration_bounds = array<i64: 2, 16>, scalar_prefetch = 0 : i64, scratch_operands = 5 : i64, tpu.core_type = #tpu.core_type<sc_vector_subcore>, window_params = [{transform_indices = #map}, {transform_indices = #map}, {transform_indices = #map1}, {transform_indices = #map1}, {transform_indices = #map}, {transform_indices = #map}, {transform_indices = #map}]} {
    %mul3A = arith.constant 632 : i32
    %mul3A_0 = arith.muli %arg1, %mul3A : i32
    %eq3A = arith.constant 0 : i32
    %eq3A_1 = arith.cmpi eq, %arg0, %eq3A : i32
    %convert_element_type3A = arith.extui %eq3A_1 : i1 to i32
    %cond3A = arith.constant 0 : i32
    %cond3A_2 = arith.cmpi ne, %convert_element_type3A, %cond3A : i32
    scf.if %cond3A_2 {
      "tpu.region"() ({
        %run_scoped3A = tpu.sem_alloc : memref<!tpu.dma_semaphore, #tpu.memory_space<semaphore_mem>>
        %dma_start3A = arith.constant 0 : i32
        %dma_start3A_14 = tpu.memref_slice %arg12[%mul3A_0, %dma_start3A] : memref<10112x128xf32, #tpu.memory_space<vmem_shared>> -> memref<632x128xf32, #tpu.memory_space<vmem_shared>>
        %dma_start3A_15 = arith.constant 0 : i32
        %dma_start3A_16 = tpu.memref_slice %arg6[%mul3A_0, %dma_start3A_15] : memref<10112x128xf32, #tpu.memory_space<hbm>> -> memref<632x128xf32, #tpu.memory_space<hbm>>
        tpu.enqueue_dma source(%dma_start3A_16 : memref<632x128xf32, #tpu.memory_space<hbm>>) target(%dma_start3A_14 : memref<632x128xf32, #tpu.memory_space<vmem_shared>>) target_semaphore(%run_scoped3A : memref<!tpu.dma_semaphore, #tpu.memory_space<semaphore_mem>>)
        %dma_wait3A = arith.constant 0 : i32
        %dma_wait3A_17 = tpu.memref_slice %arg12[%mul3A_0, %dma_wait3A] : memref<10112x128xf32, #tpu.memory_space<vmem_shared>> -> memref<632x128xf32, #tpu.memory_space<vmem_shared>>
        %dma_wait3A_18 = arith.constant 0 : i32
        %dma_wait3A_19 = tpu.memref_slice %arg6[%mul3A_0, %dma_wait3A_18] : memref<10112x128xf32, #tpu.memory_space<hbm>> -> memref<632x128xf32, #tpu.memory_space<hbm>>
        tpu.wait_dma2 semaphore(%run_scoped3A : memref<!tpu.dma_semaphore, #tpu.memory_space<semaphore_mem>>) src(%dma_wait3A_19 : memref<632x128xf32, #tpu.memory_space<hbm>>) dst(%dma_wait3A_17 : memref<632x128xf32, #tpu.memory_space<vmem_shared>>)
        tpu.yield
      }) : () -> ()
      %barrier3A = arith.constant 0 : index
      tpu.barrier barrier_id(%barrier3A)
      %scan3A = arith.constant 0 : i32
      %scan3A_8 = arith.constant 0 : i32
      %scan3A_9 = arith.constant 5 : i32
      %scan3A_10 = arith.addi %scan3A_8, %scan3A_9 : i32
      %scan3A_11 = arith.constant 1 : i32
      scf.for %scan3A_14 = %scan3A_8 to %scan3A_10 step %scan3A_11  : i32 {
        %mul3A_15 = arith.constant 32 : i32
        %mul3A_16 = arith.muli %scan3A_14, %mul3A_15 : i32
        "tpu.region"() ({
          %run_scoped3A = tpu.sem_alloc : memref<!tpu.dma_semaphore, #tpu.memory_space<semaphore_mem>>
          %dma_start3A = arith.constant 0 : i32
          %dma_start3A_25 = tpu.memref_slice %arg4[%arg1, %mul3A_16, %dma_start3A] : memref<16x160x128xi32, #tpu.memory_space<hbm>> -> memref<1x32x128xi32, #tpu.memory_space<hbm>>
          %dma_start3A_26 = tpu.memref_squeeze %dma_start3A_25 : memref<1x32x128xi32, #tpu.memory_space<hbm>> -> memref<32x128xi32, #tpu.memory_space<hbm>>
          %dma_start3A_27 = arith.constant 0 : i32
          %dma_start3A_28 = tpu.memref_slice %arg4[%arg1, %mul3A_16, %dma_start3A_27] : memref<16x160x128xi32, #tpu.memory_space<hbm>> -> memref<1x32x128xi32, #tpu.memory_space<hbm>>
          %dma_start3A_29 = tpu.memref_squeeze %dma_start3A_28 : memref<1x32x128xi32, #tpu.memory_space<hbm>> -> memref<32x128xi32, #tpu.memory_space<hbm>>
          tpu.enqueue_dma source(%dma_start3A_29 : memref<32x128xi32, #tpu.memory_space<hbm>>) target(%arg9 : memref<32x128xi32, #tpu.memory_space<vmem>>) target_semaphore(%run_scoped3A : memref<!tpu.dma_semaphore, #tpu.memory_space<semaphore_mem>>)
          %dma_wait3A = arith.constant 0 : i32
          %dma_wait3A_30 = tpu.memref_slice %arg4[%arg1, %mul3A_16, %dma_wait3A] : memref<16x160x128xi32, #tpu.memory_space<hbm>> -> memref<1x32x128xi32, #tpu.memory_space<hbm>>
          %dma_wait3A_31 = tpu.memref_squeeze %dma_wait3A_30 : memref<1x32x128xi32, #tpu.memory_space<hbm>> -> memref<32x128xi32, #tpu.memory_space<hbm>>
          %dma_wait3A_32 = arith.constant 0 : i32
          %dma_wait3A_33 = tpu.memref_slice %arg4[%arg1, %mul3A_16, %dma_wait3A_32] : memref<16x160x128xi32, #tpu.memory_space<hbm>> -> memref<1x32x128xi32, #tpu.memory_space<hbm>>
          %dma_wait3A_34 = tpu.memref_squeeze %dma_wait3A_33 : memref<1x32x128xi32, #tpu.memory_space<hbm>> -> memref<32x128xi32, #tpu.memory_space<hbm>>
          tpu.wait_dma2 semaphore(%run_scoped3A : memref<!tpu.dma_semaphore, #tpu.memory_space<semaphore_mem>>) src(%dma_wait3A_34 : memref<32x128xi32, #tpu.memory_space<hbm>>) dst(%arg9 : memref<32x128xi32, #tpu.memory_space<vmem>>)
          tpu.yield
        }) : () -> ()
        %mul3A_17 = arith.constant 32 : i32
        %mul3A_18 = arith.muli %scan3A_14, %mul3A_17 : i32
        "tpu.region"() ({
          %run_scoped3A = tpu.sem_alloc : memref<!tpu.dma_semaphore, #tpu.memory_space<semaphore_mem>>
          %dma_start3A = arith.constant 0 : i32
          %dma_start3A_25 = tpu.memref_slice %arg5[%arg1, %mul3A_18, %dma_start3A] : memref<16x160x128xi32, #tpu.memory_space<hbm>> -> memref<1x32x128xi32, #tpu.memory_space<hbm>>
          %dma_start3A_26 = tpu.memref_squeeze %dma_start3A_25 : memref<1x32x128xi32, #tpu.memory_space<hbm>> -> memref<32x128xi32, #tpu.memory_space<hbm>>
          %dma_start3A_27 = arith.constant 0 : i32
          %dma_start3A_28 = tpu.memref_slice %arg5[%arg1, %mul3A_18, %dma_start3A_27] : memref<16x160x128xi32, #tpu.memory_space<hbm>> -> memref<1x32x128xi32, #tpu.memory_space<hbm>>
          %dma_start3A_29 = tpu.memref_squeeze %dma_start3A_28 : memref<1x32x128xi32, #tpu.memory_space<hbm>> -> memref<32x128xi32, #tpu.memory_space<hbm>>
          tpu.enqueue_dma source(%dma_start3A_29 : memref<32x128xi32, #tpu.memory_space<hbm>>) target(%arg10 : memref<32x128xi32, #tpu.memory_space<vmem>>) target_semaphore(%run_scoped3A : memref<!tpu.dma_semaphore, #tpu.memory_space<semaphore_mem>>)
          %dma_wait3A = arith.constant 0 : i32
          %dma_wait3A_30 = tpu.memref_slice %arg5[%arg1, %mul3A_18, %dma_wait3A] : memref<16x160x128xi32, #tpu.memory_space<hbm>> -> memref<1x32x128xi32, #tpu.memory_space<hbm>>
          %dma_wait3A_31 = tpu.memref_squeeze %dma_wait3A_30 : memref<1x32x128xi32, #tpu.memory_space<hbm>> -> memref<32x128xi32, #tpu.memory_space<hbm>>
          %dma_wait3A_32 = arith.constant 0 : i32
          %dma_wait3A_33 = tpu.memref_slice %arg5[%arg1, %mul3A_18, %dma_wait3A_32] : memref<16x160x128xi32, #tpu.memory_space<hbm>> -> memref<1x32x128xi32, #tpu.memory_space<hbm>>
          %dma_wait3A_34 = tpu.memref_squeeze %dma_wait3A_33 : memref<1x32x128xi32, #tpu.memory_space<hbm>> -> memref<32x128xi32, #tpu.memory_space<hbm>>
          tpu.wait_dma2 semaphore(%run_scoped3A : memref<!tpu.dma_semaphore, #tpu.memory_space<semaphore_mem>>) src(%dma_wait3A_34 : memref<32x128xi32, #tpu.memory_space<hbm>>) dst(%arg10 : memref<32x128xi32, #tpu.memory_space<vmem>>)
          tpu.yield
        }) : () -> ()
        %scan3A_19 = arith.constant 0 : i32
        %scan3A_20 = arith.constant 0 : i32
        %scan3A_21 = arith.constant 32 : i32
        %scan3A_22 = arith.addi %scan3A_20, %scan3A_21 : i32
        %scan3A_23 = arith.constant 1 : i32
        scf.for %scan3A_25 = %scan3A_20 to %scan3A_22 step %scan3A_23  : i32 {
          %dma_start3A = arith.constant 0 : i32
          %dma_start3A_26 = tpu.memref_slice %arg9[%scan3A_25, %dma_start3A] : memref<32x128xi32, #tpu.memory_space<vmem>> -> memref<1x128xi32, #tpu.memory_space<vmem>>
          %dma_start3A_27 = tpu.memref_squeeze %dma_start3A_26 : memref<1x128xi32, #tpu.memory_space<vmem>> -> memref<128xi32, #tpu.memory_space<vmem>>
          %dma_start3A_28 = arith.constant 0 : i32
          %dma_start3A_29 = arith.constant 0 : i32
          %dma_start3A_30 = tpu.memref_slice %arg2[%dma_start3A_28, %dma_start3A_29] : memref<10000x128xf32, #tpu.memory_space<hbm>> -> memref<10000x128xf32, #tpu.memory_space<hbm>>
          tpu.enqueue_indirect_dma source(%dma_start3A_30 : memref<10000x128xf32, #tpu.memory_space<hbm>>) target(%arg11 : memref<128x128xf32, #tpu.memory_space<vmem>>) offsets(%dma_start3A_27 : memref<128xi32, #tpu.memory_space<vmem>>) semaphore(%arg13 : memref<!tpu.dma_semaphore, #tpu.memory_space<semaphore_mem>>)
          %dma_wait3A = arith.constant 0 : i32
          %dma_wait3A_31 = tpu.memref_slice %arg9[%scan3A_25, %dma_wait3A] : memref<32x128xi32, #tpu.memory_space<vmem>> -> memref<1x128xi32, #tpu.memory_space<vmem>>
          %dma_wait3A_32 = tpu.memref_squeeze %dma_wait3A_31 : memref<1x128xi32, #tpu.memory_space<vmem>> -> memref<128xi32, #tpu.memory_space<vmem>>
          %dma_wait3A_33 = arith.constant 0 : i32
          %dma_wait3A_34 = arith.constant 0 : i32
          %dma_wait3A_35 = tpu.memref_slice %arg2[%dma_wait3A_33, %dma_wait3A_34] : memref<10000x128xf32, #tpu.memory_space<hbm>> -> memref<10000x128xf32, #tpu.memory_space<hbm>>
          tpu.wait_indirect_dma semaphore(%arg13 : memref<!tpu.dma_semaphore, #tpu.memory_space<semaphore_mem>>) src(%dma_wait3A_35 : memref<10000x128xf32, #tpu.memory_space<hbm>>) dst(%arg11 : memref<128x128xf32, #tpu.memory_space<vmem>>)
          "tpu.region"() ({
            %run_scoped3A = tpu.sem_alloc : memref<!tpu.dma_semaphore, #tpu.memory_space<semaphore_mem>>
            %dma_start3A_36 = arith.constant 0 : i32
            %dma_start3A_37 = tpu.memref_slice %arg10[%scan3A_25, %dma_start3A_36] : memref<32x128xi32, #tpu.memory_space<vmem>> -> memref<1x128xi32, #tpu.memory_space<vmem>>
            %dma_start3A_38 = tpu.memref_squeeze %dma_start3A_37 : memref<1x128xi32, #tpu.memory_space<vmem>> -> memref<128xi32, #tpu.memory_space<vmem>>
            %dma_start3A_39 = arith.constant 0 : i32
            %dma_start3A_40 = arith.constant 0 : i32
            %dma_start3A_41 = tpu.memref_slice %arg12[%dma_start3A_39, %dma_start3A_40] : memref<10112x128xf32, #tpu.memory_space<vmem_shared>> -> memref<10112x128xf32, #tpu.memory_space<vmem_shared>>
            tpu.enqueue_indirect_dma source(%arg11 : memref<128x128xf32, #tpu.memory_space<vmem>>) target(%dma_start3A_41 : memref<10112x128xf32, #tpu.memory_space<vmem_shared>>) offsets(%dma_start3A_38 : memref<128xi32, #tpu.memory_space<vmem>>) semaphore(%run_scoped3A : memref<!tpu.dma_semaphore, #tpu.memory_space<semaphore_mem>>) {add = true}
            %dma_wait3A_42 = arith.constant 0 : i32
            %dma_wait3A_43 = tpu.memref_slice %arg10[%scan3A_25, %dma_wait3A_42] : memref<32x128xi32, #tpu.memory_space<vmem>> -> memref<1x128xi32, #tpu.memory_space<vmem>>
            %dma_wait3A_44 = tpu.memref_squeeze %dma_wait3A_43 : memref<1x128xi32, #tpu.memory_space<vmem>> -> memref<128xi32, #tpu.memory_space<vmem>>
            %dma_wait3A_45 = arith.constant 0 : i32
            %dma_wait3A_46 = arith.constant 0 : i32
            %dma_wait3A_47 = tpu.memref_slice %arg12[%dma_wait3A_45, %dma_wait3A_46] : memref<10112x128xf32, #tpu.memory_space<vmem_shared>> -> memref<10112x128xf32, #tpu.memory_space<vmem_shared>>
            tpu.wait_indirect_dma semaphore(%run_scoped3A : memref<!tpu.dma_semaphore, #tpu.memory_space<semaphore_mem>>) src(%arg11 : memref<128x128xf32, #tpu.memory_space<vmem>>) dst(%dma_wait3A_47 : memref<10112x128xf32, #tpu.memory_space<vmem_shared>>)
            tpu.yield
          }) : () -> ()
        }
        %scan3A_24 = arith.constant 32 : i32
      }
      %scan3A_12 = arith.constant 5 : i32
      %barrier3A_13 = arith.constant 0 : index
      tpu.barrier barrier_id(%barrier3A_13)
      "tpu.region"() ({
        %run_scoped3A = tpu.sem_alloc : memref<!tpu.dma_semaphore, #tpu.memory_space<semaphore_mem>>
        %dma_start3A = arith.constant 0 : i32
        %dma_start3A_14 = tpu.memref_slice %arg7[%mul3A_0, %dma_start3A] : memref<10112x128xf32, #tpu.memory_space<hbm>> -> memref<632x128xf32, #tpu.memory_space<hbm>>
        %dma_start3A_15 = arith.constant 0 : i32
        %dma_start3A_16 = tpu.memref_slice %arg12[%mul3A_0, %dma_start3A_15] : memref<10112x128xf32, #tpu.memory_space<vmem_shared>> -> memref<632x128xf32, #tpu.memory_space<vmem_shared>>
        tpu.enqueue_dma source(%dma_start3A_16 : memref<632x128xf32, #tpu.memory_space<vmem_shared>>) target(%dma_start3A_14 : memref<632x128xf32, #tpu.memory_space<hbm>>) target_semaphore(%run_scoped3A : memref<!tpu.dma_semaphore, #tpu.memory_space<semaphore_mem>>)
        %dma_wait3A = arith.constant 0 : i32
        %dma_wait3A_17 = tpu.memref_slice %arg7[%mul3A_0, %dma_wait3A] : memref<10112x128xf32, #tpu.memory_space<hbm>> -> memref<632x128xf32, #tpu.memory_space<hbm>>
        %dma_wait3A_18 = arith.constant 0 : i32
        %dma_wait3A_19 = tpu.memref_slice %arg12[%mul3A_0, %dma_wait3A_18] : memref<10112x128xf32, #tpu.memory_space<vmem_shared>> -> memref<632x128xf32, #tpu.memory_space<vmem_shared>>
        tpu.wait_dma2 semaphore(%run_scoped3A : memref<!tpu.dma_semaphore, #tpu.memory_space<semaphore_mem>>) src(%dma_wait3A_19 : memref<632x128xf32, #tpu.memory_space<vmem_shared>>) dst(%dma_wait3A_17 : memref<632x128xf32, #tpu.memory_space<hbm>>)
        tpu.yield
      }) : () -> ()
    } else {
    }
    %eq3A_3 = arith.constant 1 : i32
    %eq3A_4 = arith.cmpi eq, %arg0, %eq3A_3 : i32
    %convert_element_type3A_5 = arith.extui %eq3A_4 : i1 to i32
    %cond3A_6 = arith.constant 0 : i32
    %cond3A_7 = arith.cmpi ne, %convert_element_type3A_5, %cond3A_6 : i32
    scf.if %cond3A_7 {
      "tpu.region"() ({
        %run_scoped3A = tpu.sem_alloc : memref<!tpu.dma_semaphore, #tpu.memory_space<semaphore_mem>>
        %dma_start3A = arith.constant 0 : i32
        %dma_start3A_14 = tpu.memref_slice %arg12[%mul3A_0, %dma_start3A] : memref<10112x128xf32, #tpu.memory_space<vmem_shared>> -> memref<632x128xf32, #tpu.memory_space<vmem_shared>>
        %dma_start3A_15 = arith.constant 0 : i32
        %dma_start3A_16 = tpu.memref_slice %arg6[%mul3A_0, %dma_start3A_15] : memref<10112x128xf32, #tpu.memory_space<hbm>> -> memref<632x128xf32, #tpu.memory_space<hbm>>
        tpu.enqueue_dma source(%dma_start3A_16 : memref<632x128xf32, #tpu.memory_space<hbm>>) target(%dma_start3A_14 : memref<632x128xf32, #tpu.memory_space<vmem_shared>>) target_semaphore(%run_scoped3A : memref<!tpu.dma_semaphore, #tpu.memory_space<semaphore_mem>>)
        %dma_wait3A = arith.constant 0 : i32
        %dma_wait3A_17 = tpu.memref_slice %arg12[%mul3A_0, %dma_wait3A] : memref<10112x128xf32, #tpu.memory_space<vmem_shared>> -> memref<632x128xf32, #tpu.memory_space<vmem_shared>>
        %dma_wait3A_18 = arith.constant 0 : i32
        %dma_wait3A_19 = tpu.memref_slice %arg6[%mul3A_0, %dma_wait3A_18] : memref<10112x128xf32, #tpu.memory_space<hbm>> -> memref<632x128xf32, #tpu.memory_space<hbm>>
        tpu.wait_dma2 semaphore(%run_scoped3A : memref<!tpu.dma_semaphore, #tpu.memory_space<semaphore_mem>>) src(%dma_wait3A_19 : memref<632x128xf32, #tpu.memory_space<hbm>>) dst(%dma_wait3A_17 : memref<632x128xf32, #tpu.memory_space<vmem_shared>>)
        tpu.yield
      }) : () -> ()
      %barrier3A = arith.constant 0 : index
      tpu.barrier barrier_id(%barrier3A)
      %scan3A = arith.constant 0 : i32
      %scan3A_8 = arith.constant 0 : i32
      %scan3A_9 = arith.constant 5 : i32
      %scan3A_10 = arith.addi %scan3A_8, %scan3A_9 : i32
      %scan3A_11 = arith.constant 1 : i32
      scf.for %scan3A_14 = %scan3A_8 to %scan3A_10 step %scan3A_11  : i32 {
        %mul3A_15 = arith.constant 32 : i32
        %mul3A_16 = arith.muli %scan3A_14, %mul3A_15 : i32
        "tpu.region"() ({
          %run_scoped3A = tpu.sem_alloc : memref<!tpu.dma_semaphore, #tpu.memory_space<semaphore_mem>>
          %dma_start3A = arith.constant 0 : i32
          %dma_start3A_25 = tpu.memref_slice %arg4[%arg1, %mul3A_16, %dma_start3A] : memref<16x160x128xi32, #tpu.memory_space<hbm>> -> memref<1x32x128xi32, #tpu.memory_space<hbm>>
          %dma_start3A_26 = tpu.memref_squeeze %dma_start3A_25 : memref<1x32x128xi32, #tpu.memory_space<hbm>> -> memref<32x128xi32, #tpu.memory_space<hbm>>
          %dma_start3A_27 = arith.constant 0 : i32
          %dma_start3A_28 = tpu.memref_slice %arg4[%arg1, %mul3A_16, %dma_start3A_27] : memref<16x160x128xi32, #tpu.memory_space<hbm>> -> memref<1x32x128xi32, #tpu.memory_space<hbm>>
          %dma_start3A_29 = tpu.memref_squeeze %dma_start3A_28 : memref<1x32x128xi32, #tpu.memory_space<hbm>> -> memref<32x128xi32, #tpu.memory_space<hbm>>
          tpu.enqueue_dma source(%dma_start3A_29 : memref<32x128xi32, #tpu.memory_space<hbm>>) target(%arg9 : memref<32x128xi32, #tpu.memory_space<vmem>>) target_semaphore(%run_scoped3A : memref<!tpu.dma_semaphore, #tpu.memory_space<semaphore_mem>>)
          %dma_wait3A = arith.constant 0 : i32
          %dma_wait3A_30 = tpu.memref_slice %arg4[%arg1, %mul3A_16, %dma_wait3A] : memref<16x160x128xi32, #tpu.memory_space<hbm>> -> memref<1x32x128xi32, #tpu.memory_space<hbm>>
          %dma_wait3A_31 = tpu.memref_squeeze %dma_wait3A_30 : memref<1x32x128xi32, #tpu.memory_space<hbm>> -> memref<32x128xi32, #tpu.memory_space<hbm>>
          %dma_wait3A_32 = arith.constant 0 : i32
          %dma_wait3A_33 = tpu.memref_slice %arg4[%arg1, %mul3A_16, %dma_wait3A_32] : memref<16x160x128xi32, #tpu.memory_space<hbm>> -> memref<1x32x128xi32, #tpu.memory_space<hbm>>
          %dma_wait3A_34 = tpu.memref_squeeze %dma_wait3A_33 : memref<1x32x128xi32, #tpu.memory_space<hbm>> -> memref<32x128xi32, #tpu.memory_space<hbm>>
          tpu.wait_dma2 semaphore(%run_scoped3A : memref<!tpu.dma_semaphore, #tpu.memory_space<semaphore_mem>>) src(%dma_wait3A_34 : memref<32x128xi32, #tpu.memory_space<hbm>>) dst(%arg9 : memref<32x128xi32, #tpu.memory_space<vmem>>)
          tpu.yield
        }) : () -> ()
        %mul3A_17 = arith.constant 32 : i32
        %mul3A_18 = arith.muli %scan3A_14, %mul3A_17 : i32
        "tpu.region"() ({
          %run_scoped3A = tpu.sem_alloc : memref<!tpu.dma_semaphore, #tpu.memory_space<semaphore_mem>>
          %dma_start3A = arith.constant 0 : i32
          %dma_start3A_25 = tpu.memref_slice %arg5[%arg1, %mul3A_18, %dma_start3A] : memref<16x160x128xi32, #tpu.memory_space<hbm>> -> memref<1x32x128xi32, #tpu.memory_space<hbm>>
          %dma_start3A_26 = tpu.memref_squeeze %dma_start3A_25 : memref<1x32x128xi32, #tpu.memory_space<hbm>> -> memref<32x128xi32, #tpu.memory_space<hbm>>
          %dma_start3A_27 = arith.constant 0 : i32
          %dma_start3A_28 = tpu.memref_slice %arg5[%arg1, %mul3A_18, %dma_start3A_27] : memref<16x160x128xi32, #tpu.memory_space<hbm>> -> memref<1x32x128xi32, #tpu.memory_space<hbm>>
          %dma_start3A_29 = tpu.memref_squeeze %dma_start3A_28 : memref<1x32x128xi32, #tpu.memory_space<hbm>> -> memref<32x128xi32, #tpu.memory_space<hbm>>
          tpu.enqueue_dma source(%dma_start3A_29 : memref<32x128xi32, #tpu.memory_space<hbm>>) target(%arg10 : memref<32x128xi32, #tpu.memory_space<vmem>>) target_semaphore(%run_scoped3A : memref<!tpu.dma_semaphore, #tpu.memory_space<semaphore_mem>>)
          %dma_wait3A = arith.constant 0 : i32
          %dma_wait3A_30 = tpu.memref_slice %arg5[%arg1, %mul3A_18, %dma_wait3A] : memref<16x160x128xi32, #tpu.memory_space<hbm>> -> memref<1x32x128xi32, #tpu.memory_space<hbm>>
          %dma_wait3A_31 = tpu.memref_squeeze %dma_wait3A_30 : memref<1x32x128xi32, #tpu.memory_space<hbm>> -> memref<32x128xi32, #tpu.memory_space<hbm>>
          %dma_wait3A_32 = arith.constant 0 : i32
          %dma_wait3A_33 = tpu.memref_slice %arg5[%arg1, %mul3A_18, %dma_wait3A_32] : memref<16x160x128xi32, #tpu.memory_space<hbm>> -> memref<1x32x128xi32, #tpu.memory_space<hbm>>
          %dma_wait3A_34 = tpu.memref_squeeze %dma_wait3A_33 : memref<1x32x128xi32, #tpu.memory_space<hbm>> -> memref<32x128xi32, #tpu.memory_space<hbm>>
          tpu.wait_dma2 semaphore(%run_scoped3A : memref<!tpu.dma_semaphore, #tpu.memory_space<semaphore_mem>>) src(%dma_wait3A_34 : memref<32x128xi32, #tpu.memory_space<hbm>>) dst(%arg10 : memref<32x128xi32, #tpu.memory_space<vmem>>)
          tpu.yield
        }) : () -> ()
        %scan3A_19 = arith.constant 0 : i32
        %scan3A_20 = arith.constant 0 : i32
        %scan3A_21 = arith.constant 32 : i32
        %scan3A_22 = arith.addi %scan3A_20, %scan3A_21 : i32
        %scan3A_23 = arith.constant 1 : i32
        scf.for %scan3A_25 = %scan3A_20 to %scan3A_22 step %scan3A_23  : i32 {
          %dma_start3A = arith.constant 0 : i32
          %dma_start3A_26 = tpu.memref_slice %arg9[%scan3A_25, %dma_start3A] : memref<32x128xi32, #tpu.memory_space<vmem>> -> memref<1x128xi32, #tpu.memory_space<vmem>>
          %dma_start3A_27 = tpu.memref_squeeze %dma_start3A_26 : memref<1x128xi32, #tpu.memory_space<vmem>> -> memref<128xi32, #tpu.memory_space<vmem>>
          %dma_start3A_28 = arith.constant 0 : i32
          %dma_start3A_29 = arith.constant 0 : i32
          %dma_start3A_30 = tpu.memref_slice %arg3[%dma_start3A_28, %dma_start3A_29] : memref<10000x128xf32, #tpu.memory_space<hbm>> -> memref<10000x128xf32, #tpu.memory_space<hbm>>
          tpu.enqueue_indirect_dma source(%dma_start3A_30 : memref<10000x128xf32, #tpu.memory_space<hbm>>) target(%arg11 : memref<128x128xf32, #tpu.memory_space<vmem>>) offsets(%dma_start3A_27 : memref<128xi32, #tpu.memory_space<vmem>>) semaphore(%arg13 : memref<!tpu.dma_semaphore, #tpu.memory_space<semaphore_mem>>)
          %dma_wait3A = arith.constant 0 : i32
          %dma_wait3A_31 = tpu.memref_slice %arg9[%scan3A_25, %dma_wait3A] : memref<32x128xi32, #tpu.memory_space<vmem>> -> memref<1x128xi32, #tpu.memory_space<vmem>>
          %dma_wait3A_32 = tpu.memref_squeeze %dma_wait3A_31 : memref<1x128xi32, #tpu.memory_space<vmem>> -> memref<128xi32, #tpu.memory_space<vmem>>
          %dma_wait3A_33 = arith.constant 0 : i32
          %dma_wait3A_34 = arith.constant 0 : i32
          %dma_wait3A_35 = tpu.memref_slice %arg3[%dma_wait3A_33, %dma_wait3A_34] : memref<10000x128xf32, #tpu.memory_space<hbm>> -> memref<10000x128xf32, #tpu.memory_space<hbm>>
          tpu.wait_indirect_dma semaphore(%arg13 : memref<!tpu.dma_semaphore, #tpu.memory_space<semaphore_mem>>) src(%dma_wait3A_35 : memref<10000x128xf32, #tpu.memory_space<hbm>>) dst(%arg11 : memref<128x128xf32, #tpu.memory_space<vmem>>)
          "tpu.region"() ({
            %run_scoped3A = tpu.sem_alloc : memref<!tpu.dma_semaphore, #tpu.memory_space<semaphore_mem>>
            %dma_start3A_36 = arith.constant 0 : i32
            %dma_start3A_37 = tpu.memref_slice %arg10[%scan3A_25, %dma_start3A_36] : memref<32x128xi32, #tpu.memory_space<vmem>> -> memref<1x128xi32, #tpu.memory_space<vmem>>
            %dma_start3A_38 = tpu.memref_squeeze %dma_start3A_37 : memref<1x128xi32, #tpu.memory_space<vmem>> -> memref<128xi32, #tpu.memory_space<vmem>>
            %dma_start3A_39 = arith.constant 0 : i32
            %dma_start3A_40 = arith.constant 0 : i32
            %dma_start3A_41 = tpu.memref_slice %arg12[%dma_start3A_39, %dma_start3A_40] : memref<10112x128xf32, #tpu.memory_space<vmem_shared>> -> memref<10112x128xf32, #tpu.memory_space<vmem_shared>>
            tpu.enqueue_indirect_dma source(%arg11 : memref<128x128xf32, #tpu.memory_space<vmem>>) target(%dma_start3A_41 : memref<10112x128xf32, #tpu.memory_space<vmem_shared>>) offsets(%dma_start3A_38 : memref<128xi32, #tpu.memory_space<vmem>>) semaphore(%run_scoped3A : memref<!tpu.dma_semaphore, #tpu.memory_space<semaphore_mem>>) {add = true}
            %dma_wait3A_42 = arith.constant 0 : i32
            %dma_wait3A_43 = tpu.memref_slice %arg10[%scan3A_25, %dma_wait3A_42] : memref<32x128xi32, #tpu.memory_space<vmem>> -> memref<1x128xi32, #tpu.memory_space<vmem>>
            %dma_wait3A_44 = tpu.memref_squeeze %dma_wait3A_43 : memref<1x128xi32, #tpu.memory_space<vmem>> -> memref<128xi32, #tpu.memory_space<vmem>>
            %dma_wait3A_45 = arith.constant 0 : i32
            %dma_wait3A_46 = arith.constant 0 : i32
            %dma_wait3A_47 = tpu.memref_slice %arg12[%dma_wait3A_45, %dma_wait3A_46] : memref<10112x128xf32, #tpu.memory_space<vmem_shared>> -> memref<10112x128xf32, #tpu.memory_space<vmem_shared>>
            tpu.wait_indirect_dma semaphore(%run_scoped3A : memref<!tpu.dma_semaphore, #tpu.memory_space<semaphore_mem>>) src(%arg11 : memref<128x128xf32, #tpu.memory_space<vmem>>) dst(%dma_wait3A_47 : memref<10112x128xf32, #tpu.memory_space<vmem_shared>>)
            tpu.yield
          }) : () -> ()
        }
        %scan3A_24 = arith.constant 32 : i32
      }
      %scan3A_12 = arith.constant 5 : i32
      %barrier3A_13 = arith.constant 0 : index
      tpu.barrier barrier_id(%barrier3A_13)
      "tpu.region"() ({
        %run_scoped3A = tpu.sem_alloc : memref<!tpu.dma_semaphore, #tpu.memory_space<semaphore_mem>>
        %dma_start3A = arith.constant 0 : i32
        %dma_start3A_14 = tpu.memref_slice %arg8[%mul3A_0, %dma_start3A] : memref<10112x128xf32, #tpu.memory_space<hbm>> -> memref<632x128xf32, #tpu.memory_space<hbm>>
        %dma_start3A_15 = arith.constant 0 : i32
        %dma_start3A_16 = tpu.memref_slice %arg12[%mul3A_0, %dma_start3A_15] : memref<10112x128xf32, #tpu.memory_space<vmem_shared>> -> memref<632x128xf32, #tpu.memory_space<vmem_shared>>
        tpu.enqueue_dma source(%dma_start3A_16 : memref<632x128xf32, #tpu.memory_space<vmem_shared>>) target(%dma_start3A_14 : memref<632x128xf32, #tpu.memory_space<hbm>>) target_semaphore(%run_scoped3A : memref<!tpu.dma_semaphore, #tpu.memory_space<semaphore_mem>>)
        %dma_wait3A = arith.constant 0 : i32
        %dma_wait3A_17 = tpu.memref_slice %arg8[%mul3A_0, %dma_wait3A] : memref<10112x128xf32, #tpu.memory_space<hbm>> -> memref<632x128xf32, #tpu.memory_space<hbm>>
        %dma_wait3A_18 = arith.constant 0 : i32
        %dma_wait3A_19 = tpu.memref_slice %arg12[%mul3A_0, %dma_wait3A_18] : memref<10112x128xf32, #tpu.memory_space<vmem_shared>> -> memref<632x128xf32, #tpu.memory_space<vmem_shared>>
        tpu.wait_dma2 semaphore(%run_scoped3A : memref<!tpu.dma_semaphore, #tpu.memory_space<semaphore_mem>>) src(%dma_wait3A_19 : memref<632x128xf32, #tpu.memory_space<vmem_shared>>) dst(%dma_wait3A_17 : memref<632x128xf32, #tpu.memory_space<hbm>>)
        tpu.yield
      }) : () -> ()
    } else {
    }
    return
  }
}

#map = affine_map<(d0, d1) -> (0, 0)>
#map1 = affine_map<(d0, d1) -> (0, 0, 0)>
module attributes {stable_mosaic.version = 14 : i64} {
  func.func @_sc_body(%arg0: i32, %arg1: i32, %arg2: memref<10000x128xf32, #tpu.memory_space<hbm>>, %arg3: memref<10000x128xf32, #tpu.memory_space<hbm>>, %arg4: memref<16x160x128xi32, #tpu.memory_space<hbm>>, %arg5: memref<16x160x128xi32, #tpu.memory_space<hbm>>, %arg6: memref<10112x128xf32, #tpu.memory_space<hbm>>, %arg7: memref<10112x128xf32, #tpu.memory_space<hbm>>, %arg8: memref<10112x128xf32, #tpu.memory_space<hbm>>, %arg9: memref<32x128xi32, #tpu.memory_space<vmem>>, %arg10: memref<32x128xi32, #tpu.memory_space<vmem>>, %arg11: memref<128x128xf32, #tpu.memory_space<vmem>>, %arg12: memref<10112x128xf32, #tpu.memory_space<vmem_shared>>, %arg13: memref<!tpu.dma_semaphore, #tpu.memory_space<semaphore_mem>>) attributes {dimension_semantics = [#tpu.dimension_semantics<core_parallel>, #tpu.dimension_semantics<subcore_parallel>], iteration_bounds = array<i64: 2, 16>, scalar_prefetch = 0 : i64, scratch_operands = 5 : i64, tpu.core_type = #tpu.core_type<sc_vector_subcore>, window_params = [{transform_indices = #map}, {transform_indices = #map}, {transform_indices = #map1}, {transform_indices = #map1}, {transform_indices = #map}, {transform_indices = #map}, {transform_indices = #map}]} {
    %mul3A = arith.constant 632 : i32
    %mul3A_0 = arith.muli %arg1, %mul3A : i32
    %eq3A = arith.constant 0 : i32
    %eq3A_1 = arith.cmpi eq, %arg0, %eq3A : i32
    %convert_element_type3A = arith.extui %eq3A_1 : i1 to i32
    %cond3A = arith.constant 0 : i32
    %cond3A_2 = arith.cmpi ne, %convert_element_type3A, %cond3A : i32
    scf.if %cond3A_2 {
      "tpu.region"() ({
        %run_scoped3A = tpu.sem_alloc : memref<!tpu.dma_semaphore, #tpu.memory_space<semaphore_mem>>
        %dma_start3A = arith.constant 0 : i32
        %dma_start3A_14 = tpu.memref_slice %arg12[%mul3A_0, %dma_start3A] : memref<10112x128xf32, #tpu.memory_space<vmem_shared>> -> memref<632x128xf32, #tpu.memory_space<vmem_shared>>
        %dma_start3A_15 = arith.constant 0 : i32
        %dma_start3A_16 = tpu.memref_slice %arg6[%mul3A_0, %dma_start3A_15] : memref<10112x128xf32, #tpu.memory_space<hbm>> -> memref<632x128xf32, #tpu.memory_space<hbm>>
        tpu.enqueue_dma source(%dma_start3A_16 : memref<632x128xf32, #tpu.memory_space<hbm>>) target(%dma_start3A_14 : memref<632x128xf32, #tpu.memory_space<vmem_shared>>) target_semaphore(%run_scoped3A : memref<!tpu.dma_semaphore, #tpu.memory_space<semaphore_mem>>)
        %dma_wait3A = arith.constant 0 : i32
        %dma_wait3A_17 = tpu.memref_slice %arg12[%mul3A_0, %dma_wait3A] : memref<10112x128xf32, #tpu.memory_space<vmem_shared>> -> memref<632x128xf32, #tpu.memory_space<vmem_shared>>
        %dma_wait3A_18 = arith.constant 0 : i32
        %dma_wait3A_19 = tpu.memref_slice %arg6[%mul3A_0, %dma_wait3A_18] : memref<10112x128xf32, #tpu.memory_space<hbm>> -> memref<632x128xf32, #tpu.memory_space<hbm>>
        tpu.wait_dma2 semaphore(%run_scoped3A : memref<!tpu.dma_semaphore, #tpu.memory_space<semaphore_mem>>) src(%dma_wait3A_19 : memref<632x128xf32, #tpu.memory_space<hbm>>) dst(%dma_wait3A_17 : memref<632x128xf32, #tpu.memory_space<vmem_shared>>)
        tpu.yield
      }) : () -> ()
      %barrier3A = arith.constant 0 : index
      tpu.barrier barrier_id(%barrier3A)
      %scan3A = arith.constant 0 : i32
      %scan3A_8 = arith.constant 0 : i32
      %scan3A_9 = arith.constant 5 : i32
      %scan3A_10 = arith.addi %scan3A_8, %scan3A_9 : i32
      %scan3A_11 = arith.constant 1 : i32
      scf.for %scan3A_14 = %scan3A_8 to %scan3A_10 step %scan3A_11  : i32 {
        %mul3A_15 = arith.constant 32 : i32
        %mul3A_16 = arith.muli %scan3A_14, %mul3A_15 : i32
        "tpu.region"() ({
          %run_scoped3A = tpu.sem_alloc : memref<!tpu.dma_semaphore, #tpu.memory_space<semaphore_mem>>
          %dma_start3A = arith.constant 0 : i32
          %dma_start3A_25 = tpu.memref_slice %arg4[%arg1, %mul3A_16, %dma_start3A] : memref<16x160x128xi32, #tpu.memory_space<hbm>> -> memref<1x32x128xi32, #tpu.memory_space<hbm>>
          %dma_start3A_26 = tpu.memref_squeeze %dma_start3A_25 : memref<1x32x128xi32, #tpu.memory_space<hbm>> -> memref<32x128xi32, #tpu.memory_space<hbm>>
          %dma_start3A_27 = arith.constant 0 : i32
          %dma_start3A_28 = tpu.memref_slice %arg4[%arg1, %mul3A_16, %dma_start3A_27] : memref<16x160x128xi32, #tpu.memory_space<hbm>> -> memref<1x32x128xi32, #tpu.memory_space<hbm>>
          %dma_start3A_29 = tpu.memref_squeeze %dma_start3A_28 : memref<1x32x128xi32, #tpu.memory_space<hbm>> -> memref<32x128xi32, #tpu.memory_space<hbm>>
          tpu.enqueue_dma source(%dma_start3A_29 : memref<32x128xi32, #tpu.memory_space<hbm>>) target(%arg9 : memref<32x128xi32, #tpu.memory_space<vmem>>) target_semaphore(%run_scoped3A : memref<!tpu.dma_semaphore, #tpu.memory_space<semaphore_mem>>)
          %dma_wait3A = arith.constant 0 : i32
          %dma_wait3A_30 = tpu.memref_slice %arg4[%arg1, %mul3A_16, %dma_wait3A] : memref<16x160x128xi32, #tpu.memory_space<hbm>> -> memref<1x32x128xi32, #tpu.memory_space<hbm>>
          %dma_wait3A_31 = tpu.memref_squeeze %dma_wait3A_30 : memref<1x32x128xi32, #tpu.memory_space<hbm>> -> memref<32x128xi32, #tpu.memory_space<hbm>>
          %dma_wait3A_32 = arith.constant 0 : i32
          %dma_wait3A_33 = tpu.memref_slice %arg4[%arg1, %mul3A_16, %dma_wait3A_32] : memref<16x160x128xi32, #tpu.memory_space<hbm>> -> memref<1x32x128xi32, #tpu.memory_space<hbm>>
          %dma_wait3A_34 = tpu.memref_squeeze %dma_wait3A_33 : memref<1x32x128xi32, #tpu.memory_space<hbm>> -> memref<32x128xi32, #tpu.memory_space<hbm>>
          tpu.wait_dma2 semaphore(%run_scoped3A : memref<!tpu.dma_semaphore, #tpu.memory_space<semaphore_mem>>) src(%dma_wait3A_34 : memref<32x128xi32, #tpu.memory_space<hbm>>) dst(%arg9 : memref<32x128xi32, #tpu.memory_space<vmem>>)
          tpu.yield
        }) : () -> ()
        %mul3A_17 = arith.constant 32 : i32
        %mul3A_18 = arith.muli %scan3A_14, %mul3A_17 : i32
        "tpu.region"() ({
          %run_scoped3A = tpu.sem_alloc : memref<!tpu.dma_semaphore, #tpu.memory_space<semaphore_mem>>
          %dma_start3A = arith.constant 0 : i32
          %dma_start3A_25 = tpu.memref_slice %arg5[%arg1, %mul3A_18, %dma_start3A] : memref<16x160x128xi32, #tpu.memory_space<hbm>> -> memref<1x32x128xi32, #tpu.memory_space<hbm>>
          %dma_start3A_26 = tpu.memref_squeeze %dma_start3A_25 : memref<1x32x128xi32, #tpu.memory_space<hbm>> -> memref<32x128xi32, #tpu.memory_space<hbm>>
          %dma_start3A_27 = arith.constant 0 : i32
          %dma_start3A_28 = tpu.memref_slice %arg5[%arg1, %mul3A_18, %dma_start3A_27] : memref<16x160x128xi32, #tpu.memory_space<hbm>> -> memref<1x32x128xi32, #tpu.memory_space<hbm>>
          %dma_start3A_29 = tpu.memref_squeeze %dma_start3A_28 : memref<1x32x128xi32, #tpu.memory_space<hbm>> -> memref<32x128xi32, #tpu.memory_space<hbm>>
          tpu.enqueue_dma source(%dma_start3A_29 : memref<32x128xi32, #tpu.memory_space<hbm>>) target(%arg10 : memref<32x128xi32, #tpu.memory_space<vmem>>) target_semaphore(%run_scoped3A : memref<!tpu.dma_semaphore, #tpu.memory_space<semaphore_mem>>)
          %dma_wait3A = arith.constant 0 : i32
          %dma_wait3A_30 = tpu.memref_slice %arg5[%arg1, %mul3A_18, %dma_wait3A] : memref<16x160x128xi32, #tpu.memory_space<hbm>> -> memref<1x32x128xi32, #tpu.memory_space<hbm>>
          %dma_wait3A_31 = tpu.memref_squeeze %dma_wait3A_30 : memref<1x32x128xi32, #tpu.memory_space<hbm>> -> memref<32x128xi32, #tpu.memory_space<hbm>>
          %dma_wait3A_32 = arith.constant 0 : i32
          %dma_wait3A_33 = tpu.memref_slice %arg5[%arg1, %mul3A_18, %dma_wait3A_32] : memref<16x160x128xi32, #tpu.memory_space<hbm>> -> memref<1x32x128xi32, #tpu.memory_space<hbm>>
          %dma_wait3A_34 = tpu.memref_squeeze %dma_wait3A_33 : memref<1x32x128xi32, #tpu.memory_space<hbm>> -> memref<32x128xi32, #tpu.memory_space<hbm>>
          tpu.wait_dma2 semaphore(%run_scoped3A : memref<!tpu.dma_semaphore, #tpu.memory_space<semaphore_mem>>) src(%dma_wait3A_34 : memref<32x128xi32, #tpu.memory_space<hbm>>) dst(%arg10 : memref<32x128xi32, #tpu.memory_space<vmem>>)
          tpu.yield
        }) : () -> ()
        %scan3A_19 = arith.constant 0 : i32
        %scan3A_20 = arith.constant 0 : i32
        %scan3A_21 = arith.constant 32 : i32
        %scan3A_22 = arith.addi %scan3A_20, %scan3A_21 : i32
        %scan3A_23 = arith.constant 1 : i32
        scf.for %scan3A_25 = %scan3A_20 to %scan3A_22 step %scan3A_23  : i32 {
          %dma_start3A = arith.constant 0 : i32
          %dma_start3A_26 = tpu.memref_slice %arg9[%scan3A_25, %dma_start3A] : memref<32x128xi32, #tpu.memory_space<vmem>> -> memref<1x128xi32, #tpu.memory_space<vmem>>
          %dma_start3A_27 = tpu.memref_squeeze %dma_start3A_26 : memref<1x128xi32, #tpu.memory_space<vmem>> -> memref<128xi32, #tpu.memory_space<vmem>>
          %dma_start3A_28 = arith.constant 0 : i32
          %dma_start3A_29 = arith.constant 0 : i32
          %dma_start3A_30 = tpu.memref_slice %arg2[%dma_start3A_28, %dma_start3A_29] : memref<10000x128xf32, #tpu.memory_space<hbm>> -> memref<10000x128xf32, #tpu.memory_space<hbm>>
          tpu.enqueue_indirect_dma source(%dma_start3A_30 : memref<10000x128xf32, #tpu.memory_space<hbm>>) target(%arg11 : memref<128x128xf32, #tpu.memory_space<vmem>>) offsets(%dma_start3A_27 : memref<128xi32, #tpu.memory_space<vmem>>) semaphore(%arg13 : memref<!tpu.dma_semaphore, #tpu.memory_space<semaphore_mem>>)
          %dma_wait3A = arith.constant 0 : i32
          %dma_wait3A_31 = tpu.memref_slice %arg9[%scan3A_25, %dma_wait3A] : memref<32x128xi32, #tpu.memory_space<vmem>> -> memref<1x128xi32, #tpu.memory_space<vmem>>
          %dma_wait3A_32 = tpu.memref_squeeze %dma_wait3A_31 : memref<1x128xi32, #tpu.memory_space<vmem>> -> memref<128xi32, #tpu.memory_space<vmem>>
          %dma_wait3A_33 = arith.constant 0 : i32
          %dma_wait3A_34 = arith.constant 0 : i32
          %dma_wait3A_35 = tpu.memref_slice %arg2[%dma_wait3A_33, %dma_wait3A_34] : memref<10000x128xf32, #tpu.memory_space<hbm>> -> memref<10000x128xf32, #tpu.memory_space<hbm>>
          tpu.wait_indirect_dma semaphore(%arg13 : memref<!tpu.dma_semaphore, #tpu.memory_space<semaphore_mem>>) src(%dma_wait3A_35 : memref<10000x128xf32, #tpu.memory_space<hbm>>) dst(%arg11 : memref<128x128xf32, #tpu.memory_space<vmem>>)
          "tpu.region"() ({
            %run_scoped3A = tpu.sem_alloc : memref<!tpu.dma_semaphore, #tpu.memory_space<semaphore_mem>>
            %dma_start3A_36 = arith.constant 0 : i32
            %dma_start3A_37 = tpu.memref_slice %arg10[%scan3A_25, %dma_start3A_36] : memref<32x128xi32, #tpu.memory_space<vmem>> -> memref<1x128xi32, #tpu.memory_space<vmem>>
            %dma_start3A_38 = tpu.memref_squeeze %dma_start3A_37 : memref<1x128xi32, #tpu.memory_space<vmem>> -> memref<128xi32, #tpu.memory_space<vmem>>
            %dma_start3A_39 = arith.constant 0 : i32
            %dma_start3A_40 = arith.constant 0 : i32
            %dma_start3A_41 = tpu.memref_slice %arg12[%dma_start3A_39, %dma_start3A_40] : memref<10112x128xf32, #tpu.memory_space<vmem_shared>> -> memref<10112x128xf32, #tpu.memory_space<vmem_shared>>
            tpu.enqueue_indirect_dma source(%arg11 : memref<128x128xf32, #tpu.memory_space<vmem>>) target(%dma_start3A_41 : memref<10112x128xf32, #tpu.memory_space<vmem_shared>>) offsets(%dma_start3A_38 : memref<128xi32, #tpu.memory_space<vmem>>) semaphore(%run_scoped3A : memref<!tpu.dma_semaphore, #tpu.memory_space<semaphore_mem>>) {add = true}
            %dma_wait3A_42 = arith.constant 0 : i32
            %dma_wait3A_43 = tpu.memref_slice %arg10[%scan3A_25, %dma_wait3A_42] : memref<32x128xi32, #tpu.memory_space<vmem>> -> memref<1x128xi32, #tpu.memory_space<vmem>>
            %dma_wait3A_44 = tpu.memref_squeeze %dma_wait3A_43 : memref<1x128xi32, #tpu.memory_space<vmem>> -> memref<128xi32, #tpu.memory_space<vmem>>
            %dma_wait3A_45 = arith.constant 0 : i32
            %dma_wait3A_46 = arith.constant 0 : i32
            %dma_wait3A_47 = tpu.memref_slice %arg12[%dma_wait3A_45, %dma_wait3A_46] : memref<10112x128xf32, #tpu.memory_space<vmem_shared>> -> memref<10112x128xf32, #tpu.memory_space<vmem_shared>>
            tpu.wait_indirect_dma semaphore(%run_scoped3A : memref<!tpu.dma_semaphore, #tpu.memory_space<semaphore_mem>>) src(%arg11 : memref<128x128xf32, #tpu.memory_space<vmem>>) dst(%dma_wait3A_47 : memref<10112x128xf32, #tpu.memory_space<vmem_shared>>)
            tpu.yield
          }) : () -> ()
        }
        %scan3A_24 = arith.constant 32 : i32
      }
      %scan3A_12 = arith.constant 5 : i32
      %barrier3A_13 = arith.constant 0 : index
      tpu.barrier barrier_id(%barrier3A_13)
      "tpu.region"() ({
        %run_scoped3A = tpu.sem_alloc : memref<!tpu.dma_semaphore, #tpu.memory_space<semaphore_mem>>
        %dma_start3A = arith.constant 0 : i32
        %dma_start3A_14 = tpu.memref_slice %arg7[%mul3A_0, %dma_start3A] : memref<10112x128xf32, #tpu.memory_space<hbm>> -> memref<632x128xf32, #tpu.memory_space<hbm>>
        %dma_start3A_15 = arith.constant 0 : i32
        %dma_start3A_16 = tpu.memref_slice %arg12[%mul3A_0, %dma_start3A_15] : memref<10112x128xf32, #tpu.memory_space<vmem_shared>> -> memref<632x128xf32, #tpu.memory_space<vmem_shared>>
        tpu.enqueue_dma source(%dma_start3A_16 : memref<632x128xf32, #tpu.memory_space<vmem_shared>>) target(%dma_start3A_14 : memref<632x128xf32, #tpu.memory_space<hbm>>) target_semaphore(%run_scoped3A : memref<!tpu.dma_semaphore, #tpu.memory_space<semaphore_mem>>)
        %dma_wait3A = arith.constant 0 : i32
        %dma_wait3A_17 = tpu.memref_slice %arg7[%mul3A_0, %dma_wait3A] : memref<10112x128xf32, #tpu.memory_space<hbm>> -> memref<632x128xf32, #tpu.memory_space<hbm>>
        %dma_wait3A_18 = arith.constant 0 : i32
        %dma_wait3A_19 = tpu.memref_slice %arg12[%mul3A_0, %dma_wait3A_18] : memref<10112x128xf32, #tpu.memory_space<vmem_shared>> -> memref<632x128xf32, #tpu.memory_space<vmem_shared>>
        tpu.wait_dma2 semaphore(%run_scoped3A : memref<!tpu.dma_semaphore, #tpu.memory_space<semaphore_mem>>) src(%dma_wait3A_19 : memref<632x128xf32, #tpu.memory_space<vmem_shared>>) dst(%dma_wait3A_17 : memref<632x128xf32, #tpu.memory_space<hbm>>)
        tpu.yield
      }) : () -> ()
    } else {
    }
    %eq3A_3 = arith.constant 1 : i32
    %eq3A_4 = arith.cmpi eq, %arg0, %eq3A_3 : i32
    %convert_element_type3A_5 = arith.extui %eq3A_4 : i1 to i32
    %cond3A_6 = arith.constant 0 : i32
    %cond3A_7 = arith.cmpi ne, %convert_element_type3A_5, %cond3A_6 : i32
    scf.if %cond3A_7 {
      "tpu.region"() ({
        %run_scoped3A = tpu.sem_alloc : memref<!tpu.dma_semaphore, #tpu.memory_space<semaphore_mem>>
        %dma_start3A = arith.constant 0 : i32
        %dma_start3A_14 = tpu.memref_slice %arg12[%mul3A_0, %dma_start3A] : memref<10112x128xf32, #tpu.memory_space<vmem_shared>> -> memref<632x128xf32, #tpu.memory_space<vmem_shared>>
        %dma_start3A_15 = arith.constant 0 : i32
        %dma_start3A_16 = tpu.memref_slice %arg6[%mul3A_0, %dma_start3A_15] : memref<10112x128xf32, #tpu.memory_space<hbm>> -> memref<632x128xf32, #tpu.memory_space<hbm>>
        tpu.enqueue_dma source(%dma_start3A_16 : memref<632x128xf32, #tpu.memory_space<hbm>>) target(%dma_start3A_14 : memref<632x128xf32, #tpu.memory_space<vmem_shared>>) target_semaphore(%run_scoped3A : memref<!tpu.dma_semaphore, #tpu.memory_space<semaphore_mem>>)
        %dma_wait3A = arith.constant 0 : i32
        %dma_wait3A_17 = tpu.memref_slice %arg12[%mul3A_0, %dma_wait3A] : memref<10112x128xf32, #tpu.memory_space<vmem_shared>> -> memref<632x128xf32, #tpu.memory_space<vmem_shared>>
        %dma_wait3A_18 = arith.constant 0 : i32
        %dma_wait3A_19 = tpu.memref_slice %arg6[%mul3A_0, %dma_wait3A_18] : memref<10112x128xf32, #tpu.memory_space<hbm>> -> memref<632x128xf32, #tpu.memory_space<hbm>>
        tpu.wait_dma2 semaphore(%run_scoped3A : memref<!tpu.dma_semaphore, #tpu.memory_space<semaphore_mem>>) src(%dma_wait3A_19 : memref<632x128xf32, #tpu.memory_space<hbm>>) dst(%dma_wait3A_17 : memref<632x128xf32, #tpu.memory_space<vmem_shared>>)
        tpu.yield
      }) : () -> ()
      %barrier3A = arith.constant 0 : index
      tpu.barrier barrier_id(%barrier3A)
      %scan3A = arith.constant 0 : i32
      %scan3A_8 = arith.constant 0 : i32
      %scan3A_9 = arith.constant 5 : i32
      %scan3A_10 = arith.addi %scan3A_8, %scan3A_9 : i32
      %scan3A_11 = arith.constant 1 : i32
      scf.for %scan3A_14 = %scan3A_8 to %scan3A_10 step %scan3A_11  : i32 {
        %mul3A_15 = arith.constant 32 : i32
        %mul3A_16 = arith.muli %scan3A_14, %mul3A_15 : i32
        "tpu.region"() ({
          %run_scoped3A = tpu.sem_alloc : memref<!tpu.dma_semaphore, #tpu.memory_space<semaphore_mem>>
          %dma_start3A = arith.constant 0 : i32
          %dma_start3A_25 = tpu.memref_slice %arg4[%arg1, %mul3A_16, %dma_start3A] : memref<16x160x128xi32, #tpu.memory_space<hbm>> -> memref<1x32x128xi32, #tpu.memory_space<hbm>>
          %dma_start3A_26 = tpu.memref_squeeze %dma_start3A_25 : memref<1x32x128xi32, #tpu.memory_space<hbm>> -> memref<32x128xi32, #tpu.memory_space<hbm>>
          %dma_start3A_27 = arith.constant 0 : i32
          %dma_start3A_28 = tpu.memref_slice %arg4[%arg1, %mul3A_16, %dma_start3A_27] : memref<16x160x128xi32, #tpu.memory_space<hbm>> -> memref<1x32x128xi32, #tpu.memory_space<hbm>>
          %dma_start3A_29 = tpu.memref_squeeze %dma_start3A_28 : memref<1x32x128xi32, #tpu.memory_space<hbm>> -> memref<32x128xi32, #tpu.memory_space<hbm>>
          tpu.enqueue_dma source(%dma_start3A_29 : memref<32x128xi32, #tpu.memory_space<hbm>>) target(%arg9 : memref<32x128xi32, #tpu.memory_space<vmem>>) target_semaphore(%run_scoped3A : memref<!tpu.dma_semaphore, #tpu.memory_space<semaphore_mem>>)
          %dma_wait3A = arith.constant 0 : i32
          %dma_wait3A_30 = tpu.memref_slice %arg4[%arg1, %mul3A_16, %dma_wait3A] : memref<16x160x128xi32, #tpu.memory_space<hbm>> -> memref<1x32x128xi32, #tpu.memory_space<hbm>>
          %dma_wait3A_31 = tpu.memref_squeeze %dma_wait3A_30 : memref<1x32x128xi32, #tpu.memory_space<hbm>> -> memref<32x128xi32, #tpu.memory_space<hbm>>
          %dma_wait3A_32 = arith.constant 0 : i32
          %dma_wait3A_33 = tpu.memref_slice %arg4[%arg1, %mul3A_16, %dma_wait3A_32] : memref<16x160x128xi32, #tpu.memory_space<hbm>> -> memref<1x32x128xi32, #tpu.memory_space<hbm>>
          %dma_wait3A_34 = tpu.memref_squeeze %dma_wait3A_33 : memref<1x32x128xi32, #tpu.memory_space<hbm>> -> memref<32x128xi32, #tpu.memory_space<hbm>>
          tpu.wait_dma2 semaphore(%run_scoped3A : memref<!tpu.dma_semaphore, #tpu.memory_space<semaphore_mem>>) src(%dma_wait3A_34 : memref<32x128xi32, #tpu.memory_space<hbm>>) dst(%arg9 : memref<32x128xi32, #tpu.memory_space<vmem>>)
          tpu.yield
        }) : () -> ()
        %mul3A_17 = arith.constant 32 : i32
        %mul3A_18 = arith.muli %scan3A_14, %mul3A_17 : i32
        "tpu.region"() ({
          %run_scoped3A = tpu.sem_alloc : memref<!tpu.dma_semaphore, #tpu.memory_space<semaphore_mem>>
          %dma_start3A = arith.constant 0 : i32
          %dma_start3A_25 = tpu.memref_slice %arg5[%arg1, %mul3A_18, %dma_start3A] : memref<16x160x128xi32, #tpu.memory_space<hbm>> -> memref<1x32x128xi32, #tpu.memory_space<hbm>>
          %dma_start3A_26 = tpu.memref_squeeze %dma_start3A_25 : memref<1x32x128xi32, #tpu.memory_space<hbm>> -> memref<32x128xi32, #tpu.memory_space<hbm>>
          %dma_start3A_27 = arith.constant 0 : i32
          %dma_start3A_28 = tpu.memref_slice %arg5[%arg1, %mul3A_18, %dma_start3A_27] : memref<16x160x128xi32, #tpu.memory_space<hbm>> -> memref<1x32x128xi32, #tpu.memory_space<hbm>>
          %dma_start3A_29 = tpu.memref_squeeze %dma_start3A_28 : memref<1x32x128xi32, #tpu.memory_space<hbm>> -> memref<32x128xi32, #tpu.memory_space<hbm>>
          tpu.enqueue_dma source(%dma_start3A_29 : memref<32x128xi32, #tpu.memory_space<hbm>>) target(%arg10 : memref<32x128xi32, #tpu.memory_space<vmem>>) target_semaphore(%run_scoped3A : memref<!tpu.dma_semaphore, #tpu.memory_space<semaphore_mem>>)
          %dma_wait3A = arith.constant 0 : i32
          %dma_wait3A_30 = tpu.memref_slice %arg5[%arg1, %mul3A_18, %dma_wait3A] : memref<16x160x128xi32, #tpu.memory_space<hbm>> -> memref<1x32x128xi32, #tpu.memory_space<hbm>>
          %dma_wait3A_31 = tpu.memref_squeeze %dma_wait3A_30 : memref<1x32x128xi32, #tpu.memory_space<hbm>> -> memref<32x128xi32, #tpu.memory_space<hbm>>
          %dma_wait3A_32 = arith.constant 0 : i32
          %dma_wait3A_33 = tpu.memref_slice %arg5[%arg1, %mul3A_18, %dma_wait3A_32] : memref<16x160x128xi32, #tpu.memory_space<hbm>> -> memref<1x32x128xi32, #tpu.memory_space<hbm>>
          %dma_wait3A_34 = tpu.memref_squeeze %dma_wait3A_33 : memref<1x32x128xi32, #tpu.memory_space<hbm>> -> memref<32x128xi32, #tpu.memory_space<hbm>>
          tpu.wait_dma2 semaphore(%run_scoped3A : memref<!tpu.dma_semaphore, #tpu.memory_space<semaphore_mem>>) src(%dma_wait3A_34 : memref<32x128xi32, #tpu.memory_space<hbm>>) dst(%arg10 : memref<32x128xi32, #tpu.memory_space<vmem>>)
          tpu.yield
        }) : () -> ()
        %scan3A_19 = arith.constant 0 : i32
        %scan3A_20 = arith.constant 0 : i32
        %scan3A_21 = arith.constant 32 : i32
        %scan3A_22 = arith.addi %scan3A_20, %scan3A_21 : i32
        %scan3A_23 = arith.constant 1 : i32
        scf.for %scan3A_25 = %scan3A_20 to %scan3A_22 step %scan3A_23  : i32 {
          %dma_start3A = arith.constant 0 : i32
          %dma_start3A_26 = tpu.memref_slice %arg9[%scan3A_25, %dma_start3A] : memref<32x128xi32, #tpu.memory_space<vmem>> -> memref<1x128xi32, #tpu.memory_space<vmem>>
          %dma_start3A_27 = tpu.memref_squeeze %dma_start3A_26 : memref<1x128xi32, #tpu.memory_space<vmem>> -> memref<128xi32, #tpu.memory_space<vmem>>
          %dma_start3A_28 = arith.constant 0 : i32
          %dma_start3A_29 = arith.constant 0 : i32
          %dma_start3A_30 = tpu.memref_slice %arg3[%dma_start3A_28, %dma_start3A_29] : memref<10000x128xf32, #tpu.memory_space<hbm>> -> memref<10000x128xf32, #tpu.memory_space<hbm>>
          tpu.enqueue_indirect_dma source(%dma_start3A_30 : memref<10000x128xf32, #tpu.memory_space<hbm>>) target(%arg11 : memref<128x128xf32, #tpu.memory_space<vmem>>) offsets(%dma_start3A_27 : memref<128xi32, #tpu.memory_space<vmem>>) semaphore(%arg13 : memref<!tpu.dma_semaphore, #tpu.memory_space<semaphore_mem>>)
          %dma_wait3A = arith.constant 0 : i32
          %dma_wait3A_31 = tpu.memref_slice %arg9[%scan3A_25, %dma_wait3A] : memref<32x128xi32, #tpu.memory_space<vmem>> -> memref<1x128xi32, #tpu.memory_space<vmem>>
          %dma_wait3A_32 = tpu.memref_squeeze %dma_wait3A_31 : memref<1x128xi32, #tpu.memory_space<vmem>> -> memref<128xi32, #tpu.memory_space<vmem>>
          %dma_wait3A_33 = arith.constant 0 : i32
          %dma_wait3A_34 = arith.constant 0 : i32
          %dma_wait3A_35 = tpu.memref_slice %arg3[%dma_wait3A_33, %dma_wait3A_34] : memref<10000x128xf32, #tpu.memory_space<hbm>> -> memref<10000x128xf32, #tpu.memory_space<hbm>>
          tpu.wait_indirect_dma semaphore(%arg13 : memref<!tpu.dma_semaphore, #tpu.memory_space<semaphore_mem>>) src(%dma_wait3A_35 : memref<10000x128xf32, #tpu.memory_space<hbm>>) dst(%arg11 : memref<128x128xf32, #tpu.memory_space<vmem>>)
          "tpu.region"() ({
            %run_scoped3A = tpu.sem_alloc : memref<!tpu.dma_semaphore, #tpu.memory_space<semaphore_mem>>
            %dma_start3A_36 = arith.constant 0 : i32
            %dma_start3A_37 = tpu.memref_slice %arg10[%scan3A_25, %dma_start3A_36] : memref<32x128xi32, #tpu.memory_space<vmem>> -> memref<1x128xi32, #tpu.memory_space<vmem>>
            %dma_start3A_38 = tpu.memref_squeeze %dma_start3A_37 : memref<1x128xi32, #tpu.memory_space<vmem>> -> memref<128xi32, #tpu.memory_space<vmem>>
            %dma_start3A_39 = arith.constant 0 : i32
            %dma_start3A_40 = arith.constant 0 : i32
            %dma_start3A_41 = tpu.memref_slice %arg12[%dma_start3A_39, %dma_start3A_40] : memref<10112x128xf32, #tpu.memory_space<vmem_shared>> -> memref<10112x128xf32, #tpu.memory_space<vmem_shared>>
            tpu.enqueue_indirect_dma source(%arg11 : memref<128x128xf32, #tpu.memory_space<vmem>>) target(%dma_start3A_41 : memref<10112x128xf32, #tpu.memory_space<vmem_shared>>) offsets(%dma_start3A_38 : memref<128xi32, #tpu.memory_space<vmem>>) semaphore(%run_scoped3A : memref<!tpu.dma_semaphore, #tpu.memory_space<semaphore_mem>>) {add = true}
            %dma_wait3A_42 = arith.constant 0 : i32
            %dma_wait3A_43 = tpu.memref_slice %arg10[%scan3A_25, %dma_wait3A_42] : memref<32x128xi32, #tpu.memory_space<vmem>> -> memref<1x128xi32, #tpu.memory_space<vmem>>
            %dma_wait3A_44 = tpu.memref_squeeze %dma_wait3A_43 : memref<1x128xi32, #tpu.memory_space<vmem>> -> memref<128xi32, #tpu.memory_space<vmem>>
            %dma_wait3A_45 = arith.constant 0 : i32
            %dma_wait3A_46 = arith.constant 0 : i32
            %dma_wait3A_47 = tpu.memref_slice %arg12[%dma_wait3A_45, %dma_wait3A_46] : memref<10112x128xf32, #tpu.memory_space<vmem_shared>> -> memref<10112x128xf32, #tpu.memory_space<vmem_shared>>
            tpu.wait_indirect_dma semaphore(%run_scoped3A : memref<!tpu.dma_semaphore, #tpu.memory_space<semaphore_mem>>) src(%arg11 : memref<128x128xf32, #tpu.memory_space<vmem>>) dst(%dma_wait3A_47 : memref<10112x128xf32, #tpu.memory_space<vmem_shared>>)
            tpu.yield
          }) : () -> ()
        }
        %scan3A_24 = arith.constant 32 : i32
      }
      %scan3A_12 = arith.constant 5 : i32
      %barrier3A_13 = arith.constant 0 : index
      tpu.barrier barrier_id(%barrier3A_13)
      "tpu.region"() ({
        %run_scoped3A = tpu.sem_alloc : memref<!tpu.dma_semaphore, #tpu.memory_space<semaphore_mem>>
        %dma_start3A = arith.constant 0 : i32
        %dma_start3A_14 = tpu.memref_slice %arg8[%mul3A_0, %dma_start3A] : memref<10112x128xf32, #tpu.memory_space<hbm>> -> memref<632x128xf32, #tpu.memory_space<hbm>>
        %dma_start3A_15 = arith.constant 0 : i32
        %dma_start3A_16 = tpu.memref_slice %arg12[%mul3A_0, %dma_start3A_15] : memref<10112x128xf32, #tpu.memory_space<vmem_shared>> -> memref<632x128xf32, #tpu.memory_space<vmem_shared>>
        tpu.enqueue_dma source(%dma_start3A_16 : memref<632x128xf32, #tpu.memory_space<vmem_shared>>) target(%dma_start3A_14 : memref<632x128xf32, #tpu.memory_space<hbm>>) target_semaphore(%run_scoped3A : memref<!tpu.dma_semaphore, #tpu.memory_space<semaphore_mem>>)
        %dma_wait3A = arith.constant 0 : i32
        %dma_wait3A_17 = tpu.memref_slice %arg8[%mul3A_0, %dma_wait3A] : memref<10112x128xf32, #tpu.memory_space<hbm>> -> memref<632x128xf32, #tpu.memory_space<hbm>>
        %dma_wait3A_18 = arith.constant 0 : i32
        %dma_wait3A_19 = tpu.memref_slice %arg12[%mul3A_0, %dma_wait3A_18] : memref<10112x128xf32, #tpu.memory_space<vmem_shared>> -> memref<632x128xf32, #tpu.memory_space<vmem_shared>>
        tpu.wait_dma2 semaphore(%run_scoped3A : memref<!tpu.dma_semaphore, #tpu.memory_space<semaphore_mem>>) src(%dma_wait3A_19 : memref<632x128xf32, #tpu.memory_space<vmem_shared>>) dst(%dma_wait3A_17 : memref<632x128xf32, #tpu.memory_space<hbm>>)
        tpu.yield
      }) : () -> ()
    } else {
    }
    return
  }
}

module attributes {stable_mosaic.version = 14 : i64} {
  func.func @_t1_body(%arg0: i32, %arg1: memref<1000x128xf32, #tpu.memory_space<vmem>>, %arg2: memref<128x256xf32, #tpu.memory_space<vmem>>, %arg3: memref<1x256xf32, #tpu.memory_space<vmem>>, %arg4: memref<256x256xf32, #tpu.memory_space<vmem>>, %arg5: memref<1000x256xf32, #tpu.memory_space<vmem>>, %arg6: memref<1000x128xf32, #tpu.memory_space<vmem>>, %arg7: memref<1000x128xf32, #tpu.memory_space<vmem>>) attributes {dimension_semantics = [#tpu.dimension_semantics<arbitrary>], iteration_bounds = array<i64: 10>, scalar_prefetch = 0 : i64, scratch_operands = 0 : i64, tpu.core_type = #tpu.core_type<tc>, window_params = [{transform_indices = @transform_0, window_bounds = array<i64: 1000, 128>}, {pipeline_mode = #tpu.pipeline_mode<synchronous>, transform_indices = @transform_1, window_bounds = array<i64: 128, 256>}, {pipeline_mode = #tpu.pipeline_mode<synchronous>, transform_indices = @transform_2, window_bounds = array<i64: 1, 256>}, {pipeline_mode = #tpu.pipeline_mode<synchronous>, transform_indices = @transform_3, window_bounds = array<i64: 256, 256>}, {transform_indices = @transform_4, window_bounds = array<i64: 1000, 256>}, {transform_indices = @transform_5, window_bounds = array<i64: 1000, 128>}, {transform_indices = @transform_6, window_bounds = array<i64: 1000, 128>}]} {
    %get3A = arith.constant 0 : index
    %get3A_0 = arith.constant 0 : index
    %get3A_1 = vector.load %arg1[%get3A, %get3A_0] : memref<1000x128xf32, #tpu.memory_space<vmem>>, vector<1000x128xf32>
    %get3A_2 = arith.constant 0 : index
    %get3A_3 = arith.constant 0 : index
    %get3A_4 = vector.load %arg2[%get3A_2, %get3A_3] : memref<128x256xf32, #tpu.memory_space<vmem>>, vector<128x256xf32>
    %dot_general3A = arith.constant dense<0.000000e+00> : vector<1000x256xf32>
    %dot_general3A_5 = tpu.matmul %get3A_1, %get3A_4, %dot_general3A {dimension_numbers = #tpu.dot_dimension_numbers<[1], [0], [0], [1], [0, 0, 1, 1], [], []>, transpose_lhs_hint = false} : vector<1000x128xf32>, vector<128x256xf32>, vector<1000x256xf32> -> vector<1000x256xf32>
    %get3A_6 = arith.constant 0 : index
    %get3A_7 = arith.constant 0 : index
    %get3A_8 = vector.load %arg3[%get3A_6, %get3A_7] : memref<1x256xf32, #tpu.memory_space<vmem>>, vector<1x256xf32>
    %add3A = vector.broadcast %get3A_8 : vector<1x256xf32> to vector<1000x256xf32>
    %add3A_9 = arith.addf %dot_general3A_5, %add3A : vector<1000x256xf32>
    %max3A = arith.constant 0.000000e+00 : f32
    %max3A_10 = vector.broadcast %max3A : f32 to vector<1000x256xf32>
    %max3A_11 = arith.maximumf %add3A_9, %max3A_10 : vector<1000x256xf32>
    %swap3A = arith.constant 0 : index
    %swap3A_12 = arith.constant 0 : index
    %swap3A_13 = vector.load %arg5[%swap3A, %swap3A_12] : memref<1000x256xf32, #tpu.memory_space<vmem>>, vector<1000x256xf32>
    tpu.vector_store %arg5[%swap3A, %swap3A_12], %max3A_11 {strides = array<i32>} : memref<1000x256xf32, #tpu.memory_space<vmem>>, vector<1000x256xf32>,
    %get3A_14 = arith.constant 0 : index
    %get3A_15 = arith.constant 0 : index
    %get3A_16 = vector.load %arg4[%get3A_14, %get3A_15] : memref<256x256xf32, #tpu.memory_space<vmem>>, vector<256x256xf32>
    %dot_general3A_17 = arith.constant dense<0.000000e+00> : vector<1000x256xf32>
    %dot_general3A_18 = tpu.matmul %max3A_11, %get3A_16, %dot_general3A_17 {dimension_numbers = #tpu.dot_dimension_numbers<[1], [0], [0], [1], [0, 0, 1, 1], [], []>, transpose_lhs_hint = false} : vector<1000x256xf32>, vector<256x256xf32>, vector<1000x256xf32> -> vector<1000x256xf32>
    %slice3A = vector.extract_strided_slice %dot_general3A_18 {offsets = [0, 0], sizes = [1000, 128], strides = [1, 1]} : vector<1000x256xf32> to vector<1000x128xf32>
    %swap3A_19 = arith.constant 0 : index
    %swap3A_20 = arith.constant 0 : index
    %swap3A_21 = vector.load %arg6[%swap3A_19, %swap3A_20] : memref<1000x128xf32, #tpu.memory_space<vmem>>, vector<1000x128xf32>
    tpu.vector_store %arg6[%swap3A_19, %swap3A_20], %slice3A {strides = array<i32>} : memref<1000x128xf32, #tpu.memory_space<vmem>>, vector<1000x128xf32>,
    %slice3A_22 = vector.extract_strided_slice %dot_general3A_18 {offsets = [0, 128], sizes = [1000, 128], strides = [1, 1]} : vector<1000x256xf32> to vector<1000x128xf32>
    %swap3A_23 = arith.constant 0 : index
    %swap3A_24 = arith.constant 0 : index
    %swap3A_25 = vector.load %arg7[%swap3A_23, %swap3A_24] : memref<1000x128xf32, #tpu.memory_space<vmem>>, vector<1000x128xf32>
    tpu.vector_store %arg7[%swap3A_23, %swap3A_24], %slice3A_22 {strides = array<i32>} : memref<1000x128xf32, #tpu.memory_space<vmem>>, vector<1000x128xf32>,
    return
  }
  func.func @transform_0(%arg0: i32) -> (i32, i32) {
    %c0_i32 = arith.constant 0 : i32
    %c0_i32_0 = arith.constant 0 : i32
    return %arg0, %c0_i32 : i32, i32
  }
  func.func @transform_1(%arg0: i32) -> (i32, i32) {
    %c0_i32 = arith.constant 0 : i32
    %c0_i32_0 = arith.constant 0 : i32
    %c0_i32_1 = arith.constant 0 : i32
    return %c0_i32, %c0_i32_0 : i32, i32
  }
  func.func @transform_2(%arg0: i32) -> (i32, i32) {
    %c0_i32 = arith.constant 0 : i32
    %c0_i32_0 = arith.constant 0 : i32
    %c0_i32_1 = arith.constant 0 : i32
    return %c0_i32, %c0_i32_0 : i32, i32
  }
  func.func @transform_3(%arg0: i32) -> (i32, i32) {
    %c0_i32 = arith.constant 0 : i32
    %c0_i32_0 = arith.constant 0 : i32
    %c0_i32_1 = arith.constant 0 : i32
    return %c0_i32, %c0_i32_0 : i32, i32
  }
  func.func @transform_4(%arg0: i32) -> (i32, i32) {
    %c0_i32 = arith.constant 0 : i32
    %c0_i32_0 = arith.constant 0 : i32
    return %arg0, %c0_i32 : i32, i32
  }
  func.func @transform_5(%arg0: i32) -> (i32, i32) {
    %c0_i32 = arith.constant 0 : i32
    %c0_i32_0 = arith.constant 0 : i32
    return %arg0, %c0_i32 : i32, i32
  }
  func.func @transform_6(%arg0: i32) -> (i32, i32) {
    %c0_i32 = arith.constant 0 : i32
    %c0_i32_0 = arith.constant 0 : i32
    return %arg0, %c0_i32 : i32, i32
  }
}

module attributes {stable_mosaic.version = 14 : i64} {
  func.func @_t2a_body(%arg0: i32, %arg1: memref<1000x128xf32, #tpu.memory_space<vmem>>, %arg2: memref<1000x128xf32, #tpu.memory_space<vmem>>, %arg3: memref<1000x256xf32, #tpu.memory_space<vmem>>, %arg4: memref<128x768xf32, #tpu.memory_space<vmem>>, %arg5: memref<128x768xf32, #tpu.memory_space<vmem>>, %arg6: memref<256x768xf32, #tpu.memory_space<vmem>>, %arg7: memref<1x768xf32, #tpu.memory_space<vmem>>, %arg8: memref<1x768xf32, #tpu.memory_space<vmem>>, %arg9: memref<256x256xf32, #tpu.memory_space<vmem>>, %arg10: memref<1000x256xf32, #tpu.memory_space<vmem>>, %arg11: memref<1000x128xf32, #tpu.memory_space<vmem>>, %arg12: memref<1000x128xf32, #tpu.memory_space<vmem>>) attributes {dimension_semantics = [#tpu.dimension_semantics<arbitrary>], iteration_bounds = array<i64: 10>, scalar_prefetch = 0 : i64, scratch_operands = 0 : i64, tpu.core_type = #tpu.core_type<tc>, window_params = [{transform_indices = @transform_0, window_bounds = array<i64: 1000, 128>}, {transform_indices = @transform_1, window_bounds = array<i64: 1000, 128>}, {transform_indices = @transform_2, window_bounds = array<i64: 1000, 256>}, {pipeline_mode = #tpu.pipeline_mode<synchronous>, transform_indices = @transform_3, window_bounds = array<i64: 128, 768>}, {pipeline_mode = #tpu.pipeline_mode<synchronous>, transform_indices = @transform_4, window_bounds = array<i64: 128, 768>}, {pipeline_mode = #tpu.pipeline_mode<synchronous>, transform_indices = @transform_5, window_bounds = array<i64: 256, 768>}, {pipeline_mode = #tpu.pipeline_mode<synchronous>, transform_indices = @transform_6, window_bounds = array<i64: 1, 768>}, {pipeline_mode = #tpu.pipeline_mode<synchronous>, transform_indices = @transform_7, window_bounds = array<i64: 1, 768>}, {pipeline_mode = #tpu.pipeline_mode<synchronous>, transform_indices = @transform_8, window_bounds = array<i64: 256, 256>}, {transform_indices = @transform_9, window_bounds = array<i64: 1000, 256>}, {transform_indices = @transform_10, window_bounds = array<i64: 1000, 128>}, {transform_indices = @transform_11, window_bounds = array<i64: 1000, 128>}]} {
    %get3A = arith.constant 0 : index
    %get3A_0 = arith.constant 0 : index
    %get3A_1 = vector.load %arg1[%get3A, %get3A_0] : memref<1000x128xf32, #tpu.memory_space<vmem>>, vector<1000x128xf32>
    %get3A_2 = arith.constant 0 : index
    %get3A_3 = arith.constant 0 : index
    %get3A_4 = vector.load %arg2[%get3A_2, %get3A_3] : memref<1000x128xf32, #tpu.memory_space<vmem>>, vector<1000x128xf32>
    %get3A_5 = arith.constant 0 : index
    %get3A_6 = arith.constant 0 : index
    %get3A_7 = vector.load %arg3[%get3A_5, %get3A_6] : memref<1000x256xf32, #tpu.memory_space<vmem>>, vector<1000x256xf32>
    %get3A_8 = arith.constant 0 : index
    %get3A_9 = arith.constant 0 : index
    %get3A_10 = vector.load %arg4[%get3A_8, %get3A_9] : memref<128x768xf32, #tpu.memory_space<vmem>>, vector<128x768xf32>
    %get3A_11 = arith.constant 0 : index
    %get3A_12 = arith.constant 0 : index
    %get3A_13 = vector.load %arg5[%get3A_11, %get3A_12] : memref<128x768xf32, #tpu.memory_space<vmem>>, vector<128x768xf32>
    %get3A_14 = arith.constant 0 : index
    %get3A_15 = arith.constant 0 : index
    %get3A_16 = vector.load %arg6[%get3A_14, %get3A_15] : memref<256x768xf32, #tpu.memory_space<vmem>>, vector<256x768xf32>
    %get3A_17 = arith.constant 0 : index
    %get3A_18 = arith.constant 0 : index
    %get3A_19 = vector.load %arg7[%get3A_17, %get3A_18] : memref<1x768xf32, #tpu.memory_space<vmem>>, vector<1x768xf32>
    %get3A_20 = arith.constant 0 : index
    %get3A_21 = arith.constant 0 : index
    %get3A_22 = vector.load %arg8[%get3A_20, %get3A_21] : memref<1x768xf32, #tpu.memory_space<vmem>>, vector<1x768xf32>
    %dot_general3A = arith.constant dense<0.000000e+00> : vector<1000x768xf32>
    %dot_general3A_23 = tpu.matmul %get3A_1, %get3A_10, %dot_general3A {dimension_numbers = #tpu.dot_dimension_numbers<[1], [0], [0], [1], [0, 0, 1, 1], [], []>, transpose_lhs_hint = false} : vector<1000x128xf32>, vector<128x768xf32>, vector<1000x768xf32> -> vector<1000x768xf32>
    %dot_general3A_24 = arith.constant dense<0.000000e+00> : vector<1000x768xf32>
    %dot_general3A_25 = tpu.matmul %get3A_4, %get3A_13, %dot_general3A_24 {dimension_numbers = #tpu.dot_dimension_numbers<[1], [0], [0], [1], [0, 0, 1, 1], [], []>, transpose_lhs_hint = false} : vector<1000x128xf32>, vector<128x768xf32>, vector<1000x768xf32> -> vector<1000x768xf32>
    %add3A = arith.addf %dot_general3A_23, %dot_general3A_25 : vector<1000x768xf32>
    %add3A_26 = vector.broadcast %get3A_19 : vector<1x768xf32> to vector<1000x768xf32>
    %add3A_27 = arith.addf %add3A, %add3A_26 : vector<1000x768xf32>
    %dot_general3A_28 = arith.constant dense<0.000000e+00> : vector<1000x768xf32>
    %dot_general3A_29 = tpu.matmul %get3A_7, %get3A_16, %dot_general3A_28 {dimension_numbers = #tpu.dot_dimension_numbers<[1], [0], [0], [1], [0, 0, 1, 1], [], []>, transpose_lhs_hint = false} : vector<1000x256xf32>, vector<256x768xf32>, vector<1000x768xf32> -> vector<1000x768xf32>
    %add3A_30 = vector.broadcast %get3A_22 : vector<1x768xf32> to vector<1000x768xf32>
    %add3A_31 = arith.addf %dot_general3A_29, %add3A_30 : vector<1000x768xf32>
    %slice3A = vector.extract_strided_slice %add3A_27 {offsets = [0, 0], sizes = [1000, 256], strides = [1, 1]} : vector<1000x768xf32> to vector<1000x256xf32>
    %slice3A_32 = vector.extract_strided_slice %add3A_31 {offsets = [0, 0], sizes = [1000, 256], strides = [1, 1]} : vector<1000x768xf32> to vector<1000x256xf32>
    %add3A_33 = arith.addf %slice3A, %slice3A_32 : vector<1000x256xf32>
    %neg3A = arith.constant 0.000000e+00 : f32
    %neg3A_34 = vector.broadcast %neg3A : f32 to vector<1000x256xf32>
    %neg3A_35 = arith.subf %neg3A_34, %add3A_33 : vector<1000x256xf32>
    %exp3A = math.exp %neg3A_35 : vector<1000x256xf32>
    %add3A_36 = arith.constant 1.000000e+00 : f32
    %add3A_37 = vector.broadcast %add3A_36 : f32 to vector<1000x256xf32>
    %add3A_38 = arith.addf %add3A_37, %exp3A : vector<1000x256xf32>
    %div3A = arith.constant 1.000000e+00 : f32
    %div3A_39 = vector.broadcast %div3A : f32 to vector<1000x256xf32>
    %div3A_40 = arith.divf %div3A_39, %add3A_38 : vector<1000x256xf32>
    %slice3A_41 = vector.extract_strided_slice %add3A_27 {offsets = [0, 256], sizes = [1000, 256], strides = [1, 1]} : vector<1000x768xf32> to vector<1000x256xf32>
    %slice3A_42 = vector.extract_strided_slice %add3A_31 {offsets = [0, 256], sizes = [1000, 256], strides = [1, 1]} : vector<1000x768xf32> to vector<1000x256xf32>
    %add3A_43 = arith.addf %slice3A_41, %slice3A_42 : vector<1000x256xf32>
    %neg3A_44 = arith.constant 0.000000e+00 : f32
    %neg3A_45 = vector.broadcast %neg3A_44 : f32 to vector<1000x256xf32>
    %neg3A_46 = arith.subf %neg3A_45, %add3A_43 : vector<1000x256xf32>
    %exp3A_47 = math.exp %neg3A_46 : vector<1000x256xf32>
    %add3A_48 = arith.constant 1.000000e+00 : f32
    %add3A_49 = vector.broadcast %add3A_48 : f32 to vector<1000x256xf32>
    %add3A_50 = arith.addf %add3A_49, %exp3A_47 : vector<1000x256xf32>
    %div3A_51 = arith.constant 1.000000e+00 : f32
    %div3A_52 = vector.broadcast %div3A_51 : f32 to vector<1000x256xf32>
    %div3A_53 = arith.divf %div3A_52, %add3A_50 : vector<1000x256xf32>
    %slice3A_54 = vector.extract_strided_slice %add3A_27 {offsets = [0, 512], sizes = [1000, 256], strides = [1, 1]} : vector<1000x768xf32> to vector<1000x256xf32>
    %slice3A_55 = vector.extract_strided_slice %add3A_31 {offsets = [0, 512], sizes = [1000, 256], strides = [1, 1]} : vector<1000x768xf32> to vector<1000x256xf32>
    %mul3A = arith.mulf %div3A_40, %slice3A_55 : vector<1000x256xf32>
    %add3A_56 = arith.addf %slice3A_54, %mul3A : vector<1000x256xf32>
    %tanh3A = math.tanh %add3A_56 : vector<1000x256xf32>
    %sub3A = arith.constant 1.000000e+00 : f32
    %sub3A_57 = vector.broadcast %sub3A : f32 to vector<1000x256xf32>
    %sub3A_58 = arith.subf %sub3A_57, %div3A_53 : vector<1000x256xf32>
    %mul3A_59 = arith.mulf %sub3A_58, %tanh3A : vector<1000x256xf32>
    %mul3A_60 = arith.mulf %div3A_53, %get3A_7 : vector<1000x256xf32>
    %add3A_61 = arith.addf %mul3A_59, %mul3A_60 : vector<1000x256xf32>
    %swap3A = arith.constant 0 : index
    %swap3A_62 = arith.constant 0 : index
    %swap3A_63 = vector.load %arg10[%swap3A, %swap3A_62] : memref<1000x256xf32, #tpu.memory_space<vmem>>, vector<1000x256xf32>
    tpu.vector_store %arg10[%swap3A, %swap3A_62], %add3A_61 {strides = array<i32>} : memref<1000x256xf32, #tpu.memory_space<vmem>>, vector<1000x256xf32>,
    %get3A_64 = arith.constant 0 : index
    %get3A_65 = arith.constant 0 : index
    %get3A_66 = vector.load %arg9[%get3A_64, %get3A_65] : memref<256x256xf32, #tpu.memory_space<vmem>>, vector<256x256xf32>
    %dot_general3A_67 = arith.constant dense<0.000000e+00> : vector<1000x256xf32>
    %dot_general3A_68 = tpu.matmul %add3A_61, %get3A_66, %dot_general3A_67 {dimension_numbers = #tpu.dot_dimension_numbers<[1], [0], [0], [1], [0, 0, 1, 1], [], []>, transpose_lhs_hint = false} : vector<1000x256xf32>, vector<256x256xf32>, vector<1000x256xf32> -> vector<1000x256xf32>
    %slice3A_69 = vector.extract_strided_slice %dot_general3A_68 {offsets = [0, 0], sizes = [1000, 128], strides = [1, 1]} : vector<1000x256xf32> to vector<1000x128xf32>
    %swap3A_70 = arith.constant 0 : index
    %swap3A_71 = arith.constant 0 : index
    %swap3A_72 = vector.load %arg11[%swap3A_70, %swap3A_71] : memref<1000x128xf32, #tpu.memory_space<vmem>>, vector<1000x128xf32>
    tpu.vector_store %arg11[%swap3A_70, %swap3A_71], %slice3A_69 {strides = array<i32>} : memref<1000x128xf32, #tpu.memory_space<vmem>>, vector<1000x128xf32>,
    %slice3A_73 = vector.extract_strided_slice %dot_general3A_68 {offsets = [0, 128], sizes = [1000, 128], strides = [1, 1]} : vector<1000x256xf32> to vector<1000x128xf32>
    %swap3A_74 = arith.constant 0 : index
    %swap3A_75 = arith.constant 0 : index
    %swap3A_76 = vector.load %arg12[%swap3A_74, %swap3A_75] : memref<1000x128xf32, #tpu.memory_space<vmem>>, vector<1000x128xf32>
    tpu.vector_store %arg12[%swap3A_74, %swap3A_75], %slice3A_73 {strides = array<i32>} : memref<1000x128xf32, #tpu.memory_space<vmem>>, vector<1000x128xf32>,
    return
  }
  func.func @transform_0(%arg0: i32) -> (i32, i32) {
    %c0_i32 = arith.constant 0 : i32
    %c0_i32_0 = arith.constant 0 : i32
    return %arg0, %c0_i32 : i32, i32
  }
  func.func @transform_1(%arg0: i32) -> (i32, i32) {
    %c0_i32 = arith.constant 0 : i32
    %c0_i32_0 = arith.constant 0 : i32
    return %arg0, %c0_i32 : i32, i32
  }
  func.func @transform_2(%arg0: i32) -> (i32, i32) {
    %c0_i32 = arith.constant 0 : i32
    %c0_i32_0 = arith.constant 0 : i32
    return %arg0, %c0_i32 : i32, i32
  }
  func.func @transform_3(%arg0: i32) -> (i32, i32) {
    %c0_i32 = arith.constant 0 : i32
    %c0_i32_0 = arith.constant 0 : i32
    %c0_i32_1 = arith.constant 0 : i32
    return %c0_i32, %c0_i32_0 : i32, i32
  }
  func.func @transform_4(%arg0: i32) -> (i32, i32) {
    %c0_i32 = arith.constant 0 : i32
    %c0_i32_0 = arith.constant 0 : i32
    %c0_i32_1 = arith.constant 0 : i32
    return %c0_i32, %c0_i32_0 : i32, i32
  }
  func.func @transform_5(%arg0: i32) -> (i32, i32) {
    %c0_i32 = arith.constant 0 : i32
    %c0_i32_0 = arith.constant 0 : i32
    %c0_i32_1 = arith.constant 0 : i32
    return %c0_i32, %c0_i32_0 : i32, i32
  }
  func.func @transform_6(%arg0: i32) -> (i32, i32) {
    %c0_i32 = arith.constant 0 : i32
    %c0_i32_0 = arith.constant 0 : i32
    %c0_i32_1 = arith.constant 0 : i32
    return %c0_i32, %c0_i32_0 : i32, i32
  }
  func.func @transform_7(%arg0: i32) -> (i32, i32) {
    %c0_i32 = arith.constant 0 : i32
    %c0_i32_0 = arith.constant 0 : i32
    %c0_i32_1 = arith.constant 0 : i32
    return %c0_i32, %c0_i32_0 : i32, i32
  }
  func.func @transform_8(%arg0: i32) -> (i32, i32) {
    %c0_i32 = arith.constant 0 : i32
    %c0_i32_0 = arith.constant 0 : i32
    %c0_i32_1 = arith.constant 0 : i32
    return %c0_i32, %c0_i32_0 : i32, i32
  }
  func.func @transform_9(%arg0: i32) -> (i32, i32) {
    %c0_i32 = arith.constant 0 : i32
    %c0_i32_0 = arith.constant 0 : i32
    return %arg0, %c0_i32 : i32, i32
  }
  func.func @transform_10(%arg0: i32) -> (i32, i32) {
    %c0_i32 = arith.constant 0 : i32
    %c0_i32_0 = arith.constant 0 : i32
    return %arg0, %c0_i32 : i32, i32
  }
  func.func @transform_11(%arg0: i32) -> (i32, i32) {
    %c0_i32 = arith.constant 0 : i32
    %c0_i32_0 = arith.constant 0 : i32
    return %arg0, %c0_i32 : i32, i32
  }
}

module attributes {stable_mosaic.version = 14 : i64} {
  func.func @_t2b_body(%arg0: i32, %arg1: memref<1000x128xf32, #tpu.memory_space<vmem>>, %arg2: memref<1000x128xf32, #tpu.memory_space<vmem>>, %arg3: memref<1000x256xf32, #tpu.memory_space<vmem>>, %arg4: memref<128x768xf32, #tpu.memory_space<vmem>>, %arg5: memref<128x768xf32, #tpu.memory_space<vmem>>, %arg6: memref<256x768xf32, #tpu.memory_space<vmem>>, %arg7: memref<1x768xf32, #tpu.memory_space<vmem>>, %arg8: memref<1x768xf32, #tpu.memory_space<vmem>>, %arg9: memref<256x128xf32, #tpu.memory_space<vmem>>, %arg10: memref<1x128xf32, #tpu.memory_space<vmem>>, %arg11: memref<128x1xf32, #tpu.memory_space<vmem>>, %arg12: memref<1x1xf32, #tpu.memory_space<vmem>>, %arg13: memref<1000x1xi32, #tpu.memory_space<vmem>>, %arg14: memref<1000x1xf32, #tpu.memory_space<vmem>>, %arg15: memref<64x256xf32, #tpu.memory_space<vmem>>, %arg16: memref<64x256xf32, #tpu.memory_space<vmem>>, %arg17: memref<64x1xf32, #tpu.memory_space<vmem>>) attributes {dimension_semantics = [#tpu.dimension_semantics<arbitrary>], iteration_bounds = array<i64: 10>, scalar_prefetch = 0 : i64, scratch_operands = 0 : i64, tpu.core_type = #tpu.core_type<tc>, window_params = [{transform_indices = @transform_0, window_bounds = array<i64: 1000, 128>}, {transform_indices = @transform_1, window_bounds = array<i64: 1000, 128>}, {transform_indices = @transform_2, window_bounds = array<i64: 1000, 256>}, {pipeline_mode = #tpu.pipeline_mode<synchronous>, transform_indices = @transform_3, window_bounds = array<i64: 128, 768>}, {pipeline_mode = #tpu.pipeline_mode<synchronous>, transform_indices = @transform_4, window_bounds = array<i64: 128, 768>}, {pipeline_mode = #tpu.pipeline_mode<synchronous>, transform_indices = @transform_5, window_bounds = array<i64: 256, 768>}, {pipeline_mode = #tpu.pipeline_mode<synchronous>, transform_indices = @transform_6, window_bounds = array<i64: 1, 768>}, {pipeline_mode = #tpu.pipeline_mode<synchronous>, transform_indices = @transform_7, window_bounds = array<i64: 1, 768>}, {pipeline_mode = #tpu.pipeline_mode<synchronous>, transform_indices = @transform_8, window_bounds = array<i64: 256, 128>}, {pipeline_mode = #tpu.pipeline_mode<synchronous>, transform_indices = @transform_9, window_bounds = array<i64: 1, 128>}, {pipeline_mode = #tpu.pipeline_mode<synchronous>, transform_indices = @transform_10, window_bounds = array<i64: 128, 1>}, {pipeline_mode = #tpu.pipeline_mode<synchronous>, transform_indices = @transform_11, window_bounds = array<i64: 1, 1>}, {transform_indices = @transform_12, window_bounds = array<i64: 1000, 1>}, {transform_indices = @transform_13, window_bounds = array<i64: 1000, 1>}, {pipeline_mode = #tpu.pipeline_mode<synchronous>, transform_indices = @transform_14, window_bounds = array<i64: 64, 256>}, {pipeline_mode = #tpu.pipeline_mode<synchronous>, transform_indices = @transform_15, window_bounds = array<i64: 64, 256>}, {pipeline_mode = #tpu.pipeline_mode<synchronous>, transform_indices = @transform_16, window_bounds = array<i64: 64, 1>}]} {
    %get3A = arith.constant 0 : index
    %get3A_0 = arith.constant 0 : index
    %get3A_1 = vector.load %arg1[%get3A, %get3A_0] : memref<1000x128xf32, #tpu.memory_space<vmem>>, vector<1000x128xf32>
    %get3A_2 = arith.constant 0 : index
    %get3A_3 = arith.constant 0 : index
    %get3A_4 = vector.load %arg2[%get3A_2, %get3A_3] : memref<1000x128xf32, #tpu.memory_space<vmem>>, vector<1000x128xf32>
    %get3A_5 = arith.constant 0 : index
    %get3A_6 = arith.constant 0 : index
    %get3A_7 = vector.load %arg3[%get3A_5, %get3A_6] : memref<1000x256xf32, #tpu.memory_space<vmem>>, vector<1000x256xf32>
    %get3A_8 = arith.constant 0 : index
    %get3A_9 = arith.constant 0 : index
    %get3A_10 = vector.load %arg4[%get3A_8, %get3A_9] : memref<128x768xf32, #tpu.memory_space<vmem>>, vector<128x768xf32>
    %get3A_11 = arith.constant 0 : index
    %get3A_12 = arith.constant 0 : index
    %get3A_13 = vector.load %arg5[%get3A_11, %get3A_12] : memref<128x768xf32, #tpu.memory_space<vmem>>, vector<128x768xf32>
    %get3A_14 = arith.constant 0 : index
    %get3A_15 = arith.constant 0 : index
    %get3A_16 = vector.load %arg6[%get3A_14, %get3A_15] : memref<256x768xf32, #tpu.memory_space<vmem>>, vector<256x768xf32>
    %get3A_17 = arith.constant 0 : index
    %get3A_18 = arith.constant 0 : index
    %get3A_19 = vector.load %arg7[%get3A_17, %get3A_18] : memref<1x768xf32, #tpu.memory_space<vmem>>, vector<1x768xf32>
    %get3A_20 = arith.constant 0 : index
    %get3A_21 = arith.constant 0 : index
    %get3A_22 = vector.load %arg8[%get3A_20, %get3A_21] : memref<1x768xf32, #tpu.memory_space<vmem>>, vector<1x768xf32>
    %dot_general3A = arith.constant dense<0.000000e+00> : vector<1000x768xf32>
    %dot_general3A_23 = tpu.matmul %get3A_1, %get3A_10, %dot_general3A {dimension_numbers = #tpu.dot_dimension_numbers<[1], [0], [0], [1], [0, 0, 1, 1], [], []>, transpose_lhs_hint = false} : vector<1000x128xf32>, vector<128x768xf32>, vector<1000x768xf32> -> vector<1000x768xf32>
    %dot_general3A_24 = arith.constant dense<0.000000e+00> : vector<1000x768xf32>
    %dot_general3A_25 = tpu.matmul %get3A_4, %get3A_13, %dot_general3A_24 {dimension_numbers = #tpu.dot_dimension_numbers<[1], [0], [0], [1], [0, 0, 1, 1], [], []>, transpose_lhs_hint = false} : vector<1000x128xf32>, vector<128x768xf32>, vector<1000x768xf32> -> vector<1000x768xf32>
    %add3A = arith.addf %dot_general3A_23, %dot_general3A_25 : vector<1000x768xf32>
    %add3A_26 = vector.broadcast %get3A_19 : vector<1x768xf32> to vector<1000x768xf32>
    %add3A_27 = arith.addf %add3A, %add3A_26 : vector<1000x768xf32>
    %dot_general3A_28 = arith.constant dense<0.000000e+00> : vector<1000x768xf32>
    %dot_general3A_29 = tpu.matmul %get3A_7, %get3A_16, %dot_general3A_28 {dimension_numbers = #tpu.dot_dimension_numbers<[1], [0], [0], [1], [0, 0, 1, 1], [], []>, transpose_lhs_hint = false} : vector<1000x256xf32>, vector<256x768xf32>, vector<1000x768xf32> -> vector<1000x768xf32>
    %add3A_30 = vector.broadcast %get3A_22 : vector<1x768xf32> to vector<1000x768xf32>
    %add3A_31 = arith.addf %dot_general3A_29, %add3A_30 : vector<1000x768xf32>
    %slice3A = vector.extract_strided_slice %add3A_27 {offsets = [0, 0], sizes = [1000, 256], strides = [1, 1]} : vector<1000x768xf32> to vector<1000x256xf32>
    %slice3A_32 = vector.extract_strided_slice %add3A_31 {offsets = [0, 0], sizes = [1000, 256], strides = [1, 1]} : vector<1000x768xf32> to vector<1000x256xf32>
    %add3A_33 = arith.addf %slice3A, %slice3A_32 : vector<1000x256xf32>
    %neg3A = arith.constant 0.000000e+00 : f32
    %neg3A_34 = vector.broadcast %neg3A : f32 to vector<1000x256xf32>
    %neg3A_35 = arith.subf %neg3A_34, %add3A_33 : vector<1000x256xf32>
    %exp3A = math.exp %neg3A_35 : vector<1000x256xf32>
    %add3A_36 = arith.constant 1.000000e+00 : f32
    %add3A_37 = vector.broadcast %add3A_36 : f32 to vector<1000x256xf32>
    %add3A_38 = arith.addf %add3A_37, %exp3A : vector<1000x256xf32>
    %div3A = arith.constant 1.000000e+00 : f32
    %div3A_39 = vector.broadcast %div3A : f32 to vector<1000x256xf32>
    %div3A_40 = arith.divf %div3A_39, %add3A_38 : vector<1000x256xf32>
    %slice3A_41 = vector.extract_strided_slice %add3A_27 {offsets = [0, 256], sizes = [1000, 256], strides = [1, 1]} : vector<1000x768xf32> to vector<1000x256xf32>
    %slice3A_42 = vector.extract_strided_slice %add3A_31 {offsets = [0, 256], sizes = [1000, 256], strides = [1, 1]} : vector<1000x768xf32> to vector<1000x256xf32>
    %add3A_43 = arith.addf %slice3A_41, %slice3A_42 : vector<1000x256xf32>
    %neg3A_44 = arith.constant 0.000000e+00 : f32
    %neg3A_45 = vector.broadcast %neg3A_44 : f32 to vector<1000x256xf32>
    %neg3A_46 = arith.subf %neg3A_45, %add3A_43 : vector<1000x256xf32>
    %exp3A_47 = math.exp %neg3A_46 : vector<1000x256xf32>
    %add3A_48 = arith.constant 1.000000e+00 : f32
    %add3A_49 = vector.broadcast %add3A_48 : f32 to vector<1000x256xf32>
    %add3A_50 = arith.addf %add3A_49, %exp3A_47 : vector<1000x256xf32>
    %div3A_51 = arith.constant 1.000000e+00 : f32
    %div3A_52 = vector.broadcast %div3A_51 : f32 to vector<1000x256xf32>
    %div3A_53 = arith.divf %div3A_52, %add3A_50 : vector<1000x256xf32>
    %slice3A_54 = vector.extract_strided_slice %add3A_27 {offsets = [0, 512], sizes = [1000, 256], strides = [1, 1]} : vector<1000x768xf32> to vector<1000x256xf32>
    %slice3A_55 = vector.extract_strided_slice %add3A_31 {offsets = [0, 512], sizes = [1000, 256], strides = [1, 1]} : vector<1000x768xf32> to vector<1000x256xf32>
    %mul3A = arith.mulf %div3A_40, %slice3A_55 : vector<1000x256xf32>
    %add3A_56 = arith.addf %slice3A_54, %mul3A : vector<1000x256xf32>
    %tanh3A = math.tanh %add3A_56 : vector<1000x256xf32>
    %sub3A = arith.constant 1.000000e+00 : f32
    %sub3A_57 = vector.broadcast %sub3A : f32 to vector<1000x256xf32>
    %sub3A_58 = arith.subf %sub3A_57, %div3A_53 : vector<1000x256xf32>
    %mul3A_59 = arith.mulf %sub3A_58, %tanh3A : vector<1000x256xf32>
    %mul3A_60 = arith.mulf %div3A_53, %get3A_7 : vector<1000x256xf32>
    %add3A_61 = arith.addf %mul3A_59, %mul3A_60 : vector<1000x256xf32>
    %max3A = arith.constant 0.000000e+00 : f32
    %max3A_62 = vector.broadcast %max3A : f32 to vector<1000x256xf32>
    %max3A_63 = arith.maximumf %add3A_61, %max3A_62 : vector<1000x256xf32>
    %get3A_64 = arith.constant 0 : index
    %get3A_65 = arith.constant 0 : index
    %get3A_66 = vector.load %arg9[%get3A_64, %get3A_65] : memref<256x128xf32, #tpu.memory_space<vmem>>, vector<256x128xf32>
    %dot_general3A_67 = arith.constant dense<0.000000e+00> : vector<1000x128xf32>
    %dot_general3A_68 = tpu.matmul %max3A_63, %get3A_66, %dot_general3A_67 {dimension_numbers = #tpu.dot_dimension_numbers<[1], [0], [0], [1], [0, 0, 1, 1], [], []>, transpose_lhs_hint = false} : vector<1000x256xf32>, vector<256x128xf32>, vector<1000x128xf32> -> vector<1000x128xf32>
    %get3A_69 = arith.constant 0 : index
    %get3A_70 = arith.constant 0 : index
    %get3A_71 = vector.load %arg10[%get3A_69, %get3A_70] : memref<1x128xf32, #tpu.memory_space<vmem>>, vector<1x128xf32>
    %add3A_72 = vector.broadcast %get3A_71 : vector<1x128xf32> to vector<1000x128xf32>
    %add3A_73 = arith.addf %dot_general3A_68, %add3A_72 : vector<1000x128xf32>
    %max3A_74 = arith.constant 0.000000e+00 : f32
    %max3A_75 = vector.broadcast %max3A_74 : f32 to vector<1000x128xf32>
    %max3A_76 = arith.maximumf %add3A_73, %max3A_75 : vector<1000x128xf32>
    %get3A_77 = arith.constant 0 : index
    %get3A_78 = arith.constant 0 : index
    %get3A_79 = vector.load %arg11[%get3A_77, %get3A_78] : memref<128x1xf32, #tpu.memory_space<vmem>>, vector<128x1xf32>
    %dot_general3A_80 = arith.constant dense<0.000000e+00> : vector<1000x1xf32>
    %dot_general3A_81 = tpu.matmul %max3A_76, %get3A_79, %dot_general3A_80 {dimension_numbers = #tpu.dot_dimension_numbers<[1], [0], [0], [1], [0, 0, 1, 1], [], []>, transpose_lhs_hint = false} : vector<1000x128xf32>, vector<128x1xf32>, vector<1000x1xf32> -> vector<1000x1xf32>
    %get3A_82 = arith.constant 0 : index
    %get3A_83 = arith.constant 0 : index
    %get3A_84 = vector.load %arg12[%get3A_82, %get3A_83] : memref<1x1xf32, #tpu.memory_space<vmem>>, vector<1x1xf32>
    %add3A_85 = vector.broadcast %get3A_84 : vector<1x1xf32> to vector<1000x1xf32>
    %add3A_86 = arith.addf %dot_general3A_81, %add3A_85 : vector<1000x1xf32>
    %neg3A_87 = arith.constant 0.000000e+00 : f32
    %neg3A_88 = vector.broadcast %neg3A_87 : f32 to vector<1000x1xf32>
    %neg3A_89 = arith.subf %neg3A_88, %add3A_86 : vector<1000x1xf32>
    %exp3A_90 = math.exp %neg3A_89 : vector<1000x1xf32>
    %add3A_91 = arith.constant 1.000000e+00 : f32
    %add3A_92 = vector.broadcast %add3A_91 : f32 to vector<1000x1xf32>
    %add3A_93 = arith.addf %add3A_92, %exp3A_90 : vector<1000x1xf32>
    %div3A_94 = arith.constant 1.000000e+00 : f32
    %div3A_95 = vector.broadcast %div3A_94 : f32 to vector<1000x1xf32>
    %div3A_96 = arith.divf %div3A_95, %add3A_93 : vector<1000x1xf32>
    %swap3A = arith.constant 0 : index
    %swap3A_97 = arith.constant 0 : index
    %swap3A_98 = vector.load %arg14[%swap3A, %swap3A_97] : memref<1000x1xf32, #tpu.memory_space<vmem>>, vector<1000x1xf32>
    tpu.vector_store %arg14[%swap3A, %swap3A_97], %div3A_96 {strides = array<i32>} : memref<1000x1xf32, #tpu.memory_space<vmem>>, vector<1000x1xf32>,
    %mul3A_99 = vector.broadcast %div3A_96 : vector<1000x1xf32> to vector<1000x256xf32>
    %mul3A_100 = arith.mulf %max3A_63, %mul3A_99 : vector<1000x256xf32>
    %get3A_101 = arith.constant 0 : index
    %get3A_102 = arith.constant 0 : index
    %get3A_103 = vector.load %arg13[%get3A_101, %get3A_102] : memref<1000x1xi32, #tpu.memory_space<vmem>>, vector<1000x1xi32>
    %iota3A = tpu.iota {dimensions = array<i32: 1>} : vector<1x64xi32>
    %eq3A = vector.broadcast %get3A_103 : vector<1000x1xi32> to vector<1000x64xi32>
    %eq3A_104 = vector.broadcast %iota3A : vector<1x64xi32> to vector<1000x64xi32>
    %eq3A_105 = arith.cmpi eq, %eq3A, %eq3A_104 : vector<1000x64xi32>
    %convert_element_type3A = arith.extui %eq3A_105 : vector<1000x64xi1> to vector<1000x64xi32>
    %convert_element_type3A_106 = arith.sitofp %convert_element_type3A : vector<1000x64xi32> to vector<1000x64xf32>
    %eq3A_107 = arith.constant 0 : i32
    %eq3A_108 = arith.cmpi eq, %arg0, %eq3A_107 : i32
    %convert_element_type3A_109 = arith.extui %eq3A_108 : i1 to i32
    %cond3A = arith.constant 0 : i32
    %cond3A_110 = arith.cmpi ne, %convert_element_type3A_109, %cond3A : i32
    scf.if %cond3A_110 {
      %broadcast_in_dim3A_146 = arith.constant 0.000000e+00 : f32
      %broadcast_in_dim3A_147 = vector.broadcast %broadcast_in_dim3A_146 : f32 to vector<64x256xf32>
      %swap3A_148 = arith.constant 0 : index
      %swap3A_149 = arith.constant 0 : index
      %swap3A_150 = vector.load %arg15[%swap3A_148, %swap3A_149] : memref<64x256xf32, #tpu.memory_space<vmem>>, vector<64x256xf32>
      tpu.vector_store %arg15[%swap3A_148, %swap3A_149], %broadcast_in_dim3A_147 {strides = array<i32>} : memref<64x256xf32, #tpu.memory_space<vmem>>, vector<64x256xf32>,
      %broadcast_in_dim3A_151 = arith.constant 0xFF800000 : f32
      %broadcast_in_dim3A_152 = vector.broadcast %broadcast_in_dim3A_151 : f32 to vector<64x256xf32>
      %swap3A_153 = arith.constant 0 : index
      %swap3A_154 = arith.constant 0 : index
      %swap3A_155 = vector.load %arg16[%swap3A_153, %swap3A_154] : memref<64x256xf32, #tpu.memory_space<vmem>>, vector<64x256xf32>
      tpu.vector_store %arg16[%swap3A_153, %swap3A_154], %broadcast_in_dim3A_152 {strides = array<i32>} : memref<64x256xf32, #tpu.memory_space<vmem>>, vector<64x256xf32>,
      %broadcast_in_dim3A_156 = arith.constant 0.000000e+00 : f32
      %broadcast_in_dim3A_157 = vector.broadcast %broadcast_in_dim3A_156 : f32 to vector<64x1xf32>
      %swap3A_158 = arith.constant 0 : index
      %swap3A_159 = arith.constant 0 : index
      %swap3A_160 = vector.load %arg17[%swap3A_158, %swap3A_159] : memref<64x1xf32, #tpu.memory_space<vmem>>, vector<64x1xf32>
      tpu.vector_store %arg17[%swap3A_158, %swap3A_159], %broadcast_in_dim3A_157 {strides = array<i32>} : memref<64x1xf32, #tpu.memory_space<vmem>>, vector<64x1xf32>,
    } else {
    }
    %get3A_111 = arith.constant 0 : index
    %get3A_112 = arith.constant 0 : index
    %get3A_113 = vector.load %arg15[%get3A_111, %get3A_112] : memref<64x256xf32, #tpu.memory_space<vmem>>, vector<64x256xf32>
    %dot_general3A_114 = arith.constant dense<0.000000e+00> : vector<64x256xf32>
    %dot_general3A_115 = tpu.matmul %convert_element_type3A_106, %mul3A_100, %dot_general3A_114 {dimension_numbers = #tpu.dot_dimension_numbers<[0], [0], [1], [1], [0, 1, 1, 1], [], []>, transpose_lhs_hint = false} : vector<1000x64xf32>, vector<1000x256xf32>, vector<64x256xf32> -> vector<64x256xf32>
    %add3A_116 = arith.addf %get3A_113, %dot_general3A_115 : vector<64x256xf32>
    %swap3A_117 = arith.constant 0 : index
    %swap3A_118 = arith.constant 0 : index
    %swap3A_119 = vector.load %arg15[%swap3A_117, %swap3A_118] : memref<64x256xf32, #tpu.memory_space<vmem>>, vector<64x256xf32>
    tpu.vector_store %arg15[%swap3A_117, %swap3A_118], %add3A_116 {strides = array<i32>} : memref<64x256xf32, #tpu.memory_space<vmem>>, vector<64x256xf32>,
    %get3A_120 = arith.constant 0 : index
    %get3A_121 = arith.constant 0 : index
    %get3A_122 = vector.load %arg17[%get3A_120, %get3A_121] : memref<64x1xf32, #tpu.memory_space<vmem>>, vector<64x1xf32>
    %reduce_sum3A = arith.constant dense<0.000000e+00> : vector<64xf32>
    %reduce_sum3A_123 = vector.multi_reduction <add>, %convert_element_type3A_106, %reduce_sum3A [0] : vector<1000x64xf32> to vector<64xf32>
    %broadcast_in_dim3A = vector.shape_cast %reduce_sum3A_123 : vector<64xf32> to vector<64x1xf32>
    %add3A_124 = arith.addf %get3A_122, %broadcast_in_dim3A : vector<64x1xf32>
    %swap3A_125 = arith.constant 0 : index
    %swap3A_126 = arith.constant 0 : index
    %swap3A_127 = vector.load %arg17[%swap3A_125, %swap3A_126] : memref<64x1xf32, #tpu.memory_space<vmem>>, vector<64x1xf32>
    tpu.vector_store %arg17[%swap3A_125, %swap3A_126], %add3A_124 {strides = array<i32>} : memref<64x1xf32, #tpu.memory_space<vmem>>, vector<64x1xf32>,
    %get3A_128 = arith.constant 0 : index
    %get3A_129 = arith.constant 0 : index
    %get3A_130 = vector.load %arg13[%get3A_128, %get3A_129] : memref<1000x1xi32, #tpu.memory_space<vmem>>, vector<1x1xi32>
    %get3A_131 = vector.extract %get3A_130[0, 0] : i32 from vector<1x1xi32>
    %get3A_132 = arith.constant 999 : index
    %get3A_133 = arith.constant 0 : index
    %get3A_134 = vector.load %arg13[%get3A_132, %get3A_133] : memref<1000x1xi32, #tpu.memory_space<vmem>>, vector<1x1xi32>
    %get3A_135 = vector.extract %get3A_134[0, 0] : i32 from vector<1x1xi32>
    %add3A_136 = arith.constant 1 : i32
    %add3A_137 = arith.addi %get3A_135, %add3A_136 : i32
    %while3A = arith.constant 0 : i32
    %while3A_138 = arith.subi %add3A_137, %get3A_131 : i32
    %while3A_139 = arith.addi %get3A_131, %while3A_138 : i32
    %while3A_140 = arith.constant 1 : i32
    %while3A_141 = arith.divsi %while3A_138, %while3A_140 : i32
    %while3A_142 = arith.muli %while3A_141, %while3A_140 : i32
    %while3A_143 = arith.addi %get3A_131, %while3A_142 : i32
    %while3A_144 = arith.constant 1 : i32
    scf.for %while3A_146 = %get3A_131 to %while3A_143 step %while3A_144  : i32 {
      %eq3A_147 = vector.broadcast %while3A_146 : i32 to vector<1000x1xi32>
      %eq3A_148 = arith.cmpi eq, %get3A_103, %eq3A_147 : vector<1000x1xi32>
      %jit3A = arith.constant 0xFF800000 : f32
      %broadcast_in_dim3A_149 = vector.shape_cast %eq3A_148 : vector<1000x1xi1> to vector<1000x1xi1>
      %broadcast_in_dim3A_150 = vector.broadcast %broadcast_in_dim3A_149 : vector<1000x1xi1> to vector<1000x256xi1>
      %broadcast_in_dim3A_151 = vector.broadcast %jit3A : f32 to vector<1000x256xf32>
      %select_n3A = arith.select %broadcast_in_dim3A_150, %mul3A_100, %broadcast_in_dim3A_151 : vector<1000x256xi1>, vector<1000x256xf32>
      %reduce_max3A = arith.constant dense<0xFF800000> : vector<256xf32>
      %reduce_max3A_152 = vector.multi_reduction <maximumf>, %select_n3A, %reduce_max3A [0] : vector<1000x256xf32> to vector<256xf32>
      %broadcast_in_dim3A_153 = vector.shape_cast %reduce_max3A_152 : vector<256xf32> to vector<1x256xf32>
      %iota3A_154 = tpu.iota {dimensions = array<i32: 0>} : vector<64x1xi32>
      %eq3A_155 = vector.broadcast %while3A_146 : i32 to vector<64x1xi32>
      %eq3A_156 = arith.cmpi eq, %iota3A_154, %eq3A_155 : vector<64x1xi32>
      %get3A_157 = arith.constant 0 : index
      %get3A_158 = arith.constant 0 : index
      %get3A_159 = vector.load %arg16[%get3A_157, %get3A_158] : memref<64x256xf32, #tpu.memory_space<vmem>>, vector<64x256xf32>
      %max3A_160 = vector.broadcast %broadcast_in_dim3A_153 : vector<1x256xf32> to vector<64x256xf32>
      %max3A_161 = arith.maximumf %get3A_159, %max3A_160 : vector<64x256xf32>
      %broadcast_in_dim3A_162 = vector.shape_cast %eq3A_156 : vector<64x1xi1> to vector<64x1xi1>
      %broadcast_in_dim3A_163 = vector.broadcast %broadcast_in_dim3A_162 : vector<64x1xi1> to vector<64x256xi1>
      %select_n3A_164 = arith.select %broadcast_in_dim3A_163, %max3A_161, %get3A_159 : vector<64x256xi1>, vector<64x256xf32>
      %swap3A_165 = arith.constant 0 : index
      %swap3A_166 = arith.constant 0 : index
      %swap3A_167 = vector.load %arg16[%swap3A_165, %swap3A_166] : memref<64x256xf32, #tpu.memory_space<vmem>>, vector<64x256xf32>
      tpu.vector_store %arg16[%swap3A_165, %swap3A_166], %select_n3A_164 {strides = array<i32>} : memref<64x256xf32, #tpu.memory_space<vmem>>, vector<64x256xf32>,
    }
    %while3A_145 = arith.constant 1 : i32
    scf.for %while3A_146 = %while3A_143 to %while3A_139 step %while3A_145  : i32 {
      %eq3A_147 = vector.broadcast %while3A_146 : i32 to vector<1000x1xi32>
      %eq3A_148 = arith.cmpi eq, %get3A_103, %eq3A_147 : vector<1000x1xi32>
      %jit3A = arith.constant 0xFF800000 : f32
      %broadcast_in_dim3A_149 = vector.shape_cast %eq3A_148 : vector<1000x1xi1> to vector<1000x1xi1>
      %broadcast_in_dim3A_150 = vector.broadcast %broadcast_in_dim3A_149 : vector<1000x1xi1> to vector<1000x256xi1>
      %broadcast_in_dim3A_151 = vector.broadcast %jit3A : f32 to vector<1000x256xf32>
      %select_n3A = arith.select %broadcast_in_dim3A_150, %mul3A_100, %broadcast_in_dim3A_151 : vector<1000x256xi1>, vector<1000x256xf32>
      %reduce_max3A = arith.constant dense<0xFF800000> : vector<256xf32>
      %reduce_max3A_152 = vector.multi_reduction <maximumf>, %select_n3A, %reduce_max3A [0] : vector<1000x256xf32> to vector<256xf32>
      %broadcast_in_dim3A_153 = vector.shape_cast %reduce_max3A_152 : vector<256xf32> to vector<1x256xf32>
      %iota3A_154 = tpu.iota {dimensions = array<i32: 0>} : vector<64x1xi32>
      %eq3A_155 = vector.broadcast %while3A_146 : i32 to vector<64x1xi32>
      %eq3A_156 = arith.cmpi eq, %iota3A_154, %eq3A_155 : vector<64x1xi32>
      %get3A_157 = arith.constant 0 : index
      %get3A_158 = arith.constant 0 : index
      %get3A_159 = vector.load %arg16[%get3A_157, %get3A_158] : memref<64x256xf32, #tpu.memory_space<vmem>>, vector<64x256xf32>
      %max3A_160 = vector.broadcast %broadcast_in_dim3A_153 : vector<1x256xf32> to vector<64x256xf32>
      %max3A_161 = arith.maximumf %get3A_159, %max3A_160 : vector<64x256xf32>
      %broadcast_in_dim3A_162 = vector.shape_cast %eq3A_156 : vector<64x1xi1> to vector<64x1xi1>
      %broadcast_in_dim3A_163 = vector.broadcast %broadcast_in_dim3A_162 : vector<64x1xi1> to vector<64x256xi1>
      %select_n3A_164 = arith.select %broadcast_in_dim3A_163, %max3A_161, %get3A_159 : vector<64x256xi1>, vector<64x256xf32>
      %swap3A_165 = arith.constant 0 : index
      %swap3A_166 = arith.constant 0 : index
      %swap3A_167 = vector.load %arg16[%swap3A_165, %swap3A_166] : memref<64x256xf32, #tpu.memory_space<vmem>>, vector<64x256xf32>
      tpu.vector_store %arg16[%swap3A_165, %swap3A_166], %select_n3A_164 {strides = array<i32>} : memref<64x256xf32, #tpu.memory_space<vmem>>, vector<64x256xf32>,
    }
    return
  }
  func.func @transform_0(%arg0: i32) -> (i32, i32) {
    %c0_i32 = arith.constant 0 : i32
    %c0_i32_0 = arith.constant 0 : i32
    return %arg0, %c0_i32 : i32, i32
  }
  func.func @transform_1(%arg0: i32) -> (i32, i32) {
    %c0_i32 = arith.constant 0 : i32
    %c0_i32_0 = arith.constant 0 : i32
    return %arg0, %c0_i32 : i32, i32
  }
  func.func @transform_2(%arg0: i32) -> (i32, i32) {
    %c0_i32 = arith.constant 0 : i32
    %c0_i32_0 = arith.constant 0 : i32
    return %arg0, %c0_i32 : i32, i32
  }
  func.func @transform_3(%arg0: i32) -> (i32, i32) {
    %c0_i32 = arith.constant 0 : i32
    %c0_i32_0 = arith.constant 0 : i32
    %c0_i32_1 = arith.constant 0 : i32
    return %c0_i32, %c0_i32_0 : i32, i32
  }
  func.func @transform_4(%arg0: i32) -> (i32, i32) {
    %c0_i32 = arith.constant 0 : i32
    %c0_i32_0 = arith.constant 0 : i32
    %c0_i32_1 = arith.constant 0 : i32
    return %c0_i32, %c0_i32_0 : i32, i32
  }
  func.func @transform_5(%arg0: i32) -> (i32, i32) {
    %c0_i32 = arith.constant 0 : i32
    %c0_i32_0 = arith.constant 0 : i32
    %c0_i32_1 = arith.constant 0 : i32
    return %c0_i32, %c0_i32_0 : i32, i32
  }
  func.func @transform_6(%arg0: i32) -> (i32, i32) {
    %c0_i32 = arith.constant 0 : i32
    %c0_i32_0 = arith.constant 0 : i32
    %c0_i32_1 = arith.constant 0 : i32
    return %c0_i32, %c0_i32_0 : i32, i32
  }
  func.func @transform_7(%arg0: i32) -> (i32, i32) {
    %c0_i32 = arith.constant 0 : i32
    %c0_i32_0 = arith.constant 0 : i32
    %c0_i32_1 = arith.constant 0 : i32
    return %c0_i32, %c0_i32_0 : i32, i32
  }
  func.func @transform_8(%arg0: i32) -> (i32, i32) {
    %c0_i32 = arith.constant 0 : i32
    %c0_i32_0 = arith.constant 0 : i32
    %c0_i32_1 = arith.constant 0 : i32
    return %c0_i32, %c0_i32_0 : i32, i32
  }
  func.func @transform_9(%arg0: i32) -> (i32, i32) {
    %c0_i32 = arith.constant 0 : i32
    %c0_i32_0 = arith.constant 0 : i32
    %c0_i32_1 = arith.constant 0 : i32
    return %c0_i32, %c0_i32_0 : i32, i32
  }
  func.func @transform_10(%arg0: i32) -> (i32, i32) {
    %c0_i32 = arith.constant 0 : i32
    %c0_i32_0 = arith.constant 0 : i32
    %c0_i32_1 = arith.constant 0 : i32
    return %c0_i32, %c0_i32_0 : i32, i32
  }
  func.func @transform_11(%arg0: i32) -> (i32, i32) {
    %c0_i32 = arith.constant 0 : i32
    %c0_i32_0 = arith.constant 0 : i32
    %c0_i32_1 = arith.constant 0 : i32
    return %c0_i32, %c0_i32_0 : i32, i32
  }
  func.func @transform_12(%arg0: i32) -> (i32, i32) {
    %c0_i32 = arith.constant 0 : i32
    %c0_i32_0 = arith.constant 0 : i32
    return %arg0, %c0_i32 : i32, i32
  }
  func.func @transform_13(%arg0: i32) -> (i32, i32) {
    %c0_i32 = arith.constant 0 : i32
    %c0_i32_0 = arith.constant 0 : i32
    return %arg0, %c0_i32 : i32, i32
  }
  func.func @transform_14(%arg0: i32) -> (i32, i32) {
    %c0_i32 = arith.constant 0 : i32
    %c0_i32_0 = arith.constant 0 : i32
    %c0_i32_1 = arith.constant 0 : i32
    return %c0_i32, %c0_i32_0 : i32, i32
  }
  func.func @transform_15(%arg0: i32) -> (i32, i32) {
    %c0_i32 = arith.constant 0 : i32
    %c0_i32_0 = arith.constant 0 : i32
    %c0_i32_1 = arith.constant 0 : i32
    return %c0_i32, %c0_i32_0 : i32, i32
  }
  func.func @transform_16(%arg0: i32) -> (i32, i32) {
    %c0_i32 = arith.constant 0 : i32
    %c0_i32_0 = arith.constant 0 : i32
    %c0_i32_1 = arith.constant 0 : i32
    return %c0_i32, %c0_i32_0 : i32, i32
  }
}

module attributes {stable_mosaic.version = 14 : i64} {
  func.func @_t3_body(%arg0: i32, %arg1: memref<64x256xf32, #tpu.memory_space<vmem>>, %arg2: memref<64x256xf32, #tpu.memory_space<vmem>>, %arg3: memref<64x1xf32, #tpu.memory_space<vmem>>, %arg4: memref<256x256xf32, #tpu.memory_space<vmem>>, %arg5: memref<256x256xf32, #tpu.memory_space<vmem>>, %arg6: memref<1x256xf32, #tpu.memory_space<vmem>>, %arg7: memref<256x128xf32, #tpu.memory_space<vmem>>, %arg8: memref<1x128xf32, #tpu.memory_space<vmem>>, %arg9: memref<128x2xf32, #tpu.memory_space<vmem>>, %arg10: memref<1x2xf32, #tpu.memory_space<vmem>>, %arg11: memref<64x2xf32, #tpu.memory_space<vmem>>) attributes {dimension_semantics = [#tpu.dimension_semantics<arbitrary>], iteration_bounds = array<i64: 1>, scalar_prefetch = 0 : i64, scratch_operands = 0 : i64, tpu.core_type = #tpu.core_type<tc>, window_params = [{pipeline_mode = #tpu.pipeline_mode<synchronous>, transform_indices = @transform_0, window_bounds = array<i64: 64, 256>}, {pipeline_mode = #tpu.pipeline_mode<synchronous>, transform_indices = @transform_1, window_bounds = array<i64: 64, 256>}, {pipeline_mode = #tpu.pipeline_mode<synchronous>, transform_indices = @transform_2, window_bounds = array<i64: 64, 1>}, {pipeline_mode = #tpu.pipeline_mode<synchronous>, transform_indices = @transform_3, window_bounds = array<i64: 256, 256>}, {pipeline_mode = #tpu.pipeline_mode<synchronous>, transform_indices = @transform_4, window_bounds = array<i64: 256, 256>}, {pipeline_mode = #tpu.pipeline_mode<synchronous>, transform_indices = @transform_5, window_bounds = array<i64: 1, 256>}, {pipeline_mode = #tpu.pipeline_mode<synchronous>, transform_indices = @transform_6, window_bounds = array<i64: 256, 128>}, {pipeline_mode = #tpu.pipeline_mode<synchronous>, transform_indices = @transform_7, window_bounds = array<i64: 1, 128>}, {pipeline_mode = #tpu.pipeline_mode<synchronous>, transform_indices = @transform_8, window_bounds = array<i64: 128, 2>}, {pipeline_mode = #tpu.pipeline_mode<synchronous>, transform_indices = @transform_9, window_bounds = array<i64: 1, 2>}, {pipeline_mode = #tpu.pipeline_mode<synchronous>, transform_indices = @transform_10, window_bounds = array<i64: 64, 2>}]} {
    %get3A = arith.constant 0 : index
    %get3A_0 = arith.constant 0 : index
    %get3A_1 = vector.load %arg3[%get3A, %get3A_0] : memref<64x1xf32, #tpu.memory_space<vmem>>, vector<64x1xf32>
    %get3A_2 = arith.constant 0 : index
    %get3A_3 = arith.constant 0 : index
    %get3A_4 = vector.load %arg1[%get3A_2, %get3A_3] : memref<64x256xf32, #tpu.memory_space<vmem>>, vector<64x256xf32>
    %max3A = arith.constant 1.000000e+00 : f32
    %max3A_5 = vector.broadcast %max3A : f32 to vector<64x1xf32>
    %max3A_6 = arith.maximumf %get3A_1, %max3A_5 : vector<64x1xf32>
    %div3A = vector.broadcast %max3A_6 : vector<64x1xf32> to vector<64x256xf32>
    %div3A_7 = arith.divf %get3A_4, %div3A : vector<64x256xf32>
    %gt3A = arith.constant 0.000000e+00 : f32
    %gt3A_8 = vector.broadcast %gt3A : f32 to vector<64x1xf32>
    %gt3A_9 = arith.cmpf ogt, %get3A_1, %gt3A_8 : vector<64x1xf32>
    %get3A_10 = arith.constant 0 : index
    %get3A_11 = arith.constant 0 : index
    %get3A_12 = vector.load %arg2[%get3A_10, %get3A_11] : memref<64x256xf32, #tpu.memory_space<vmem>>, vector<64x256xf32>
    %jit3A = arith.constant 0.000000e+00 : f32
    %broadcast_in_dim3A = vector.shape_cast %gt3A_9 : vector<64x1xi1> to vector<64x1xi1>
    %broadcast_in_dim3A_13 = vector.broadcast %broadcast_in_dim3A : vector<64x1xi1> to vector<64x256xi1>
    %broadcast_in_dim3A_14 = vector.broadcast %jit3A : f32 to vector<64x256xf32>
    %select_n3A = arith.select %broadcast_in_dim3A_13, %get3A_12, %broadcast_in_dim3A_14 : vector<64x256xi1>, vector<64x256xf32>
    %get3A_15 = arith.constant 0 : index
    %get3A_16 = arith.constant 0 : index
    %get3A_17 = vector.load %arg4[%get3A_15, %get3A_16] : memref<256x256xf32, #tpu.memory_space<vmem>>, vector<256x256xf32>
    %dot_general3A = arith.constant dense<0.000000e+00> : vector<64x256xf32>
    %dot_general3A_18 = tpu.matmul %div3A_7, %get3A_17, %dot_general3A {dimension_numbers = #tpu.dot_dimension_numbers<[1], [0], [0], [1], [0, 0, 1, 1], [], []>, transpose_lhs_hint = false} : vector<64x256xf32>, vector<256x256xf32>, vector<64x256xf32> -> vector<64x256xf32>
    %get3A_19 = arith.constant 0 : index
    %get3A_20 = arith.constant 0 : index
    %get3A_21 = vector.load %arg5[%get3A_19, %get3A_20] : memref<256x256xf32, #tpu.memory_space<vmem>>, vector<256x256xf32>
    %dot_general3A_22 = arith.constant dense<0.000000e+00> : vector<64x256xf32>
    %dot_general3A_23 = tpu.matmul %select_n3A, %get3A_21, %dot_general3A_22 {dimension_numbers = #tpu.dot_dimension_numbers<[1], [0], [0], [1], [0, 0, 1, 1], [], []>, transpose_lhs_hint = false} : vector<64x256xf32>, vector<256x256xf32>, vector<64x256xf32> -> vector<64x256xf32>
    %add3A = arith.addf %dot_general3A_18, %dot_general3A_23 : vector<64x256xf32>
    %get3A_24 = arith.constant 0 : index
    %get3A_25 = arith.constant 0 : index
    %get3A_26 = vector.load %arg6[%get3A_24, %get3A_25] : memref<1x256xf32, #tpu.memory_space<vmem>>, vector<1x256xf32>
    %add3A_27 = vector.broadcast %get3A_26 : vector<1x256xf32> to vector<64x256xf32>
    %add3A_28 = arith.addf %add3A, %add3A_27 : vector<64x256xf32>
    %max3A_29 = arith.constant 0.000000e+00 : f32
    %max3A_30 = vector.broadcast %max3A_29 : f32 to vector<64x256xf32>
    %max3A_31 = arith.maximumf %add3A_28, %max3A_30 : vector<64x256xf32>
    %get3A_32 = arith.constant 0 : index
    %get3A_33 = arith.constant 0 : index
    %get3A_34 = vector.load %arg7[%get3A_32, %get3A_33] : memref<256x128xf32, #tpu.memory_space<vmem>>, vector<256x128xf32>
    %dot_general3A_35 = arith.constant dense<0.000000e+00> : vector<64x128xf32>
    %dot_general3A_36 = tpu.matmul %max3A_31, %get3A_34, %dot_general3A_35 {dimension_numbers = #tpu.dot_dimension_numbers<[1], [0], [0], [1], [0, 0, 1, 1], [], []>, transpose_lhs_hint = false} : vector<64x256xf32>, vector<256x128xf32>, vector<64x128xf32> -> vector<64x128xf32>
    %get3A_37 = arith.constant 0 : index
    %get3A_38 = arith.constant 0 : index
    %get3A_39 = vector.load %arg8[%get3A_37, %get3A_38] : memref<1x128xf32, #tpu.memory_space<vmem>>, vector<1x128xf32>
    %add3A_40 = vector.broadcast %get3A_39 : vector<1x128xf32> to vector<64x128xf32>
    %add3A_41 = arith.addf %dot_general3A_36, %add3A_40 : vector<64x128xf32>
    %max3A_42 = arith.constant 0.000000e+00 : f32
    %max3A_43 = vector.broadcast %max3A_42 : f32 to vector<64x128xf32>
    %max3A_44 = arith.maximumf %add3A_41, %max3A_43 : vector<64x128xf32>
    %get3A_45 = arith.constant 0 : index
    %get3A_46 = arith.constant 0 : index
    %get3A_47 = vector.load %arg9[%get3A_45, %get3A_46] : memref<128x2xf32, #tpu.memory_space<vmem>>, vector<128x2xf32>
    %dot_general3A_48 = arith.constant dense<0.000000e+00> : vector<64x2xf32>
    %dot_general3A_49 = tpu.matmul %max3A_44, %get3A_47, %dot_general3A_48 {dimension_numbers = #tpu.dot_dimension_numbers<[1], [0], [0], [1], [0, 0, 1, 1], [], []>, transpose_lhs_hint = false} : vector<64x128xf32>, vector<128x2xf32>, vector<64x2xf32> -> vector<64x2xf32>
    %get3A_50 = arith.constant 0 : index
    %get3A_51 = arith.constant 0 : index
    %get3A_52 = vector.load %arg10[%get3A_50, %get3A_51] : memref<1x2xf32, #tpu.memory_space<vmem>>, vector<1x2xf32>
    %add3A_53 = vector.broadcast %get3A_52 : vector<1x2xf32> to vector<64x2xf32>
    %add3A_54 = arith.addf %dot_general3A_49, %add3A_53 : vector<64x2xf32>
    %swap3A = arith.constant 0 : index
    %swap3A_55 = arith.constant 0 : index
    %swap3A_56 = vector.load %arg11[%swap3A, %swap3A_55] : memref<64x2xf32, #tpu.memory_space<vmem>>, vector<64x2xf32>
    tpu.vector_store %arg11[%swap3A, %swap3A_55], %add3A_54 {strides = array<i32>} : memref<64x2xf32, #tpu.memory_space<vmem>>, vector<64x2xf32>,
    return
  }
  func.func @transform_0(%arg0: i32) -> (i32, i32) {
    %c0_i32 = arith.constant 0 : i32
    %c0_i32_0 = arith.constant 0 : i32
    %c0_i32_1 = arith.constant 0 : i32
    return %c0_i32, %c0_i32_0 : i32, i32
  }
  func.func @transform_1(%arg0: i32) -> (i32, i32) {
    %c0_i32 = arith.constant 0 : i32
    %c0_i32_0 = arith.constant 0 : i32
    %c0_i32_1 = arith.constant 0 : i32
    return %c0_i32, %c0_i32_0 : i32, i32
  }
  func.func @transform_2(%arg0: i32) -> (i32, i32) {
    %c0_i32 = arith.constant 0 : i32
    %c0_i32_0 = arith.constant 0 : i32
    %c0_i32_1 = arith.constant 0 : i32
    return %c0_i32, %c0_i32_0 : i32, i32
  }
  func.func @transform_3(%arg0: i32) -> (i32, i32) {
    %c0_i32 = arith.constant 0 : i32
    %c0_i32_0 = arith.constant 0 : i32
    %c0_i32_1 = arith.constant 0 : i32
    return %c0_i32, %c0_i32_0 : i32, i32
  }
  func.func @transform_4(%arg0: i32) -> (i32, i32) {
    %c0_i32 = arith.constant 0 : i32
    %c0_i32_0 = arith.constant 0 : i32
    %c0_i32_1 = arith.constant 0 : i32
    return %c0_i32, %c0_i32_0 : i32, i32
  }
  func.func @transform_5(%arg0: i32) -> (i32, i32) {
    %c0_i32 = arith.constant 0 : i32
    %c0_i32_0 = arith.constant 0 : i32
    %c0_i32_1 = arith.constant 0 : i32
    return %c0_i32, %c0_i32_0 : i32, i32
  }
  func.func @transform_6(%arg0: i32) -> (i32, i32) {
    %c0_i32 = arith.constant 0 : i32
    %c0_i32_0 = arith.constant 0 : i32
    %c0_i32_1 = arith.constant 0 : i32
    return %c0_i32, %c0_i32_0 : i32, i32
  }
  func.func @transform_7(%arg0: i32) -> (i32, i32) {
    %c0_i32 = arith.constant 0 : i32
    %c0_i32_0 = arith.constant 0 : i32
    %c0_i32_1 = arith.constant 0 : i32
    return %c0_i32, %c0_i32_0 : i32, i32
  }
  func.func @transform_8(%arg0: i32) -> (i32, i32) {
    %c0_i32 = arith.constant 0 : i32
    %c0_i32_0 = arith.constant 0 : i32
    %c0_i32_1 = arith.constant 0 : i32
    return %c0_i32, %c0_i32_0 : i32, i32
  }
  func.func @transform_9(%arg0: i32) -> (i32, i32) {
    %c0_i32 = arith.constant 0 : i32
    %c0_i32_0 = arith.constant 0 : i32
    %c0_i32_1 = arith.constant 0 : i32
    return %c0_i32, %c0_i32_0 : i32, i32
  }
  func.func @transform_10(%arg0: i32) -> (i32, i32) {
    %c0_i32 = arith.constant 0 : i32
    %c0_i32_0 = arith.constant 0 : i32
    %c0_i32_1 = arith.constant 0 : i32
    return %c0_i32, %c0_i32_0 : i32, i32
  }
}

</mosaic_0001>

<sc_bundles>
// kernel: kernel.14.cloned.1.call-start
scs
__scs_entry_jumppad:
0x0: {  	(pc) =	sbr.rel $0x88, $3  }
0x1: {  	(tag) =	ssettag $0x0;
	lr =	simm.s32 $0x1  }
0x2: {  	[smem:$0x3F8D] =	sst lr;
	_ =	strace $0xD0000000  }
0x3: {  	_ = 	snop  }
0x4: {  	_ = 	snop  }
0x5: {  	_ = 	snop  }
0x6: {  	_ = 	snop  }
0x7: {  	_ = 	snop  }
__scs_overlays_trampoline_lowered:
0x8: {  	[smem:$0x3F9C] =	sst s0  }
0x9: {  	[smem:$0x3F9D] =	sst s1  }
0xa: {  	[smem:$0x3F9E] =	sst s2  }
0xb: {  	[smem:$0x3F9F] =	sst s3  }
0xc: {  	[smem:$0x3FA0] =	sst s4  }
0xd: {  	[smem:$0x3FA1] =	sst s5  }
0xe: {  	[smem:$0x3FA2] =	sst s6  }
0xf: {  	[smem:$0x3FA3] =	sst s7  }
0x10: {  	[smem:$0x3FA4] =	sst s8  }
0x11: {  	[smem:$0x3FA5] =	sst s9;
	s0 =	simm.s32 @!p0 $0x0  }
0x12: {  	s1 =	sld [smem:$0x3F8B];
	s0 =	simm.s32 @p0 $0x1  }
0x13: {  	[smem:$0x3FA6] =	sst s0;
	s0 =	simm.s32 @!p1 $0x0  }
0x14: {  	s2 =	sld [smem:$0x3F8A];
	s0 =	simm.s32 @p1 $0x1  }
0x15: {  	[smem:$0x3FA7] =	sst s0;
	s0 =	simm.s32 @!p2 $0x0  }
0x16: {  	s3 =	sld [smem:$0x3FDB];
	s0 =	simm.s32 @p2 $0x1  }
0x17: {  	s4 =	simm.s32 $0x1BF5;
	[smem:$0x3FA9] =	sst s0  }
0x18: {  	s0 =	sld [smem:$0x3F8C];
	_ =	swait.ge [sflag:s4], $0x0  }
0x19: {  	s7 =	sld [smem:$0x3F8D]  }
0x1a: {  	s8 =	sadd.s32 $0xFFFFE003, lr  }
0x1b: {  	s9 =	sadd.s32 $0xFFFFFEF7, lr;
	s5 =	simm.s32 $0xFFFFFFFF;
	p2 =	slt.u32 s8, $0xFFFFF086  }
0x1c: {  	p1 =	slt.u32 s9, $0xF7A;
	s5 =	simm.s32 @!p2 $0x0  }
0x1d: {  	s5 =	simm.s32 @p1 $0x1;
	p0 =	seq.s32 s7, s2  }
0x1e: {  	s7 =	smul.u32 @!p0 $0xF7A, s2;
	p2 =	seq.s32 @!p0 s5, $0x0  }
0x1f: {  	s9 =	smul.u32 $0xF7A, s1;
	s8 =	simm.s32 @!p0 $0x1BF5;
	p2 =	por !p2, p0  }
0x20: {  	[sflag:s8] =	ssyncset.s32 @!p0 $0xFFFFF086;
	s6 =	sadd.s32 @!p0 s3, s7;
	s7 =	simm.s32 @!p0 $0x108  }
0x21: {  	s3 =	sadd.s32 s3, s9;
	s6 =	sadd.s32 @!p0 $0x88, s6;
	s7 =	simm.s32 @p2 $0x1082  }
0x22: {  	[simem:s7], [sflag:s8] =	dma.local @!p0 [hbm:s6], $0xF7A  }
0x23: {  	s9 =	sor.u32 $0xD0000000, s2;
	s6 =	simm.s32 $0x108;
	_ =	swait.ge @!p0 [sflag:s8], $0x0  }
0x24: {  	s3 =	sadd.s32 $0x88, s3;
	s6 =	simm.s32 @!p1 $0x1082;
	[sflag:s4] =	ssyncset.s32 $0xFFFFF086  }
0x25: {  	[simem:s6], [sflag:s4] =	dma.local [hbm:s3], $0xF7A  }
0x26: {  	[smem:$0x3F8D] =	sst s1;
	(tag) =	ssettag s2;
	_ =	strace s9  }
0x27: {  	s1 =	sld [smem:$0x3F9D]  }
0x28: {  	s2 =	sld [smem:$0x3F9E]  }
0x29: {  	s4 =	sld [smem:$0x3FA0]  }
0x2a: {  	p0 =	seq.s32 s5, $0x0;
	s5 =	sld [smem:$0x3FA1]  }
0x2b: {  	s6 =	sld [smem:$0x3FA2]  }
0x2c: {  	s7 =	sld [smem:$0x3FA3]  }
0x2d: {  	s3 =	simm.s32 $0x108;
	s8 =	sld [smem:$0x3FA4]  }
0x2e: {  	s3 =	simm.s32 @!p0 $0x1082;
	s9 =	sld [smem:$0x3FA5]  }
0x2f: {  	lr =	sadd.s32 s0, s3;
	s0 =	sld [smem:$0x3F9C]  }
0x30: {  	s3 =	sld [smem:$0x3F9F]  }
0x31: {  	[smem:$0x3FA8] =	sst s10  }
0x32: {  	s10 =	sld [smem:$0x3FA6];
	_ =	sdelay $0x3  }
0x33: {  	p0 =	seq.s32 s10, $0x1;
	s10 =	sld [smem:$0x3FA8];
	_ =	sdelay $0x3  }
0x34: {  	[smem:$0x3FA8] =	sst s10  }
0x35: {  	s10 =	sld [smem:$0x3FA7];
	_ =	sdelay $0x3  }
0x36: {  	p1 =	seq.s32 s10, $0x1;
	s10 =	sld [smem:$0x3FA8];
	_ =	sdelay $0x3  }
0x37: {  	[smem:$0x3FA8] =	sst s10  }
0x38: {  	s10 =	sld [smem:$0x3FA9]  }
0x39: {  	_ = 	snop;
	(pc) =	sbr.ind lr, $3  }
0x3a: {  	_ = 	snop  }
0x3b: {  	_ = 	snop  }
0x3c: {  	p2 =	seq.s32 s10, $0x1;
	s10 =	sld [smem:$0x3FA8]  }
0x3d: {  	_ =	shalt  }
0x3e: {  	_ =	shalt  }
0x3f: {  	_ =	shalt  }
0x40: {  	_ =	shalt  }
0x41: {  	_ =	shalt  }
0x42: {  	_ =	shalt  }
0x43: {  	_ =	shalt  }
0x44: {  	_ =	shalt  }
0x45: {  	_ =	shalt  }
0x46: {  	_ =	shalt  }
0x47: {  	_ =	shalt  }
0x48: {  	_ =	shalt  }
0x49: {  	_ =	shalt  }
0x4a: {  	_ =	shalt  }
0x4b: {  	_ =	shalt  }
0x4c: {  	_ =	shalt  }
0x4d: {  	_ =	shalt  }
0x4e: {  	_ =	shalt  }
0x4f: {  	_ =	shalt  }
0x50: {  	_ =	shalt  }
0x51: {  	_ =	shalt  }
0x52: {  	_ =	shalt  }
0x53: {  	_ =	shalt  }
0x54: {  	_ =	shalt  }
0x55: {  	_ =	shalt  }
0x56: {  	_ =	shalt  }
0x57: {  	_ =	shalt  }
0x58: {  	_ =	shalt  }
0x59: {  	_ =	shalt  }
0x5a: {  	_ =	shalt  }
0x5b: {  	_ =	shalt  }
0x5c: {  	_ =	shalt  }
0x5d: {  	_ =	shalt  }
0x5e: {  	_ =	shalt  }
0x5f: {  	_ =	shalt  }
0x60: {  	_ =	shalt  }
0x61: {  	_ =	shalt  }
0x62: {  	_ =	shalt  }
0x63: {  	_ =	shalt  }
0x64: {  	_ =	shalt  }
0x65: {  	_ =	shalt  }
0x66: {  	_ =	shalt  }
0x67: {  	_ =	shalt  }
0x68: {  	_ =	shalt  }
0x69: {  	_ =	shalt  }
0x6a: {  	_ =	shalt  }
0x6b: {  	_ =	shalt  }
0x6c: {  	_ =	shalt  }
0x6d: {  	_ =	shalt  }
0x6e: {  	_ =	shalt  }
0x6f: {  	_ =	shalt  }
0x70: {  	_ =	shalt  }
0x71: {  	_ =	shalt  }
0x72: {  	_ =	shalt  }
0x73: {  	_ =	shalt  }
0x74: {  	_ =	shalt  }
0x75: {  	_ =	shalt  }
0x76: {  	_ =	shalt  }
0x77: {  	_ =	shalt  }
0x78: {  	_ =	shalt  }
0x79: {  	_ =	shalt  }
0x7a: {  	_ =	shalt  }
0x7b: {  	_ =	shalt  }
0x7c: {  	_ =	shalt  }
0x7d: {  	_ =	shalt  }
0x7e: {  	_ =	shalt  }
0x7f: {  	_ =	shalt  }
0x80: {  	_ =	shalt  }
0x81: {  	_ =	shalt  }
0x82: {  	_ =	shalt  }
0x83: {  	_ =	shalt  }
0x84: {  	_ =	shalt  }
0x85: {  	_ =	shalt  }
0x86: {  	_ =	shalt  }
0x87: {  	_ =	shalt  }
.Lfunc_end0:
.L_simem_size_0:
called_computation_lowered:
.L_overlay_start_0:
0x88: {  	s2 =	sld [smem:$0x3FD9]  }
0x89: {  	s3 =	sld [smem:$0x3FFE];
	_ =	sdelay $0x1  }
0x8a: {  	s1 =	srdreg.scid  }
0x8b: {  	s0 =	sand.u32 $0x1, s1  }
0x8c: {  	s16 =	sshll.u32 s0, $0xA;
	s2 =	sadd.s32 s3, s2  }
0x8d: {  	s2 =	sadd.s32 s2, s16  }
0x8e: {  	[smem:$0x3FB4] =	sst s2  }
0x8f: {  	_ = 	snop  }
0x90: {  	(tm) =	ssettm $0x1  }
0x91: {  	s17 =	sld [smem:$0x3FFB];
	_ =	sdelay $0x3  }
0x92: {  	_ =	strace s17  }
0x93: {  	s2 =	sld [smem:$0x3FFC];
	_ =	sdelay $0x3  }
0x94: {  	_ =	strace s2  }
0x95: {  	s2 =	sld [smem:$0x3FFD];
	_ =	sdelay $0x3  }
0x96: {  	_ =	strace s2  }
0x97: {  	_ =	strace $0x8FFFFFFF  }
0x98: {  	s18 =	sld [smem:$0x3FDB];
	_ =	sdelay $0x1  }
0x99: {  	s19 =	simm.s32 $_scs_section_size  }
0x9a: {  	s4 =	simm.s32 $_size__tile_overlayer_lowered;
	s5 =	simm.s32 $_tile_overlayer_lowered  }
0x9b: {  	s22 =	simm.s32 $0x1BFF;
	s21 =	sshll.u32 s5, $0x1;
	s2 =	sadd.s32 s19, s18  }
0x9c: {  	s6 =	simm.s32 $0x0;
	s20 =	sshll.u32 s4, $0x1;
	s4 =	sadd.s32 s21, s2  }
0x9d: {  	[timem:s6], [sflag:s22] =	dma.local [hbm:s4], s20  }
0x9e: {  	_ =	swait.ge [sflag:s22], s20  }
0x9f: {  	s3 =	ssub.s32 $0x0, s20;
	[sflag:s22] =	ssyncset.done $0x0  }
0xa0: {  	[sflag:s22] =	ssyncadd.s32 s3;
	_ =	sdelay $0x1  }
0xa1: {  	s23 =	simm.s32 $0x1B8B  }
0xa2: {  	_ =	swait.ge [sflag:s23], $0x1  }
0xa3: {  	[sflag:s23] =	ssyncset.done $0x0  }
0xa4: {  	s25 =	simm.s32 $0x1B8E;
	s24 =	sld [smem:$0x3FFE];
	[sflag:s23] =	ssyncadd.s32 $0xFFFFFFFF  }
0xa5: {  	s26 =	simm.s32 $execute0_lowered;
	[smem:$0x3FD2] =	sst s25  }
0xa6: {  	s4 =	sshll.u32 s26, $0x1;
	_ =	strace $0x80000046;
	[dreg:$0x1] =	wrdreg $0xFFFFFFFF  }
0xa7: {  	s28 =	simm.s32 $_size_execute0_lowered;
	s2 =	sadd.s32 s2, s4;
	[dreg:$0x0] =	wrdreg $0x0  }
0xa8: {  	s4 =	sshll.u32 s28, $0x1;
	[dreg:$0x2] =	wrdreg s2  }
0xa9: {  	[dreg:$0x3] =	wrdreg s4  }
0xaa: {  	[dreg:$0x4] =	wrdreg $0xC0  }
0xab: {  	_ =	task [dreg:s6], $0x5FFFF  }
0xac: {  	[dreg:$0x1] =	wrdreg $0xFFFFFFFF  }
0xad: {  	[dreg:$0x0] =	wrdreg $0x60  }
0xae: {  	[dreg:$0x2] =	wrdreg s24  }
0xaf: {  	[dreg:$0x3] =	wrdreg $0x60000  }
0xb0: {  	[dreg:$0x4] =	wrdreg $0x9  }
0xb1: {  	_ =	task.clear_ibuf [dreg:s6], $0x5FFFF;
	_ =	strace $0x90000046  }
0xb2: {  	s29 =	simm.s32 $0x9;
	_ =	strace $0x80000048  }
0xb3: {  	_ =	swait.ge [sflag:s29], $0x1  }
0xb4: {  	[sflag:s29] =	ssyncadd.s32 $0xFFFFFFFF  }
0xb5: {  	_ =	strace $0x90000048  }
0xb6: {  	_ =	sfence  }
0xb7: {  	s30 =	sld [smem:$0x0];
	_ =	sdelay $0x2  }
0xb8: {  	s31 =	sshll.u32 s1, $0xD;
	s1 =	sshrl.u32 s1, $0x2  }
0xb9: {  	s3 =	sand.u32 $0x4000, s31;
	s1 =	sadd.s32 s1, s30  }
0xba: {  	s0 =	sor.u32 s3, s0;
	s1 =	sshll.u32 s1, $0x11  }
0xbb: {  	s0 =	sor.u32 s1, s0  }
0xbc: {  	s0 =	sadd.s32 $0x8F2B, s0  }
0xbd: {  	[sflag:s0] =	ssyncadd.remote.s32 $0x1  }
0xbe: {  	_ =	sfence.sel $0xFFFF  }
0xbf: {  	[dreg:$0x0] =	wrdreg $0xFFFFFFFF;
	(pc) =	sbr.abs _section_cstart, $3  }
0xc0: {  	[dreg:$0x1] =	wrdreg $0xFFFFFFFF  }
0xc1: {  	_ =	task.clear_ibuf [dreg:s6], $0x2FFFF;
	_ =	strace $0x9FFFFFFF  }
0xc2: {  	(tm) =	ssettm $0x7FFFFFFF  }
0xc3: {  	_ =	shalt  }
tec
execute0_lowered:
.L_overlay_start_1:
0x0: {  	(tag) =	ssettag $0x1  }
0x1: {  	s10 =	rddreg [dreg:$0x0]  }
0x2: {  	s1 =	rddreg [dreg:$0x1]  }
0x3: {  	s0 =	rddreg [dreg:$0x2]  }
0x4: {  	s3 =	simm.s32 $0x0;
	s2 =	stileid.u32;
	s9 =	srdreg.scid  }
0x5: {  	s16 =	simm.s32 $0x2;
	s17 =	simm.s32 $0x1000;
	s18 =	simm.s32 $0x80  }
0x6: {  	s19 =	simm.s32 $0x2000;
	s20 =	simm.s32 $0x1;
	[smem:$0x7FF] =	sst s3  }
0x7: {  	s4 =	sadd.s32 $0x91400, s10;
	s5 =	sadd.s32 $0x6A200, s10;
	s6 =	smul.u32 $0x2780, s2  }
0x8: {  	s7 =	sadd.s32 $0x8000, s10;
	s8 =	sadd.s32 $0x12000, s10;
	s11 =	sand.u32 $0x1, s9  }
0x9: {  	s14 =	smul.u32 $0x4F000, s2;
	s9 =	sadd.s32 $0xDFE00, s10;
	s31 =	sshll.u32 s2, $0x6  }
.Ltmp0:
0xa: {  	_ =	strace $0x80000047;
	s13 =	ssub.s32 $0x2, s11;
	(pc) =	sbr.rel .LBB2_1-.Ltmp0, $4  }
0xb: {  	p0 =	seq.s32 s11, $0x1;
	s12 =	sadd.s32 s6, s10;
	s10 =	sadd.s32 $0x107600, s10  }
0xc: {  	s15 =	sshrl.u32 s13, $0x1;
	s29 =	sshrl.u32 s14, $0x2;
	s14 =	sor.u32 $0x1C02, s31  }
0xd: {  	s13 =	ssub.s32 s13, s15;
	s30 =	sadd.s32 s29, s1;
	s11 =	sadd.s32 $0xB8600, s12  }
0xe: {  	s12 =	smul.u32 $0x5000, s2;
	s13 =	smax.u32 s13, $0x1;
	s15 =	sshrl.u32 s30, $0x3  }
.LBB2_10:
0xf: {  	s3 =	sadd.s32 $0x1, s3  }
0x10: {  	p1 =	sne.s32 s3, s13  }
.Ltmp1:
0x11: {  	s21 =	sadd.s32 s21, s6;
	[bflag:$0x0] =	sbarrier.arrive $0xFFFF;
	(pc) =	sbr.rel @!p1 .LBB2_11-.Ltmp1, $4  }
0x12: {  	[hbm:s21], [sflag:s14] =	dma.local [spmem:s15], $0x2780  }
0x13: {  	_ =	swait.ge [sflag:s16], $0x2780  }
0x14: {  	[sflag:s16] =	ssyncset.done $0x0  }
0x15: {  	[sflag:s16] =	ssyncadd.s32 $0xFFFFD880  }
.LBB2_1:
0x16: {  	[spmem:s15], [sflag:s14] =	dma.local [hbm:s11], $0x2780  }
.Ltmp2:
0x17: {  	_ =	swait.ge [sflag:s16], $0x2780;
	(pc) =	sbr.rel @!p0 .LBB2_2-.Ltmp2, $4  }
0x18: {  	[sflag:s16] =	ssyncset.done $0x0  }
0x19: {  	[sflag:s16] =	ssyncadd.s32 $0xFFFFD880  }
0x1a: {  	[bflag:$0x0] =	sbarrier.arrive $0xFFFF  }
0x1b: {  	s21 =	simm.s32 $0x0;
	s22 =	simm.s32 $0x0  }
.LBB2_6:
0x1c: {  	s21 =	sshll.u32 s22, $0xC  }
0x1d: {  	s21 =	sadd.s32 s12, s21  }
0x1e: {  	s21 =	sshrl.u32 s21, $0x3  }
0x1f: {  	s24 =	simm.s32 $0x0;
	s23 =	sadd.s32 s7, s21  }
0x20: {  	[tilespmem:s24], [sflag:$0x2] =	stream.linear.gather [hbm4b:s23+s24], $0x1000, $0x38;
	[tilespmem:$0x19C00] =	vst v63  }
0x21: {  	_ =	swait.ge [sflag:s16], $0x1000  }
0x22: {  	[sflag:s16] =	ssyncset.done $0x0  }
0x23: {  	s21 =	sadd.s32 s8, s21;
	[sflag:s16] =	ssyncadd.s32 $0xFFFFF000  }
0x24: {  	[tilespmem:s17], [sflag:$0x2] =	stream.linear.gather [hbm4b:s21+s24], $0x1000, $0x38;
	[tilespmem:$0x19C00] =	vst v63  }
0x25: {  	_ =	swait.ge [sflag:s16], $0x1000  }
0x26: {  	[sflag:s16] =	ssyncset.done $0x0  }
0x27: {  	s30 =	simm.s32 $0x0;
	[sflag:s16] =	ssyncadd.s32 $0xFFFFF000  }
0x28: {  	[tilespmem:s19], [sflag:$0x1] =	stream.indirect.gather [hbm4b:s5+s18], $0x80, s30, s18, $0xb8;
	[tilespmem:$0x19C00] =	vst v63  }
0x29: {  	_ =	swait.ge [sflag:s20], $0x4000  }
0x2a: {  	[sflag:s20] =	ssyncset.done $0x0  }
0x2b: {  	s31 =	simm.s32 $0x1000;
	[sflag:s20] =	ssyncadd.s32 $0xFFFFC000  }
0x2c: {  	[spmem:s1] =	stream.indirect.scatter.add.f32 [tilespmem:s19], [sflag:$0x2], $0x80, s31, s18, $0xb8;
	[tilespmem:$0x19C00] =	vst v63  }
0x2d: {  	_ =	swait.ge [sflag:s16], $0x4000  }
0x2e: {  	s23 =	simm.s32 $0x400;
	s21 =	simm.s32 $0x200;
	[sflag:s16] =	ssyncset.done $0x0  }
.LBB2_7:
0x2f: {  	s24 =	sshra.s32 s21, $0x2  }
0x30: {  	[sflag:s16] =	ssyncadd.s32 $0xFFFFC000;
	s21 =	smov.u32 s23;
	s25 =	sadd.s32 $0x200, s23  }
0x31: {  	[tilespmem:s19], [sflag:$0x1] =	stream.indirect.gather [hbm4b:s5+s18], $0x80, s24, s18, $0xb8;
	[tilespmem:$0x19C00] =	vst v63  }
0x32: {  	p1 =	sne.s32 s23, $0x3E00;
	_ =	swait.ge [sflag:s20], $0x4000  }
.Ltmp3:
0x33: {  	[sflag:s20] =	ssyncset.done $0x0;
	(pc) =	sbr.rel @p1 .LBB2_7-.Ltmp3, $4  }
0x34: {  	s23 =	sadd.s32 $0x1000, s24;
	[sflag:s20] =	ssyncadd.s32 $0xFFFFC000  }
0x35: {  	[spmem:s1] =	stream.indirect.scatter.add.f32 [tilespmem:s19], [sflag:$0x2], $0x80, s23, s18, $0xb8;
	[tilespmem:$0x19C00] =	vst v63  }
0x36: {  	_ =	swait.ge [sflag:s16], $0x4000  }
0x37: {  	s23 =	smov.u32 s25;
	[sflag:s16] =	ssyncset.done $0x0  }
0x38: {  	s21 =	sshra.s32 s21, $0x2;
	[sflag:s16] =	ssyncadd.s32 $0xFFFFC000  }
0x39: {  	[tilespmem:s19], [sflag:$0x1] =	stream.indirect.gather [hbm4b:s5+s18], $0x80, s21, s18, $0xb8;
	[tilespmem:$0x19C00] =	vst v63  }
0x3a: {  	s22 =	sadd.s32 $0x1, s22;
	_ =	swait.ge [sflag:s20], $0x4000  }
0x3b: {  	p1 =	sne.s32 s22, $0x5;
	[sflag:s20] =	ssyncset.done $0x0  }
.Ltmp4:
0x3c: {  	s21 =	sadd.s32 $0x1000, s21;
	[sflag:s20] =	ssyncadd.s32 $0xFFFFC000;
	(pc) =	sbr.rel @p1 .LBB2_6-.Ltmp4, $4  }
0x3d: {  	[spmem:s1] =	stream.indirect.scatter.add.f32 [tilespmem:s19], [sflag:$0x2], $0x80, s21, s18, $0xb8;
	[tilespmem:$0x19C00] =	vst v63  }
0x3e: {  	_ =	swait.ge [sflag:s16], $0x4000  }
0x3f: {  	[sflag:s16] =	ssyncset.done $0x0  }
0x40: {  	[sflag:s16] =	ssyncadd.s32 $0xFFFFC000  }
.Ltmp5:
0x41: {  	(pc) =	sbr.rel .LBB2_10-.Ltmp5, $2  }
0x42: {  	_ =	sdelay $0x2  }
0x43: {  	s21 =	smov.u32 s10  }
.LBB2_2:
0x44: {  	s22 =	sshll.u32 s21, $0xC  }
0x45: {  	s22 =	sadd.s32 s12, s22  }
0x46: {  	s22 =	sshrl.u32 s22, $0x3  }
0x47: {  	s24 =	simm.s32 $0x0;
	s23 =	sadd.s32 s7, s22  }
0x48: {  	[tilespmem:s24], [sflag:$0x2] =	stream.linear.gather [hbm4b:s23+s24], $0x1000, $0x38;
	[tilespmem:$0x19C00] =	vst v63  }
0x49: {  	_ =	swait.ge [sflag:s16], $0x1000  }
0x4a: {  	[sflag:s16] =	ssyncset.done $0x0  }
0x4b: {  	s22 =	sadd.s32 s8, s22;
	[sflag:s16] =	ssyncadd.s32 $0xFFFFF000  }
0x4c: {  	[tilespmem:s17], [sflag:$0x2] =	stream.linear.gather [hbm4b:s22+s24], $0x1000, $0x38;
	[tilespmem:$0x19C00] =	vst v63  }
0x4d: {  	_ =	swait.ge [sflag:s16], $0x1000  }
0x4e: {  	[sflag:s16] =	ssyncset.done $0x0  }
0x4f: {  	s30 =	simm.s32 $0x0;
	[sflag:s16] =	ssyncadd.s32 $0xFFFFF000  }
0x50: {  	[tilespmem:s19], [sflag:$0x1] =	stream.indirect.gather [hbm4b:s4+s18], $0x80, s30, s18, $0xb8;
	[tilespmem:$0x19C00] =	vst v63  }
0x51: {  	_ =	swait.ge [sflag:s20], $0x4000  }
0x52: {  	[sflag:s20] =	ssyncset.done $0x0  }
0x53: {  	s31 =	simm.s32 $0x1000;
	[sflag:s20] =	ssyncadd.s32 $0xFFFFC000  }
0x54: {  	[spmem:s1] =	stream.indirect.scatter.add.f32 [tilespmem:s19], [sflag:$0x2], $0x80, s31, s18, $0xb8;
	[tilespmem:$0x19C00] =	vst v63  }
0x55: {  	_ =	swait.ge [sflag:s16], $0x4000  }
0x56: {  	s23 =	simm.s32 $0x400;
	s22 =	simm.s32 $0x200;
	[sflag:s16] =	ssyncset.done $0x0  }
.LBB2_3:
0x57: {  	s24 =	sshra.s32 s22, $0x2  }
0x58: {  	[sflag:s16] =	ssyncadd.s32 $0xFFFFC000;
	s22 =	smov.u32 s23;
	s25 =	sadd.s32 $0x200, s23  }
0x59: {  	[tilespmem:s19], [sflag:$0x1] =	stream.indirect.gather [hbm4b:s4+s18], $0x80, s24, s18, $0xb8;
	[tilespmem:$0x19C00] =	vst v63  }
0x5a: {  	p1 =	sne.s32 s23, $0x3E00;
	_ =	swait.ge [sflag:s20], $0x4000  }
.Ltmp6:
0x5b: {  	[sflag:s20] =	ssyncset.done $0x0;
	(pc) =	sbr.rel @p1 .LBB2_3-.Ltmp6, $4  }
0x5c: {  	s23 =	sadd.s32 $0x1000, s24;
	[sflag:s20] =	ssyncadd.s32 $0xFFFFC000  }
0x5d: {  	[spmem:s1] =	stream.indirect.scatter.add.f32 [tilespmem:s19], [sflag:$0x2], $0x80, s23, s18, $0xb8;
	[tilespmem:$0x19C00] =	vst v63  }
0x5e: {  	_ =	swait.ge [sflag:s16], $0x4000  }
0x5f: {  	s23 =	smov.u32 s25;
	[sflag:s16] =	ssyncset.done $0x0  }
0x60: {  	s22 =	sshra.s32 s22, $0x2;
	[sflag:s16] =	ssyncadd.s32 $0xFFFFC000  }
0x61: {  	[tilespmem:s19], [sflag:$0x1] =	stream.indirect.gather [hbm4b:s4+s18], $0x80, s22, s18, $0xb8;
	[tilespmem:$0x19C00] =	vst v63  }
0x62: {  	s21 =	sadd.s32 $0x1, s21;
	_ =	swait.ge [sflag:s20], $0x4000  }
0x63: {  	p1 =	seq.s32 s21, $0x5;
	[sflag:s20] =	ssyncset.done $0x0  }
.Ltmp7:
0x64: {  	s22 =	sadd.s32 $0x1000, s22;
	[sflag:s20] =	ssyncadd.s32 $0xFFFFC000;
	(pc) =	sbr.rel @!p1 .LBB2_2-.Ltmp7, $4  }
0x65: {  	[spmem:s1] =	stream.indirect.scatter.add.f32 [tilespmem:s19], [sflag:$0x2], $0x80, s22, s18, $0xb8;
	[tilespmem:$0x19C00] =	vst v63  }
0x66: {  	_ =	swait.ge [sflag:s16], $0x4000  }
0x67: {  	[sflag:s16] =	ssyncset.done $0x0  }
0x68: {  	[sflag:s16] =	ssyncadd.s32 $0xFFFFC000  }
.Ltmp8:
0x69: {  	(pc) =	sbr.rel .LBB2_10-.Ltmp8, $2  }
0x6a: {  	_ =	sdelay $0x2  }
0x6b: {  	s21 =	smov.u32 s9  }
.LBB2_11:
0x6c: {  	_ =	sfence.sel $0x180000  }
0x6d: {  	[bflag:$0x0] =	sbarrier.arrive $0xFFFF  }
0x6e: {  	p0 =	sne.s32 s2, $0x0;
	_ =	strace $0x90000047  }
0x6f: {  	s0 =	sadd.s32 @!p0 $0x100000, s0;
	[bflag:$0x2] =	sbarrier.arrive $0xFFFF  }
0x70: {  	[sflag:s0] =	ssyncadd.tile.s32 @!p0 $0x1;
	_ =	shalt  }
.Lfunc_end2:
_tile_overlayer_lowered:
.L_overlay_start_2:
0x71: {  	(tag) =	ssettag $0x2  }
0x72: {  	s0 =	rddreg [dreg:$0x0];
	s2 =	stileid.u32  }
0x73: {  	s1 =	rddreg [dreg:$0x1];
	p0 =	sne.s32 s2, $0x0  }
0x74: {  	s3 =	rddreg [dreg:$0x2];
	[bflag:$0x3] =	sbarrier.arrive $0xFFFF;
	s2 =	simm.s32 @!p0 $0x1C02  }
0x75: {  	[timem:s3], [sflag:s2] =	dma.local @!p0 [hbm:s0], s1  }
0x76: {  	s0 =	simm.s32 @!p0 $0x2  }
0x77: {  	_ =	swait.ge @!p0 [sflag:s0], s1  }
0x78: {  	s1 =	ssub.s32 @!p0 $0x0, s1;
	[sflag:s0] =	ssyncset.done @!p0 $0x0  }
0x79: {  	[sflag:s0] =	ssyncadd.s32 @!p0 s1  }
0x7a: {  	[bflag:$0x3] =	sbarrier.arrive $0xFFFF  }
0x7b: {  	_ =	shalt  }

// kernel: kernel.17.cloned.1.call-start
scs
__scs_entry_jumppad:
0x0: {  	(pc) =	sbr.rel $0x88, $3  }
0x1: {  	(tag) =	ssettag $0x0;
	lr =	simm.s32 $0x1  }
0x2: {  	[smem:$0x3F8D] =	sst lr;
	_ =	strace $0xD0000000  }
0x3: {  	_ = 	snop  }
0x4: {  	_ = 	snop  }
0x5: {  	_ = 	snop  }
0x6: {  	_ = 	snop  }
0x7: {  	_ = 	snop  }
__scs_overlays_trampoline_lowered:
0x8: {  	[smem:$0x3F9C] =	sst s0  }
0x9: {  	[smem:$0x3F9D] =	sst s1  }
0xa: {  	[smem:$0x3F9E] =	sst s2  }
0xb: {  	[smem:$0x3F9F] =	sst s3  }
0xc: {  	[smem:$0x3FA0] =	sst s4  }
0xd: {  	[smem:$0x3FA1] =	sst s5  }
0xe: {  	[smem:$0x3FA2] =	sst s6  }
0xf: {  	[smem:$0x3FA3] =	sst s7  }
0x10: {  	[smem:$0x3FA4] =	sst s8  }
0x11: {  	[smem:$0x3FA5] =	sst s9;
	s0 =	simm.s32 @!p0 $0x0  }
0x12: {  	s1 =	sld [smem:$0x3F8B];
	s0 =	simm.s32 @p0 $0x1  }
0x13: {  	[smem:$0x3FA6] =	sst s0;
	s0 =	simm.s32 @!p1 $0x0  }
0x14: {  	s2 =	sld [smem:$0x3F8A];
	s0 =	simm.s32 @p1 $0x1  }
0x15: {  	[smem:$0x3FA7] =	sst s0;
	s0 =	simm.s32 @!p2 $0x0  }
0x16: {  	s3 =	sld [smem:$0x3FDB];
	s0 =	simm.s32 @p2 $0x1  }
0x17: {  	s4 =	simm.s32 $0x1BF5;
	[smem:$0x3FA9] =	sst s0  }
0x18: {  	s0 =	sld [smem:$0x3F8C];
	_ =	swait.ge [sflag:s4], $0x0  }
0x19: {  	s7 =	sld [smem:$0x3F8D]  }
0x1a: {  	s8 =	sadd.s32 $0xFFFFE003, lr  }
0x1b: {  	s9 =	sadd.s32 $0xFFFFFEF7, lr;
	s5 =	simm.s32 $0xFFFFFFFF;
	p2 =	slt.u32 s8, $0xFFFFF086  }
0x1c: {  	p1 =	slt.u32 s9, $0xF7A;
	s5 =	simm.s32 @!p2 $0x0  }
0x1d: {  	s5 =	simm.s32 @p1 $0x1;
	p0 =	seq.s32 s7, s2  }
0x1e: {  	s7 =	smul.u32 @!p0 $0xF7A, s2;
	p2 =	seq.s32 @!p0 s5, $0x0  }
0x1f: {  	s9 =	smul.u32 $0xF7A, s1;
	s8 =	simm.s32 @!p0 $0x1BF5;
	p2 =	por !p2, p0  }
0x20: {  	[sflag:s8] =	ssyncset.s32 @!p0 $0xFFFFF086;
	s6 =	sadd.s32 @!p0 s3, s7;
	s7 =	simm.s32 @!p0 $0x108  }
0x21: {  	s3 =	sadd.s32 s3, s9;
	s6 =	sadd.s32 @!p0 $0x88, s6;
	s7 =	simm.s32 @p2 $0x1082  }
0x22: {  	[simem:s7], [sflag:s8] =	dma.local @!p0 [hbm:s6], $0xF7A  }
0x23: {  	s9 =	sor.u32 $0xD0000000, s2;
	s6 =	simm.s32 $0x108;
	_ =	swait.ge @!p0 [sflag:s8], $0x0  }
0x24: {  	s3 =	sadd.s32 $0x88, s3;
	s6 =	simm.s32 @!p1 $0x1082;
	[sflag:s4] =	ssyncset.s32 $0xFFFFF086  }
0x25: {  	[simem:s6], [sflag:s4] =	dma.local [hbm:s3], $0xF7A  }
0x26: {  	[smem:$0x3F8D] =	sst s1;
	(tag) =	ssettag s2;
	_ =	strace s9  }
0x27: {  	s1 =	sld [smem:$0x3F9D]  }
0x28: {  	s2 =	sld [smem:$0x3F9E]  }
0x29: {  	s4 =	sld [smem:$0x3FA0]  }
0x2a: {  	p0 =	seq.s32 s5, $0x0;
	s5 =	sld [smem:$0x3FA1]  }
0x2b: {  	s6 =	sld [smem:$0x3FA2]  }
0x2c: {  	s7 =	sld [smem:$0x3FA3]  }
0x2d: {  	s3 =	simm.s32 $0x108;
	s8 =	sld [smem:$0x3FA4]  }
0x2e: {  	s3 =	simm.s32 @!p0 $0x1082;
	s9 =	sld [smem:$0x3FA5]  }
0x2f: {  	lr =	sadd.s32 s0, s3;
	s0 =	sld [smem:$0x3F9C]  }
0x30: {  	s3 =	sld [smem:$0x3F9F]  }
0x31: {  	[smem:$0x3FA8] =	sst s10  }
0x32: {  	s10 =	sld [smem:$0x3FA6];
	_ =	sdelay $0x3  }
0x33: {  	p0 =	seq.s32 s10, $0x1;
	s10 =	sld [smem:$0x3FA8];
	_ =	sdelay $0x3  }
0x34: {  	[smem:$0x3FA8] =	sst s10  }
0x35: {  	s10 =	sld [smem:$0x3FA7];
	_ =	sdelay $0x3  }
0x36: {  	p1 =	seq.s32 s10, $0x1;
	s10 =	sld [smem:$0x3FA8];
	_ =	sdelay $0x3  }
0x37: {  	[smem:$0x3FA8] =	sst s10  }
0x38: {  	s10 =	sld [smem:$0x3FA9]  }
0x39: {  	_ = 	snop;
	(pc) =	sbr.ind lr, $3  }
0x3a: {  	_ = 	snop  }
0x3b: {  	_ = 	snop  }
0x3c: {  	p2 =	seq.s32 s10, $0x1;
	s10 =	sld [smem:$0x3FA8]  }
0x3d: {  	_ =	shalt  }
0x3e: {  	_ =	shalt  }
0x3f: {  	_ =	shalt  }
0x40: {  	_ =	shalt  }
0x41: {  	_ =	shalt  }
0x42: {  	_ =	shalt  }
0x43: {  	_ =	shalt  }
0x44: {  	_ =	shalt  }
0x45: {  	_ =	shalt  }
0x46: {  	_ =	shalt  }
0x47: {  	_ =	shalt  }
0x48: {  	_ =	shalt  }
0x49: {  	_ =	shalt  }
0x4a: {  	_ =	shalt  }
0x4b: {  	_ =	shalt  }
0x4c: {  	_ =	shalt  }
0x4d: {  	_ =	shalt  }
0x4e: {  	_ =	shalt  }
0x4f: {  	_ =	shalt  }
0x50: {  	_ =	shalt  }
0x51: {  	_ =	shalt  }
0x52: {  	_ =	shalt  }
0x53: {  	_ =	shalt  }
0x54: {  	_ =	shalt  }
0x55: {  	_ =	shalt  }
0x56: {  	_ =	shalt  }
0x57: {  	_ =	shalt  }
0x58: {  	_ =	shalt  }
0x59: {  	_ =	shalt  }
0x5a: {  	_ =	shalt  }
0x5b: {  	_ =	shalt  }
0x5c: {  	_ =	shalt  }
0x5d: {  	_ =	shalt  }
0x5e: {  	_ =	shalt  }
0x5f: {  	_ =	shalt  }
0x60: {  	_ =	shalt  }
0x61: {  	_ =	shalt  }
0x62: {  	_ =	shalt  }
0x63: {  	_ =	shalt  }
0x64: {  	_ =	shalt  }
0x65: {  	_ =	shalt  }
0x66: {  	_ =	shalt  }
0x67: {  	_ =	shalt  }
0x68: {  	_ =	shalt  }
0x69: {  	_ =	shalt  }
0x6a: {  	_ =	shalt  }
0x6b: {  	_ =	shalt  }
0x6c: {  	_ =	shalt  }
0x6d: {  	_ =	shalt  }
0x6e: {  	_ =	shalt  }
0x6f: {  	_ =	shalt  }
0x70: {  	_ =	shalt  }
0x71: {  	_ =	shalt  }
0x72: {  	_ =	shalt  }
0x73: {  	_ =	shalt  }
0x74: {  	_ =	shalt  }
0x75: {  	_ =	shalt  }
0x76: {  	_ =	shalt  }
0x77: {  	_ =	shalt  }
0x78: {  	_ =	shalt  }
0x79: {  	_ =	shalt  }
0x7a: {  	_ =	shalt  }
0x7b: {  	_ =	shalt  }
0x7c: {  	_ =	shalt  }
0x7d: {  	_ =	shalt  }
0x7e: {  	_ =	shalt  }
0x7f: {  	_ =	shalt  }
0x80: {  	_ =	shalt  }
0x81: {  	_ =	shalt  }
0x82: {  	_ =	shalt  }
0x83: {  	_ =	shalt  }
0x84: {  	_ =	shalt  }
0x85: {  	_ =	shalt  }
0x86: {  	_ =	shalt  }
0x87: {  	_ =	shalt  }
.Lfunc_end0:
.L_simem_size_0:
called_computation.1_lowered:
.L_overlay_start_0:
0x88: {  	s2 =	sld [smem:$0x3FD9]  }
0x89: {  	s3 =	sld [smem:$0x3FFE];
	_ =	sdelay $0x1  }
0x8a: {  	s1 =	srdreg.scid  }
0x8b: {  	s0 =	sand.u32 $0x1, s1  }
0x8c: {  	s16 =	sshll.u32 s0, $0xA;
	s2 =	sadd.s32 s3, s2  }
0x8d: {  	s2 =	sadd.s32 s2, s16  }
0x8e: {  	[smem:$0x3FB4] =	sst s2  }
0x8f: {  	_ = 	snop  }
0x90: {  	(tm) =	ssettm $0x1  }
0x91: {  	s17 =	sld [smem:$0x3FFB];
	_ =	sdelay $0x3  }
0x92: {  	_ =	strace s17  }
0x93: {  	s2 =	sld [smem:$0x3FFC];
	_ =	sdelay $0x3  }
0x94: {  	_ =	strace s2  }
0x95: {  	s2 =	sld [smem:$0x3FFD];
	_ =	sdelay $0x3  }
0x96: {  	_ =	strace s2  }
0x97: {  	_ =	strace $0x8FFFFFFF  }
0x98: {  	s18 =	sld [smem:$0x3FDB];
	_ =	sdelay $0x1  }
0x99: {  	s19 =	simm.s32 $_scs_section_size  }
0x9a: {  	s4 =	simm.s32 $_size__tile_overlayer_lowered;
	s5 =	simm.s32 $_tile_overlayer_lowered  }
0x9b: {  	s22 =	simm.s32 $0x1BFF;
	s21 =	sshll.u32 s5, $0x1;
	s2 =	sadd.s32 s19, s18  }
0x9c: {  	s6 =	simm.s32 $0x0;
	s20 =	sshll.u32 s4, $0x1;
	s4 =	sadd.s32 s21, s2  }
0x9d: {  	[timem:s6], [sflag:s22] =	dma.local [hbm:s4], s20  }
0x9e: {  	_ =	swait.ge [sflag:s22], s20  }
0x9f: {  	s3 =	ssub.s32 $0x0, s20;
	[sflag:s22] =	ssyncset.done $0x0  }
0xa0: {  	[sflag:s22] =	ssyncadd.s32 s3;
	_ =	sdelay $0x1  }
0xa1: {  	s23 =	simm.s32 $0x1B8B  }
0xa2: {  	_ =	swait.ge [sflag:s23], $0x1  }
0xa3: {  	[sflag:s23] =	ssyncset.done $0x0  }
0xa4: {  	s25 =	simm.s32 $0x1B8E;
	s24 =	sld [smem:$0x3FFE];
	[sflag:s23] =	ssyncadd.s32 $0xFFFFFFFF  }
0xa5: {  	s26 =	simm.s32 $execute0_lowered;
	[smem:$0x3FD2] =	sst s25  }
0xa6: {  	s4 =	sshll.u32 s26, $0x1;
	_ =	strace $0x80000049;
	[dreg:$0x1] =	wrdreg $0xFFFFFFFF  }
0xa7: {  	s28 =	simm.s32 $_size_execute0_lowered;
	s2 =	sadd.s32 s2, s4;
	[dreg:$0x0] =	wrdreg $0x0  }
0xa8: {  	s4 =	sshll.u32 s28, $0x1;
	[dreg:$0x2] =	wrdreg s2  }
0xa9: {  	[dreg:$0x3] =	wrdreg s4  }
0xaa: {  	[dreg:$0x4] =	wrdreg $0xC0  }
0xab: {  	_ =	task [dreg:s6], $0x5FFFF  }
0xac: {  	[dreg:$0x1] =	wrdreg $0xFFFFFFFF  }
0xad: {  	[dreg:$0x0] =	wrdreg $0x60  }
0xae: {  	[dreg:$0x2] =	wrdreg s24  }
0xaf: {  	[dreg:$0x3] =	wrdreg $0x60000  }
0xb0: {  	[dreg:$0x4] =	wrdreg $0x9  }
0xb1: {  	_ =	task.clear_ibuf [dreg:s6], $0x5FFFF;
	_ =	strace $0x90000049  }
0xb2: {  	s29 =	simm.s32 $0x9;
	_ =	strace $0x8000004B  }
0xb3: {  	_ =	swait.ge [sflag:s29], $0x1  }
0xb4: {  	[sflag:s29] =	ssyncadd.s32 $0xFFFFFFFF  }
0xb5: {  	_ =	strace $0x9000004B  }
0xb6: {  	_ =	sfence  }
0xb7: {  	s30 =	sld [smem:$0x0];
	_ =	sdelay $0x2  }
0xb8: {  	s31 =	sshll.u32 s1, $0xD;
	s1 =	sshrl.u32 s1, $0x2  }
0xb9: {  	s3 =	sand.u32 $0x4000, s31;
	s1 =	sadd.s32 s1, s30  }
0xba: {  	s0 =	sor.u32 s3, s0;
	s1 =	sshll.u32 s1, $0x11  }
0xbb: {  	s0 =	sor.u32 s1, s0  }
0xbc: {  	s0 =	sadd.s32 $0x8F2B, s0  }
0xbd: {  	[sflag:s0] =	ssyncadd.remote.s32 $0x1  }
0xbe: {  	_ =	sfence.sel $0xFFFF  }
0xbf: {  	[dreg:$0x0] =	wrdreg $0xFFFFFFFF;
	(pc) =	sbr.abs _section_cstart, $3  }
0xc0: {  	[dreg:$0x1] =	wrdreg $0xFFFFFFFF  }
0xc1: {  	_ =	task.clear_ibuf [dreg:s6], $0x2FFFF;
	_ =	strace $0x9FFFFFFF  }
0xc2: {  	(tm) =	ssettm $0x7FFFFFFF  }
0xc3: {  	_ =	shalt  }
tec
execute0_lowered:
.L_overlay_start_1:
0x0: {  	(tag) =	ssettag $0x1  }
0x1: {  	s10 =	rddreg [dreg:$0x0]  }
0x2: {  	s1 =	rddreg [dreg:$0x1]  }
0x3: {  	s0 =	rddreg [dreg:$0x2]  }
0x4: {  	s3 =	simm.s32 $0x0;
	s2 =	stileid.u32;
	s9 =	srdreg.scid  }
0x5: {  	s16 =	simm.s32 $0x2;
	s17 =	simm.s32 $0x1000;
	s18 =	simm.s32 $0x80  }
0x6: {  	s19 =	simm.s32 $0x2000;
	s20 =	simm.s32 $0x1;
	[smem:$0x7FF] =	sst s3  }
0x7: {  	s4 =	sadd.s32 $0x1C000, s10;
	s5 =	sadd.s32 $0xDFE00, s10;
	s6 =	smul.u32 $0x2780, s2  }
0x8: {  	s7 =	sadd.s32 $0x8000, s10;
	s8 =	sadd.s32 $0x12000, s10;
	s11 =	sand.u32 $0x1, s9  }
0x9: {  	s14 =	smul.u32 $0x4F000, s2;
	s9 =	sadd.s32 $0x107000, s10;
	s31 =	sshll.u32 s2, $0x6  }
.Ltmp0:
0xa: {  	_ =	strace $0x8000004A;
	s13 =	ssub.s32 $0x2, s11;
	(pc) =	sbr.rel .LBB2_1-.Ltmp0, $4  }
0xb: {  	p0 =	seq.s32 s11, $0x1;
	s12 =	sadd.s32 s6, s10;
	s10 =	sadd.s32 $0x12E800, s10  }
0xc: {  	s15 =	sshrl.u32 s13, $0x1;
	s29 =	sshrl.u32 s14, $0x2;
	s14 =	sor.u32 $0x1C02, s31  }
0xd: {  	s13 =	ssub.s32 s13, s15;
	s30 =	sadd.s32 s29, s1;
	s11 =	sadd.s32 $0xB8600, s12  }
0xe: {  	s12 =	smul.u32 $0x5000, s2;
	s13 =	smax.u32 s13, $0x1;
	s15 =	sshrl.u32 s30, $0x3  }
.LBB2_10:
0xf: {  	s3 =	sadd.s32 $0x1, s3  }
0x10: {  	p1 =	sne.s32 s3, s13  }
.Ltmp1:
0x11: {  	s21 =	sadd.s32 s21, s6;
	[bflag:$0x0] =	sbarrier.arrive $0xFFFF;
	(pc) =	sbr.rel @!p1 .LBB2_11-.Ltmp1, $4  }
0x12: {  	[hbm:s21], [sflag:s14] =	dma.local [spmem:s15], $0x2780  }
0x13: {  	_ =	swait.ge [sflag:s16], $0x2780  }
0x14: {  	[sflag:s16] =	ssyncset.done $0x0  }
0x15: {  	[sflag:s16] =	ssyncadd.s32 $0xFFFFD880  }
.LBB2_1:
0x16: {  	[spmem:s15], [sflag:s14] =	dma.local [hbm:s11], $0x2780  }
.Ltmp2:
0x17: {  	_ =	swait.ge [sflag:s16], $0x2780;
	(pc) =	sbr.rel @!p0 .LBB2_2-.Ltmp2, $4  }
0x18: {  	[sflag:s16] =	ssyncset.done $0x0  }
0x19: {  	[sflag:s16] =	ssyncadd.s32 $0xFFFFD880  }
0x1a: {  	[bflag:$0x0] =	sbarrier.arrive $0xFFFF  }
0x1b: {  	s21 =	simm.s32 $0x0;
	s22 =	simm.s32 $0x0  }
.LBB2_6:
0x1c: {  	s21 =	sshll.u32 s22, $0xC  }
0x1d: {  	s21 =	sadd.s32 s12, s21  }
0x1e: {  	s21 =	sshrl.u32 s21, $0x3  }
0x1f: {  	s24 =	simm.s32 $0x0;
	s23 =	sadd.s32 s7, s21  }
0x20: {  	[tilespmem:s24], [sflag:$0x2] =	stream.linear.gather [hbm4b:s23+s24], $0x1000, $0x38;
	[tilespmem:$0x19C00] =	vst v63  }
0x21: {  	_ =	swait.ge [sflag:s16], $0x1000  }
0x22: {  	[sflag:s16] =	ssyncset.done $0x0  }
0x23: {  	s21 =	sadd.s32 s8, s21;
	[sflag:s16] =	ssyncadd.s32 $0xFFFFF000  }
0x24: {  	[tilespmem:s17], [sflag:$0x2] =	stream.linear.gather [hbm4b:s21+s24], $0x1000, $0x38;
	[tilespmem:$0x19C00] =	vst v63  }
0x25: {  	_ =	swait.ge [sflag:s16], $0x1000  }
0x26: {  	[sflag:s16] =	ssyncset.done $0x0  }
0x27: {  	s30 =	simm.s32 $0x0;
	[sflag:s16] =	ssyncadd.s32 $0xFFFFF000  }
0x28: {  	[tilespmem:s19], [sflag:$0x1] =	stream.indirect.gather [hbm4b:s5+s18], $0x80, s30, s18, $0xb8;
	[tilespmem:$0x19C00] =	vst v63  }
0x29: {  	_ =	swait.ge [sflag:s20], $0x4000  }
0x2a: {  	[sflag:s20] =	ssyncset.done $0x0  }
0x2b: {  	s31 =	simm.s32 $0x1000;
	[sflag:s20] =	ssyncadd.s32 $0xFFFFC000  }
0x2c: {  	[spmem:s1] =	stream.indirect.scatter.add.f32 [tilespmem:s19], [sflag:$0x2], $0x80, s31, s18, $0xb8;
	[tilespmem:$0x19C00] =	vst v63  }
0x2d: {  	_ =	swait.ge [sflag:s16], $0x4000  }
0x2e: {  	s23 =	simm.s32 $0x400;
	s21 =	simm.s32 $0x200;
	[sflag:s16] =	ssyncset.done $0x0  }
.LBB2_7:
0x2f: {  	s24 =	sshra.s32 s21, $0x2  }
0x30: {  	[sflag:s16] =	ssyncadd.s32 $0xFFFFC000;
	s21 =	smov.u32 s23;
	s25 =	sadd.s32 $0x200, s23  }
0x31: {  	[tilespmem:s19], [sflag:$0x1] =	stream.indirect.gather [hbm4b:s5+s18], $0x80, s24, s18, $0xb8;
	[tilespmem:$0x19C00] =	vst v63  }
0x32: {  	p1 =	sne.s32 s23, $0x3E00;
	_ =	swait.ge [sflag:s20], $0x4000  }
.Ltmp3:
0x33: {  	[sflag:s20] =	ssyncset.done $0x0;
	(pc) =	sbr.rel @p1 .LBB2_7-.Ltmp3, $4  }
0x34: {  	s23 =	sadd.s32 $0x1000, s24;
	[sflag:s20] =	ssyncadd.s32 $0xFFFFC000  }
0x35: {  	[spmem:s1] =	stream.indirect.scatter.add.f32 [tilespmem:s19], [sflag:$0x2], $0x80, s23, s18, $0xb8;
	[tilespmem:$0x19C00] =	vst v63  }
0x36: {  	_ =	swait.ge [sflag:s16], $0x4000  }
0x37: {  	s23 =	smov.u32 s25;
	[sflag:s16] =	ssyncset.done $0x0  }
0x38: {  	s21 =	sshra.s32 s21, $0x2;
	[sflag:s16] =	ssyncadd.s32 $0xFFFFC000  }
0x39: {  	[tilespmem:s19], [sflag:$0x1] =	stream.indirect.gather [hbm4b:s5+s18], $0x80, s21, s18, $0xb8;
	[tilespmem:$0x19C00] =	vst v63  }
0x3a: {  	s22 =	sadd.s32 $0x1, s22;
	_ =	swait.ge [sflag:s20], $0x4000  }
0x3b: {  	p1 =	sne.s32 s22, $0x5;
	[sflag:s20] =	ssyncset.done $0x0  }
.Ltmp4:
0x3c: {  	s21 =	sadd.s32 $0x1000, s21;
	[sflag:s20] =	ssyncadd.s32 $0xFFFFC000;
	(pc) =	sbr.rel @p1 .LBB2_6-.Ltmp4, $4  }
0x3d: {  	[spmem:s1] =	stream.indirect.scatter.add.f32 [tilespmem:s19], [sflag:$0x2], $0x80, s21, s18, $0xb8;
	[tilespmem:$0x19C00] =	vst v63  }
0x3e: {  	_ =	swait.ge [sflag:s16], $0x4000  }
0x3f: {  	[sflag:s16] =	ssyncset.done $0x0  }
0x40: {  	[sflag:s16] =	ssyncadd.s32 $0xFFFFC000  }
.Ltmp5:
0x41: {  	(pc) =	sbr.rel .LBB2_10-.Ltmp5, $2  }
0x42: {  	_ =	sdelay $0x2  }
0x43: {  	s21 =	smov.u32 s10  }
.LBB2_2:
0x44: {  	s22 =	sshll.u32 s21, $0xC  }
0x45: {  	s22 =	sadd.s32 s12, s22  }
0x46: {  	s22 =	sshrl.u32 s22, $0x3  }
0x47: {  	s24 =	simm.s32 $0x0;
	s23 =	sadd.s32 s7, s22  }
0x48: {  	[tilespmem:s24], [sflag:$0x2] =	stream.linear.gather [hbm4b:s23+s24], $0x1000, $0x38;
	[tilespmem:$0x19C00] =	vst v63  }
0x49: {  	_ =	swait.ge [sflag:s16], $0x1000  }
0x4a: {  	[sflag:s16] =	ssyncset.done $0x0  }
0x4b: {  	s22 =	sadd.s32 s8, s22;
	[sflag:s16] =	ssyncadd.s32 $0xFFFFF000  }
0x4c: {  	[tilespmem:s17], [sflag:$0x2] =	stream.linear.gather [hbm4b:s22+s24], $0x1000, $0x38;
	[tilespmem:$0x19C00] =	vst v63  }
0x4d: {  	_ =	swait.ge [sflag:s16], $0x1000  }
0x4e: {  	[sflag:s16] =	ssyncset.done $0x0  }
0x4f: {  	s30 =	simm.s32 $0x0;
	[sflag:s16] =	ssyncadd.s32 $0xFFFFF000  }
0x50: {  	[tilespmem:s19], [sflag:$0x1] =	stream.indirect.gather [hbm4b:s4+s18], $0x80, s30, s18, $0xb8;
	[tilespmem:$0x19C00] =	vst v63  }
0x51: {  	_ =	swait.ge [sflag:s20], $0x4000  }
0x52: {  	[sflag:s20] =	ssyncset.done $0x0  }
0x53: {  	s31 =	simm.s32 $0x1000;
	[sflag:s20] =	ssyncadd.s32 $0xFFFFC000  }
0x54: {  	[spmem:s1] =	stream.indirect.scatter.add.f32 [tilespmem:s19], [sflag:$0x2], $0x80, s31, s18, $0xb8;
	[tilespmem:$0x19C00] =	vst v63  }
0x55: {  	_ =	swait.ge [sflag:s16], $0x4000  }
0x56: {  	s23 =	simm.s32 $0x400;
	s22 =	simm.s32 $0x200;
	[sflag:s16] =	ssyncset.done $0x0  }
.LBB2_3:
0x57: {  	s24 =	sshra.s32 s22, $0x2  }
0x58: {  	[sflag:s16] =	ssyncadd.s32 $0xFFFFC000;
	s22 =	smov.u32 s23;
	s25 =	sadd.s32 $0x200, s23  }
0x59: {  	[tilespmem:s19], [sflag:$0x1] =	stream.indirect.gather [hbm4b:s4+s18], $0x80, s24, s18, $0xb8;
	[tilespmem:$0x19C00] =	vst v63  }
0x5a: {  	p1 =	sne.s32 s23, $0x3E00;
	_ =	swait.ge [sflag:s20], $0x4000  }
.Ltmp6:
0x5b: {  	[sflag:s20] =	ssyncset.done $0x0;
	(pc) =	sbr.rel @p1 .LBB2_3-.Ltmp6, $4  }
0x5c: {  	s23 =	sadd.s32 $0x1000, s24;
	[sflag:s20] =	ssyncadd.s32 $0xFFFFC000  }
0x5d: {  	[spmem:s1] =	stream.indirect.scatter.add.f32 [tilespmem:s19], [sflag:$0x2], $0x80, s23, s18, $0xb8;
	[tilespmem:$0x19C00] =	vst v63  }
0x5e: {  	_ =	swait.ge [sflag:s16], $0x4000  }
0x5f: {  	s23 =	smov.u32 s25;
	[sflag:s16] =	ssyncset.done $0x0  }
0x60: {  	s22 =	sshra.s32 s22, $0x2;
	[sflag:s16] =	ssyncadd.s32 $0xFFFFC000  }
0x61: {  	[tilespmem:s19], [sflag:$0x1] =	stream.indirect.gather [hbm4b:s4+s18], $0x80, s22, s18, $0xb8;
	[tilespmem:$0x19C00] =	vst v63  }
0x62: {  	s21 =	sadd.s32 $0x1, s21;
	_ =	swait.ge [sflag:s20], $0x4000  }
0x63: {  	p1 =	seq.s32 s21, $0x5;
	[sflag:s20] =	ssyncset.done $0x0  }
.Ltmp7:
0x64: {  	s22 =	sadd.s32 $0x1000, s22;
	[sflag:s20] =	ssyncadd.s32 $0xFFFFC000;
	(pc) =	sbr.rel @!p1 .LBB2_2-.Ltmp7, $4  }
0x65: {  	[spmem:s1] =	stream.indirect.scatter.add.f32 [tilespmem:s19], [sflag:$0x2], $0x80, s22, s18, $0xb8;
	[tilespmem:$0x19C00] =	vst v63  }
0x66: {  	_ =	swait.ge [sflag:s16], $0x4000  }
0x67: {  	[sflag:s16] =	ssyncset.done $0x0  }
0x68: {  	[sflag:s16] =	ssyncadd.s32 $0xFFFFC000  }
.Ltmp8:
0x69: {  	(pc) =	sbr.rel .LBB2_10-.Ltmp8, $2  }
0x6a: {  	_ =	sdelay $0x2  }
0x6b: {  	s21 =	smov.u32 s9  }
.LBB2_11:
0x6c: {  	_ =	sfence.sel $0x180000  }
0x6d: {  	[bflag:$0x0] =	sbarrier.arrive $0xFFFF  }
0x6e: {  	p0 =	sne.s32 s2, $0x0;
	_ =	strace $0x9000004A  }
0x6f: {  	s0 =	sadd.s32 @!p0 $0x100000, s0;
	[bflag:$0x2] =	sbarrier.arrive $0xFFFF  }
0x70: {  	[sflag:s0] =	ssyncadd.tile.s32 @!p0 $0x1;
	_ =	shalt  }
.Lfunc_end2:
_tile_overlayer_lowered:
.L_overlay_start_2:
0x71: {  	(tag) =	ssettag $0x2  }
0x72: {  	s0 =	rddreg [dreg:$0x0];
	s2 =	stileid.u32  }
0x73: {  	s1 =	rddreg [dreg:$0x1];
	p0 =	sne.s32 s2, $0x0  }
0x74: {  	s3 =	rddreg [dreg:$0x2];
	[bflag:$0x3] =	sbarrier.arrive $0xFFFF;
	s2 =	simm.s32 @!p0 $0x1C02  }
0x75: {  	[timem:s3], [sflag:s2] =	dma.local @!p0 [hbm:s0], s1  }
0x76: {  	s0 =	simm.s32 @!p0 $0x2  }
0x77: {  	_ =	swait.ge @!p0 [sflag:s0], s1  }
0x78: {  	s1 =	ssub.s32 @!p0 $0x0, s1;
	[sflag:s0] =	ssyncset.done @!p0 $0x0  }
0x79: {  	[sflag:s0] =	ssyncadd.s32 @!p0 s1  }
0x7a: {  	[bflag:$0x3] =	sbarrier.arrive $0xFFFF  }
0x7b: {  	_ =	shalt  }

// kernel: kernel.20.cloned.1.call-start
scs
__scs_entry_jumppad:
0x0: {  	(pc) =	sbr.rel $0x88, $3  }
0x1: {  	(tag) =	ssettag $0x0;
	lr =	simm.s32 $0x1  }
0x2: {  	[smem:$0x3F8D] =	sst lr;
	_ =	strace $0xD0000000  }
0x3: {  	_ = 	snop  }
0x4: {  	_ = 	snop  }
0x5: {  	_ = 	snop  }
0x6: {  	_ = 	snop  }
0x7: {  	_ = 	snop  }
__scs_overlays_trampoline_lowered:
0x8: {  	[smem:$0x3F9C] =	sst s0  }
0x9: {  	[smem:$0x3F9D] =	sst s1  }
0xa: {  	[smem:$0x3F9E] =	sst s2  }
0xb: {  	[smem:$0x3F9F] =	sst s3  }
0xc: {  	[smem:$0x3FA0] =	sst s4  }
0xd: {  	[smem:$0x3FA1] =	sst s5  }
0xe: {  	[smem:$0x3FA2] =	sst s6  }
0xf: {  	[smem:$0x3FA3] =	sst s7  }
0x10: {  	[smem:$0x3FA4] =	sst s8  }
0x11: {  	[smem:$0x3FA5] =	sst s9;
	s0 =	simm.s32 @!p0 $0x0  }
0x12: {  	s1 =	sld [smem:$0x3F8B];
	s0 =	simm.s32 @p0 $0x1  }
0x13: {  	[smem:$0x3FA6] =	sst s0;
	s0 =	simm.s32 @!p1 $0x0  }
0x14: {  	s2 =	sld [smem:$0x3F8A];
	s0 =	simm.s32 @p1 $0x1  }
0x15: {  	[smem:$0x3FA7] =	sst s0;
	s0 =	simm.s32 @!p2 $0x0  }
0x16: {  	s3 =	sld [smem:$0x3FDB];
	s0 =	simm.s32 @p2 $0x1  }
0x17: {  	s4 =	simm.s32 $0x1BF5;
	[smem:$0x3FA9] =	sst s0  }
0x18: {  	s0 =	sld [smem:$0x3F8C];
	_ =	swait.ge [sflag:s4], $0x0  }
0x19: {  	s7 =	sld [smem:$0x3F8D]  }
0x1a: {  	s8 =	sadd.s32 $0xFFFFE003, lr  }
0x1b: {  	s9 =	sadd.s32 $0xFFFFFEF7, lr;
	s5 =	simm.s32 $0xFFFFFFFF;
	p2 =	slt.u32 s8, $0xFFFFF086  }
0x1c: {  	p1 =	slt.u32 s9, $0xF7A;
	s5 =	simm.s32 @!p2 $0x0  }
0x1d: {  	s5 =	simm.s32 @p1 $0x1;
	p0 =	seq.s32 s7, s2  }
0x1e: {  	s7 =	smul.u32 @!p0 $0xF7A, s2;
	p2 =	seq.s32 @!p0 s5, $0x0  }
0x1f: {  	s9 =	smul.u32 $0xF7A, s1;
	s8 =	simm.s32 @!p0 $0x1BF5;
	p2 =	por !p2, p0  }
0x20: {  	[sflag:s8] =	ssyncset.s32 @!p0 $0xFFFFF086;
	s6 =	sadd.s32 @!p0 s3, s7;
	s7 =	simm.s32 @!p0 $0x108  }
0x21: {  	s3 =	sadd.s32 s3, s9;
	s6 =	sadd.s32 @!p0 $0x88, s6;
	s7 =	simm.s32 @p2 $0x1082  }
0x22: {  	[simem:s7], [sflag:s8] =	dma.local @!p0 [hbm:s6], $0xF7A  }
0x23: {  	s9 =	sor.u32 $0xD0000000, s2;
	s6 =	simm.s32 $0x108;
	_ =	swait.ge @!p0 [sflag:s8], $0x0  }
0x24: {  	s3 =	sadd.s32 $0x88, s3;
	s6 =	simm.s32 @!p1 $0x1082;
	[sflag:s4] =	ssyncset.s32 $0xFFFFF086  }
0x25: {  	[simem:s6], [sflag:s4] =	dma.local [hbm:s3], $0xF7A  }
0x26: {  	[smem:$0x3F8D] =	sst s1;
	(tag) =	ssettag s2;
	_ =	strace s9  }
0x27: {  	s1 =	sld [smem:$0x3F9D]  }
0x28: {  	s2 =	sld [smem:$0x3F9E]  }
0x29: {  	s4 =	sld [smem:$0x3FA0]  }
0x2a: {  	p0 =	seq.s32 s5, $0x0;
	s5 =	sld [smem:$0x3FA1]  }
0x2b: {  	s6 =	sld [smem:$0x3FA2]  }
0x2c: {  	s7 =	sld [smem:$0x3FA3]  }
0x2d: {  	s3 =	simm.s32 $0x108;
	s8 =	sld [smem:$0x3FA4]  }
0x2e: {  	s3 =	simm.s32 @!p0 $0x1082;
	s9 =	sld [smem:$0x3FA5]  }
0x2f: {  	lr =	sadd.s32 s0, s3;
	s0 =	sld [smem:$0x3F9C]  }
0x30: {  	s3 =	sld [smem:$0x3F9F]  }
0x31: {  	[smem:$0x3FA8] =	sst s10  }
0x32: {  	s10 =	sld [smem:$0x3FA6];
	_ =	sdelay $0x3  }
0x33: {  	p0 =	seq.s32 s10, $0x1;
	s10 =	sld [smem:$0x3FA8];
	_ =	sdelay $0x3  }
0x34: {  	[smem:$0x3FA8] =	sst s10  }
0x35: {  	s10 =	sld [smem:$0x3FA7];
	_ =	sdelay $0x3  }
0x36: {  	p1 =	seq.s32 s10, $0x1;
	s10 =	sld [smem:$0x3FA8];
	_ =	sdelay $0x3  }
0x37: {  	[smem:$0x3FA8] =	sst s10  }
0x38: {  	s10 =	sld [smem:$0x3FA9]  }
0x39: {  	_ = 	snop;
	(pc) =	sbr.ind lr, $3  }
0x3a: {  	_ = 	snop  }
0x3b: {  	_ = 	snop  }
0x3c: {  	p2 =	seq.s32 s10, $0x1;
	s10 =	sld [smem:$0x3FA8]  }
0x3d: {  	_ =	shalt  }
0x3e: {  	_ =	shalt  }
0x3f: {  	_ =	shalt  }
0x40: {  	_ =	shalt  }
0x41: {  	_ =	shalt  }
0x42: {  	_ =	shalt  }
0x43: {  	_ =	shalt  }
0x44: {  	_ =	shalt  }
0x45: {  	_ =	shalt  }
0x46: {  	_ =	shalt  }
0x47: {  	_ =	shalt  }
0x48: {  	_ =	shalt  }
0x49: {  	_ =	shalt  }
0x4a: {  	_ =	shalt  }
0x4b: {  	_ =	shalt  }
0x4c: {  	_ =	shalt  }
0x4d: {  	_ =	shalt  }
0x4e: {  	_ =	shalt  }
0x4f: {  	_ =	shalt  }
0x50: {  	_ =	shalt  }
0x51: {  	_ =	shalt  }
0x52: {  	_ =	shalt  }
0x53: {  	_ =	shalt  }
0x54: {  	_ =	shalt  }
0x55: {  	_ =	shalt  }
0x56: {  	_ =	shalt  }
0x57: {  	_ =	shalt  }
0x58: {  	_ =	shalt  }
0x59: {  	_ =	shalt  }
0x5a: {  	_ =	shalt  }
0x5b: {  	_ =	shalt  }
0x5c: {  	_ =	shalt  }
0x5d: {  	_ =	shalt  }
0x5e: {  	_ =	shalt  }
0x5f: {  	_ =	shalt  }
0x60: {  	_ =	shalt  }
0x61: {  	_ =	shalt  }
0x62: {  	_ =	shalt  }
0x63: {  	_ =	shalt  }
0x64: {  	_ =	shalt  }
0x65: {  	_ =	shalt  }
0x66: {  	_ =	shalt  }
0x67: {  	_ =	shalt  }
0x68: {  	_ =	shalt  }
0x69: {  	_ =	shalt  }
0x6a: {  	_ =	shalt  }
0x6b: {  	_ =	shalt  }
0x6c: {  	_ =	shalt  }
0x6d: {  	_ =	shalt  }
0x6e: {  	_ =	shalt  }
0x6f: {  	_ =	shalt  }
0x70: {  	_ =	shalt  }
0x71: {  	_ =	shalt  }
0x72: {  	_ =	shalt  }
0x73: {  	_ =	shalt  }
0x74: {  	_ =	shalt  }
0x75: {  	_ =	shalt  }
0x76: {  	_ =	shalt  }
0x77: {  	_ =	shalt  }
0x78: {  	_ =	shalt  }
0x79: {  	_ =	shalt  }
0x7a: {  	_ =	shalt  }
0x7b: {  	_ =	shalt  }
0x7c: {  	_ =	shalt  }
0x7d: {  	_ =	shalt  }
0x7e: {  	_ =	shalt  }
0x7f: {  	_ =	shalt  }
0x80: {  	_ =	shalt  }
0x81: {  	_ =	shalt  }
0x82: {  	_ =	shalt  }
0x83: {  	_ =	shalt  }
0x84: {  	_ =	shalt  }
0x85: {  	_ =	shalt  }
0x86: {  	_ =	shalt  }
0x87: {  	_ =	shalt  }
.Lfunc_end0:
.L_simem_size_0:
called_computation.2_lowered:
.L_overlay_start_0:
0x88: {  	s2 =	sld [smem:$0x3FD9]  }
0x89: {  	s3 =	sld [smem:$0x3FFE];
	_ =	sdelay $0x1  }
0x8a: {  	s1 =	srdreg.scid  }
0x8b: {  	s0 =	sand.u32 $0x1, s1  }
0x8c: {  	s16 =	sshll.u32 s0, $0xA;
	s2 =	sadd.s32 s3, s2  }
0x8d: {  	s2 =	sadd.s32 s2, s16  }
0x8e: {  	[smem:$0x3FB4] =	sst s2  }
0x8f: {  	_ = 	snop  }
0x90: {  	(tm) =	ssettm $0x1  }
0x91: {  	s17 =	sld [smem:$0x3FFB];
	_ =	sdelay $0x3  }
0x92: {  	_ =	strace s17  }
0x93: {  	s2 =	sld [smem:$0x3FFC];
	_ =	sdelay $0x3  }
0x94: {  	_ =	strace s2  }
0x95: {  	s2 =	sld [smem:$0x3FFD];
	_ =	sdelay $0x3  }
0x96: {  	_ =	strace s2  }
0x97: {  	_ =	strace $0x8FFFFFFF  }
0x98: {  	s18 =	sld [smem:$0x3FDB];
	_ =	sdelay $0x1  }
0x99: {  	s19 =	simm.s32 $_scs_section_size  }
0x9a: {  	s4 =	simm.s32 $_size__tile_overlayer_lowered;
	s5 =	simm.s32 $_tile_overlayer_lowered  }
0x9b: {  	s22 =	simm.s32 $0x1BFF;
	s21 =	sshll.u32 s5, $0x1;
	s2 =	sadd.s32 s19, s18  }
0x9c: {  	s6 =	simm.s32 $0x0;
	s20 =	sshll.u32 s4, $0x1;
	s4 =	sadd.s32 s21, s2  }
0x9d: {  	[timem:s6], [sflag:s22] =	dma.local [hbm:s4], s20  }
0x9e: {  	_ =	swait.ge [sflag:s22], s20  }
0x9f: {  	s3 =	ssub.s32 $0x0, s20;
	[sflag:s22] =	ssyncset.done $0x0  }
0xa0: {  	[sflag:s22] =	ssyncadd.s32 s3;
	_ =	sdelay $0x1  }
0xa1: {  	s23 =	simm.s32 $0x1B8B  }
0xa2: {  	_ =	swait.ge [sflag:s23], $0x1  }
0xa3: {  	[sflag:s23] =	ssyncset.done $0x0  }
0xa4: {  	s25 =	simm.s32 $0x1B8E;
	s24 =	sld [smem:$0x3FFE];
	[sflag:s23] =	ssyncadd.s32 $0xFFFFFFFF  }
0xa5: {  	s26 =	simm.s32 $execute0_lowered;
	[smem:$0x3FD2] =	sst s25  }
0xa6: {  	s4 =	sshll.u32 s26, $0x1;
	_ =	strace $0x8000004C;
	[dreg:$0x1] =	wrdreg $0xFFFFFFFF  }
0xa7: {  	s28 =	simm.s32 $_size_execute0_lowered;
	s2 =	sadd.s32 s2, s4;
	[dreg:$0x0] =	wrdreg $0x0  }
0xa8: {  	s4 =	sshll.u32 s28, $0x1;
	[dreg:$0x2] =	wrdreg s2  }
0xa9: {  	[dreg:$0x3] =	wrdreg s4  }
0xaa: {  	[dreg:$0x4] =	wrdreg $0xC0  }
0xab: {  	_ =	task [dreg:s6], $0x5FFFF  }
0xac: {  	[dreg:$0x1] =	wrdreg $0xFFFFFFFF  }
0xad: {  	[dreg:$0x0] =	wrdreg $0x60  }
0xae: {  	[dreg:$0x2] =	wrdreg s24  }
0xaf: {  	[dreg:$0x3] =	wrdreg $0x60000  }
0xb0: {  	[dreg:$0x4] =	wrdreg $0x9  }
0xb1: {  	_ =	task.clear_ibuf [dreg:s6], $0x5FFFF;
	_ =	strace $0x9000004C  }
0xb2: {  	s29 =	simm.s32 $0x9;
	_ =	strace $0x8000004E  }
0xb3: {  	_ =	swait.ge [sflag:s29], $0x1  }
0xb4: {  	[sflag:s29] =	ssyncadd.s32 $0xFFFFFFFF  }
0xb5: {  	_ =	strace $0x9000004E  }
0xb6: {  	_ =	sfence  }
0xb7: {  	s30 =	sld [smem:$0x0];
	_ =	sdelay $0x2  }
0xb8: {  	s31 =	sshll.u32 s1, $0xD;
	s1 =	sshrl.u32 s1, $0x2  }
0xb9: {  	s3 =	sand.u32 $0x4000, s31;
	s1 =	sadd.s32 s1, s30  }
0xba: {  	s0 =	sor.u32 s3, s0;
	s1 =	sshll.u32 s1, $0x11  }
0xbb: {  	s0 =	sor.u32 s1, s0  }
0xbc: {  	s0 =	sadd.s32 $0x8F2B, s0  }
0xbd: {  	[sflag:s0] =	ssyncadd.remote.s32 $0x1  }
0xbe: {  	_ =	sfence.sel $0xFFFF  }
0xbf: {  	[dreg:$0x0] =	wrdreg $0xFFFFFFFF;
	(pc) =	sbr.abs _section_cstart, $3  }
0xc0: {  	[dreg:$0x1] =	wrdreg $0xFFFFFFFF  }
0xc1: {  	_ =	task.clear_ibuf [dreg:s6], $0x2FFFF;
	_ =	strace $0x9FFFFFFF  }
0xc2: {  	(tm) =	ssettm $0x7FFFFFFF  }
0xc3: {  	_ =	shalt  }
tec
execute0_lowered:
.L_overlay_start_1:
0x0: {  	(tag) =	ssettag $0x1  }
0x1: {  	s10 =	rddreg [dreg:$0x0]  }
0x2: {  	s1 =	rddreg [dreg:$0x1]  }
0x3: {  	s0 =	rddreg [dreg:$0x2]  }
0x4: {  	s3 =	simm.s32 $0x0;
	s2 =	stileid.u32;
	s9 =	srdreg.scid  }
0x5: {  	s16 =	simm.s32 $0x2;
	s17 =	simm.s32 $0x1000;
	s18 =	simm.s32 $0x80  }
0x6: {  	s19 =	simm.s32 $0x2000;
	s20 =	simm.s32 $0x1;
	[smem:$0x7FF] =	sst s3  }
0x7: {  	s4 =	sadd.s32 $0x6A200, s10;
	s5 =	sadd.s32 $0x91400, s10;
	s6 =	smul.u32 $0x2780, s2  }
0x8: {  	s7 =	sadd.s32 $0x8000, s10;
	s8 =	sadd.s32 $0x12000, s10;
	s11 =	sand.u32 $0x1, s9  }
0x9: {  	s14 =	smul.u32 $0x4F000, s2;
	s9 =	sadd.s32 $0xDFE00, s10;
	s31 =	sshll.u32 s2, $0x6  }
.Ltmp0:
0xa: {  	_ =	strace $0x8000004D;
	s13 =	ssub.s32 $0x2, s11;
	(pc) =	sbr.rel .LBB2_1-.Ltmp0, $4  }
0xb: {  	p0 =	seq.s32 s11, $0x1;
	s12 =	sadd.s32 s6, s10;
	s10 =	sadd.s32 $0x107600, s10  }
0xc: {  	s15 =	sshrl.u32 s13, $0x1;
	s29 =	sshrl.u32 s14, $0x2;
	s14 =	sor.u32 $0x1C02, s31  }
0xd: {  	s13 =	ssub.s32 s13, s15;
	s30 =	sadd.s32 s29, s1;
	s11 =	sadd.s32 $0xB8600, s12  }
0xe: {  	s12 =	smul.u32 $0x5000, s2;
	s13 =	smax.u32 s13, $0x1;
	s15 =	sshrl.u32 s30, $0x3  }
.LBB2_10:
0xf: {  	s3 =	sadd.s32 $0x1, s3  }
0x10: {  	p1 =	sne.s32 s3, s13  }
.Ltmp1:
0x11: {  	s21 =	sadd.s32 s21, s6;
	[bflag:$0x0] =	sbarrier.arrive $0xFFFF;
	(pc) =	sbr.rel @!p1 .LBB2_11-.Ltmp1, $4  }
0x12: {  	[hbm:s21], [sflag:s14] =	dma.local [spmem:s15], $0x2780  }
0x13: {  	_ =	swait.ge [sflag:s16], $0x2780  }
0x14: {  	[sflag:s16] =	ssyncset.done $0x0  }
0x15: {  	[sflag:s16] =	ssyncadd.s32 $0xFFFFD880  }
.LBB2_1:
0x16: {  	[spmem:s15], [sflag:s14] =	dma.local [hbm:s11], $0x2780  }
.Ltmp2:
0x17: {  	_ =	swait.ge [sflag:s16], $0x2780;
	(pc) =	sbr.rel @!p0 .LBB2_2-.Ltmp2, $4  }
0x18: {  	[sflag:s16] =	ssyncset.done $0x0  }
0x19: {  	[sflag:s16] =	ssyncadd.s32 $0xFFFFD880  }
0x1a: {  	[bflag:$0x0] =	sbarrier.arrive $0xFFFF  }
0x1b: {  	s21 =	simm.s32 $0x0;
	s22 =	simm.s32 $0x0  }
.LBB2_6:
0x1c: {  	s21 =	sshll.u32 s22, $0xC  }
0x1d: {  	s21 =	sadd.s32 s12, s21  }
0x1e: {  	s21 =	sshrl.u32 s21, $0x3  }
0x1f: {  	s24 =	simm.s32 $0x0;
	s23 =	sadd.s32 s7, s21  }
0x20: {  	[tilespmem:s24], [sflag:$0x2] =	stream.linear.gather [hbm4b:s23+s24], $0x1000, $0x38;
	[tilespmem:$0x19C00] =	vst v63  }
0x21: {  	_ =	swait.ge [sflag:s16], $0x1000  }
0x22: {  	[sflag:s16] =	ssyncset.done $0x0  }
0x23: {  	s21 =	sadd.s32 s8, s21;
	[sflag:s16] =	ssyncadd.s32 $0xFFFFF000  }
0x24: {  	[tilespmem:s17], [sflag:$0x2] =	stream.linear.gather [hbm4b:s21+s24], $0x1000, $0x38;
	[tilespmem:$0x19C00] =	vst v63  }
0x25: {  	_ =	swait.ge [sflag:s16], $0x1000  }
0x26: {  	[sflag:s16] =	ssyncset.done $0x0  }
0x27: {  	s30 =	simm.s32 $0x0;
	[sflag:s16] =	ssyncadd.s32 $0xFFFFF000  }
0x28: {  	[tilespmem:s19], [sflag:$0x1] =	stream.indirect.gather [hbm4b:s5+s18], $0x80, s30, s18, $0xb8;
	[tilespmem:$0x19C00] =	vst v63  }
0x29: {  	_ =	swait.ge [sflag:s20], $0x4000  }
0x2a: {  	[sflag:s20] =	ssyncset.done $0x0  }
0x2b: {  	s31 =	simm.s32 $0x1000;
	[sflag:s20] =	ssyncadd.s32 $0xFFFFC000  }
0x2c: {  	[spmem:s1] =	stream.indirect.scatter.add.f32 [tilespmem:s19], [sflag:$0x2], $0x80, s31, s18, $0xb8;
	[tilespmem:$0x19C00] =	vst v63  }
0x2d: {  	_ =	swait.ge [sflag:s16], $0x4000  }
0x2e: {  	s23 =	simm.s32 $0x400;
	s21 =	simm.s32 $0x200;
	[sflag:s16] =	ssyncset.done $0x0  }
.LBB2_7:
0x2f: {  	s24 =	sshra.s32 s21, $0x2  }
0x30: {  	[sflag:s16] =	ssyncadd.s32 $0xFFFFC000;
	s21 =	smov.u32 s23;
	s25 =	sadd.s32 $0x200, s23  }
0x31: {  	[tilespmem:s19], [sflag:$0x1] =	stream.indirect.gather [hbm4b:s5+s18], $0x80, s24, s18, $0xb8;
	[tilespmem:$0x19C00] =	vst v63  }
0x32: {  	p1 =	sne.s32 s23, $0x3E00;
	_ =	swait.ge [sflag:s20], $0x4000  }
.Ltmp3:
0x33: {  	[sflag:s20] =	ssyncset.done $0x0;
	(pc) =	sbr.rel @p1 .LBB2_7-.Ltmp3, $4  }
0x34: {  	s23 =	sadd.s32 $0x1000, s24;
	[sflag:s20] =	ssyncadd.s32 $0xFFFFC000  }
0x35: {  	[spmem:s1] =	stream.indirect.scatter.add.f32 [tilespmem:s19], [sflag:$0x2], $0x80, s23, s18, $0xb8;
	[tilespmem:$0x19C00] =	vst v63  }
0x36: {  	_ =	swait.ge [sflag:s16], $0x4000  }
0x37: {  	s23 =	smov.u32 s25;
	[sflag:s16] =	ssyncset.done $0x0  }
0x38: {  	s21 =	sshra.s32 s21, $0x2;
	[sflag:s16] =	ssyncadd.s32 $0xFFFFC000  }
0x39: {  	[tilespmem:s19], [sflag:$0x1] =	stream.indirect.gather [hbm4b:s5+s18], $0x80, s21, s18, $0xb8;
	[tilespmem:$0x19C00] =	vst v63  }
0x3a: {  	s22 =	sadd.s32 $0x1, s22;
	_ =	swait.ge [sflag:s20], $0x4000  }
0x3b: {  	p1 =	sne.s32 s22, $0x5;
	[sflag:s20] =	ssyncset.done $0x0  }
.Ltmp4:
0x3c: {  	s21 =	sadd.s32 $0x1000, s21;
	[sflag:s20] =	ssyncadd.s32 $0xFFFFC000;
	(pc) =	sbr.rel @p1 .LBB2_6-.Ltmp4, $4  }
0x3d: {  	[spmem:s1] =	stream.indirect.scatter.add.f32 [tilespmem:s19], [sflag:$0x2], $0x80, s21, s18, $0xb8;
	[tilespmem:$0x19C00] =	vst v63  }
0x3e: {  	_ =	swait.ge [sflag:s16], $0x4000  }
0x3f: {  	[sflag:s16] =	ssyncset.done $0x0  }
0x40: {  	[sflag:s16] =	ssyncadd.s32 $0xFFFFC000  }
.Ltmp5:
0x41: {  	(pc) =	sbr.rel .LBB2_10-.Ltmp5, $2  }
0x42: {  	_ =	sdelay $0x2  }
0x43: {  	s21 =	smov.u32 s10  }
.LBB2_2:
0x44: {  	s22 =	sshll.u32 s21, $0xC  }
0x45: {  	s22 =	sadd.s32 s12, s22  }
0x46: {  	s22 =	sshrl.u32 s22, $0x3  }
0x47: {  	s24 =	simm.s32 $0x0;
	s23 =	sadd.s32 s7, s22  }
0x48: {  	[tilespmem:s24], [sflag:$0x2] =	stream.linear.gather [hbm4b:s23+s24], $0x1000, $0x38;
	[tilespmem:$0x19C00] =	vst v63  }
0x49: {  	_ =	swait.ge [sflag:s16], $0x1000  }
0x4a: {  	[sflag:s16] =	ssyncset.done $0x0  }
0x4b: {  	s22 =	sadd.s32 s8, s22;
	[sflag:s16] =	ssyncadd.s32 $0xFFFFF000  }
0x4c: {  	[tilespmem:s17], [sflag:$0x2] =	stream.linear.gather [hbm4b:s22+s24], $0x1000, $0x38;
	[tilespmem:$0x19C00] =	vst v63  }
0x4d: {  	_ =	swait.ge [sflag:s16], $0x1000  }
0x4e: {  	[sflag:s16] =	ssyncset.done $0x0  }
0x4f: {  	s30 =	simm.s32 $0x0;
	[sflag:s16] =	ssyncadd.s32 $0xFFFFF000  }
0x50: {  	[tilespmem:s19], [sflag:$0x1] =	stream.indirect.gather [hbm4b:s4+s18], $0x80, s30, s18, $0xb8;
	[tilespmem:$0x19C00] =	vst v63  }
0x51: {  	_ =	swait.ge [sflag:s20], $0x4000  }
0x52: {  	[sflag:s20] =	ssyncset.done $0x0  }
0x53: {  	s31 =	simm.s32 $0x1000;
	[sflag:s20] =	ssyncadd.s32 $0xFFFFC000  }
0x54: {  	[spmem:s1] =	stream.indirect.scatter.add.f32 [tilespmem:s19], [sflag:$0x2], $0x80, s31, s18, $0xb8;
	[tilespmem:$0x19C00] =	vst v63  }
0x55: {  	_ =	swait.ge [sflag:s16], $0x4000  }
0x56: {  	s23 =	simm.s32 $0x400;
	s22 =	simm.s32 $0x200;
	[sflag:s16] =	ssyncset.done $0x0  }
.LBB2_3:
0x57: {  	s24 =	sshra.s32 s22, $0x2  }
0x58: {  	[sflag:s16] =	ssyncadd.s32 $0xFFFFC000;
	s22 =	smov.u32 s23;
	s25 =	sadd.s32 $0x200, s23  }
0x59: {  	[tilespmem:s19], [sflag:$0x1] =	stream.indirect.gather [hbm4b:s4+s18], $0x80, s24, s18, $0xb8;
	[tilespmem:$0x19C00] =	vst v63  }
0x5a: {  	p1 =	sne.s32 s23, $0x3E00;
	_ =	swait.ge [sflag:s20], $0x4000  }
.Ltmp6:
0x5b: {  	[sflag:s20] =	ssyncset.done $0x0;
	(pc) =	sbr.rel @p1 .LBB2_3-.Ltmp6, $4  }
0x5c: {  	s23 =	sadd.s32 $0x1000, s24;
	[sflag:s20] =	ssyncadd.s32 $0xFFFFC000  }
0x5d: {  	[spmem:s1] =	stream.indirect.scatter.add.f32 [tilespmem:s19], [sflag:$0x2], $0x80, s23, s18, $0xb8;
	[tilespmem:$0x19C00] =	vst v63  }
0x5e: {  	_ =	swait.ge [sflag:s16], $0x4000  }
0x5f: {  	s23 =	smov.u32 s25;
	[sflag:s16] =	ssyncset.done $0x0  }
0x60: {  	s22 =	sshra.s32 s22, $0x2;
	[sflag:s16] =	ssyncadd.s32 $0xFFFFC000  }
0x61: {  	[tilespmem:s19], [sflag:$0x1] =	stream.indirect.gather [hbm4b:s4+s18], $0x80, s22, s18, $0xb8;
	[tilespmem:$0x19C00] =	vst v63  }
0x62: {  	s21 =	sadd.s32 $0x1, s21;
	_ =	swait.ge [sflag:s20], $0x4000  }
0x63: {  	p1 =	seq.s32 s21, $0x5;
	[sflag:s20] =	ssyncset.done $0x0  }
.Ltmp7:
0x64: {  	s22 =	sadd.s32 $0x1000, s22;
	[sflag:s20] =	ssyncadd.s32 $0xFFFFC000;
	(pc) =	sbr.rel @!p1 .LBB2_2-.Ltmp7, $4  }
0x65: {  	[spmem:s1] =	stream.indirect.scatter.add.f32 [tilespmem:s19], [sflag:$0x2], $0x80, s22, s18, $0xb8;
	[tilespmem:$0x19C00] =	vst v63  }
0x66: {  	_ =	swait.ge [sflag:s16], $0x4000  }
0x67: {  	[sflag:s16] =	ssyncset.done $0x0  }
0x68: {  	[sflag:s16] =	ssyncadd.s32 $0xFFFFC000  }
.Ltmp8:
0x69: {  	(pc) =	sbr.rel .LBB2_10-.Ltmp8, $2  }
0x6a: {  	_ =	sdelay $0x2  }
0x6b: {  	s21 =	smov.u32 s9  }
.LBB2_11:
0x6c: {  	_ =	sfence.sel $0x180000  }
0x6d: {  	[bflag:$0x0] =	sbarrier.arrive $0xFFFF  }
0x6e: {  	p0 =	sne.s32 s2, $0x0;
	_ =	strace $0x9000004D  }
0x6f: {  	s0 =	sadd.s32 @!p0 $0x100000, s0;
	[bflag:$0x2] =	sbarrier.arrive $0xFFFF  }
0x70: {  	[sflag:s0] =	ssyncadd.tile.s32 @!p0 $0x1;
	_ =	shalt  }
.Lfunc_end2:
_tile_overlayer_lowered:
.L_overlay_start_2:
0x71: {  	(tag) =	ssettag $0x2  }
0x72: {  	s0 =	rddreg [dreg:$0x0];
	s2 =	stileid.u32  }
0x73: {  	s1 =	rddreg [dreg:$0x1];
	p0 =	sne.s32 s2, $0x0  }
0x74: {  	s3 =	rddreg [dreg:$0x2];
	[bflag:$0x3] =	sbarrier.arrive $0xFFFF;
	s2 =	simm.s32 @!p0 $0x1C02  }
0x75: {  	[timem:s3], [sflag:s2] =	dma.local @!p0 [hbm:s0], s1  }
0x76: {  	s0 =	simm.s32 @!p0 $0x2  }
0x77: {  	_ =	swait.ge @!p0 [sflag:s0], s1  }
0x78: {  	s1 =	ssub.s32 @!p0 $0x0, s1;
	[sflag:s0] =	ssyncset.done @!p0 $0x0  }
0x79: {  	[sflag:s0] =	ssyncadd.s32 @!p0 s1  }
0x7a: {  	[bflag:$0x3] =	sbarrier.arrive $0xFFFF  }
0x7b: {  	_ =	shalt  }

// kernel: kernel.23.cloned.1.call-start
scs
__scs_entry_jumppad:
0x0: {  	(pc) =	sbr.rel $0x88, $3  }
0x1: {  	(tag) =	ssettag $0x0;
	lr =	simm.s32 $0x1  }
0x2: {  	[smem:$0x3F8D] =	sst lr;
	_ =	strace $0xD0000000  }
0x3: {  	_ = 	snop  }
0x4: {  	_ = 	snop  }
0x5: {  	_ = 	snop  }
0x6: {  	_ = 	snop  }
0x7: {  	_ = 	snop  }
__scs_overlays_trampoline_lowered:
0x8: {  	[smem:$0x3F9C] =	sst s0  }
0x9: {  	[smem:$0x3F9D] =	sst s1  }
0xa: {  	[smem:$0x3F9E] =	sst s2  }
0xb: {  	[smem:$0x3F9F] =	sst s3  }
0xc: {  	[smem:$0x3FA0] =	sst s4  }
0xd: {  	[smem:$0x3FA1] =	sst s5  }
0xe: {  	[smem:$0x3FA2] =	sst s6  }
0xf: {  	[smem:$0x3FA3] =	sst s7  }
0x10: {  	[smem:$0x3FA4] =	sst s8  }
0x11: {  	[smem:$0x3FA5] =	sst s9;
	s0 =	simm.s32 @!p0 $0x0  }
0x12: {  	s1 =	sld [smem:$0x3F8B];
	s0 =	simm.s32 @p0 $0x1  }
0x13: {  	[smem:$0x3FA6] =	sst s0;
	s0 =	simm.s32 @!p1 $0x0  }
0x14: {  	s2 =	sld [smem:$0x3F8A];
	s0 =	simm.s32 @p1 $0x1  }
0x15: {  	[smem:$0x3FA7] =	sst s0;
	s0 =	simm.s32 @!p2 $0x0  }
0x16: {  	s3 =	sld [smem:$0x3FDB];
	s0 =	simm.s32 @p2 $0x1  }
0x17: {  	s4 =	simm.s32 $0x1BF5;
	[smem:$0x3FA9] =	sst s0  }
0x18: {  	s0 =	sld [smem:$0x3F8C];
	_ =	swait.ge [sflag:s4], $0x0  }
0x19: {  	s7 =	sld [smem:$0x3F8D]  }
0x1a: {  	s8 =	sadd.s32 $0xFFFFE003, lr  }
0x1b: {  	s9 =	sadd.s32 $0xFFFFFEF7, lr;
	s5 =	simm.s32 $0xFFFFFFFF;
	p2 =	slt.u32 s8, $0xFFFFF086  }
0x1c: {  	p1 =	slt.u32 s9, $0xF7A;
	s5 =	simm.s32 @!p2 $0x0  }
0x1d: {  	s5 =	simm.s32 @p1 $0x1;
	p0 =	seq.s32 s7, s2  }
0x1e: {  	s7 =	smul.u32 @!p0 $0xF7A, s2;
	p2 =	seq.s32 @!p0 s5, $0x0  }
0x1f: {  	s9 =	smul.u32 $0xF7A, s1;
	s8 =	simm.s32 @!p0 $0x1BF5;
	p2 =	por !p2, p0  }
0x20: {  	[sflag:s8] =	ssyncset.s32 @!p0 $0xFFFFF086;
	s6 =	sadd.s32 @!p0 s3, s7;
	s7 =	simm.s32 @!p0 $0x108  }
0x21: {  	s3 =	sadd.s32 s3, s9;
	s6 =	sadd.s32 @!p0 $0x88, s6;
	s7 =	simm.s32 @p2 $0x1082  }
0x22: {  	[simem:s7], [sflag:s8] =	dma.local @!p0 [hbm:s6], $0xF7A  }
0x23: {  	s9 =	sor.u32 $0xD0000000, s2;
	s6 =	simm.s32 $0x108;
	_ =	swait.ge @!p0 [sflag:s8], $0x0  }
0x24: {  	s3 =	sadd.s32 $0x88, s3;
	s6 =	simm.s32 @!p1 $0x1082;
	[sflag:s4] =	ssyncset.s32 $0xFFFFF086  }
0x25: {  	[simem:s6], [sflag:s4] =	dma.local [hbm:s3], $0xF7A  }
0x26: {  	[smem:$0x3F8D] =	sst s1;
	(tag) =	ssettag s2;
	_ =	strace s9  }
0x27: {  	s1 =	sld [smem:$0x3F9D]  }
0x28: {  	s2 =	sld [smem:$0x3F9E]  }
0x29: {  	s4 =	sld [smem:$0x3FA0]  }
0x2a: {  	p0 =	seq.s32 s5, $0x0;
	s5 =	sld [smem:$0x3FA1]  }
0x2b: {  	s6 =	sld [smem:$0x3FA2]  }
0x2c: {  	s7 =	sld [smem:$0x3FA3]  }
0x2d: {  	s3 =	simm.s32 $0x108;
	s8 =	sld [smem:$0x3FA4]  }
0x2e: {  	s3 =	simm.s32 @!p0 $0x1082;
	s9 =	sld [smem:$0x3FA5]  }
0x2f: {  	lr =	sadd.s32 s0, s3;
	s0 =	sld [smem:$0x3F9C]  }
0x30: {  	s3 =	sld [smem:$0x3F9F]  }
0x31: {  	[smem:$0x3FA8] =	sst s10  }
0x32: {  	s10 =	sld [smem:$0x3FA6];
	_ =	sdelay $0x3  }
0x33: {  	p0 =	seq.s32 s10, $0x1;
	s10 =	sld [smem:$0x3FA8];
	_ =	sdelay $0x3  }
0x34: {  	[smem:$0x3FA8] =	sst s10  }
0x35: {  	s10 =	sld [smem:$0x3FA7];
	_ =	sdelay $0x3  }
0x36: {  	p1 =	seq.s32 s10, $0x1;
	s10 =	sld [smem:$0x3FA8];
	_ =	sdelay $0x3  }
0x37: {  	[smem:$0x3FA8] =	sst s10  }
0x38: {  	s10 =	sld [smem:$0x3FA9]  }
0x39: {  	_ = 	snop;
	(pc) =	sbr.ind lr, $3  }
0x3a: {  	_ = 	snop  }
0x3b: {  	_ = 	snop  }
0x3c: {  	p2 =	seq.s32 s10, $0x1;
	s10 =	sld [smem:$0x3FA8]  }
0x3d: {  	_ =	shalt  }
0x3e: {  	_ =	shalt  }
0x3f: {  	_ =	shalt  }
0x40: {  	_ =	shalt  }
0x41: {  	_ =	shalt  }
0x42: {  	_ =	shalt  }
0x43: {  	_ =	shalt  }
0x44: {  	_ =	shalt  }
0x45: {  	_ =	shalt  }
0x46: {  	_ =	shalt  }
0x47: {  	_ =	shalt  }
0x48: {  	_ =	shalt  }
0x49: {  	_ =	shalt  }
0x4a: {  	_ =	shalt  }
0x4b: {  	_ =	shalt  }
0x4c: {  	_ =	shalt  }
0x4d: {  	_ =	shalt  }
0x4e: {  	_ =	shalt  }
0x4f: {  	_ =	shalt  }
0x50: {  	_ =	shalt  }
0x51: {  	_ =	shalt  }
0x52: {  	_ =	shalt  }
0x53: {  	_ =	shalt  }
0x54: {  	_ =	shalt  }
0x55: {  	_ =	shalt  }
0x56: {  	_ =	shalt  }
0x57: {  	_ =	shalt  }
0x58: {  	_ =	shalt  }
0x59: {  	_ =	shalt  }
0x5a: {  	_ =	shalt  }
0x5b: {  	_ =	shalt  }
0x5c: {  	_ =	shalt  }
0x5d: {  	_ =	shalt  }
0x5e: {  	_ =	shalt  }
0x5f: {  	_ =	shalt  }
0x60: {  	_ =	shalt  }
0x61: {  	_ =	shalt  }
0x62: {  	_ =	shalt  }
0x63: {  	_ =	shalt  }
0x64: {  	_ =	shalt  }
0x65: {  	_ =	shalt  }
0x66: {  	_ =	shalt  }
0x67: {  	_ =	shalt  }
0x68: {  	_ =	shalt  }
0x69: {  	_ =	shalt  }
0x6a: {  	_ =	shalt  }
0x6b: {  	_ =	shalt  }
0x6c: {  	_ =	shalt  }
0x6d: {  	_ =	shalt  }
0x6e: {  	_ =	shalt  }
0x6f: {  	_ =	shalt  }
0x70: {  	_ =	shalt  }
0x71: {  	_ =	shalt  }
0x72: {  	_ =	shalt  }
0x73: {  	_ =	shalt  }
0x74: {  	_ =	shalt  }
0x75: {  	_ =	shalt  }
0x76: {  	_ =	shalt  }
0x77: {  	_ =	shalt  }
0x78: {  	_ =	shalt  }
0x79: {  	_ =	shalt  }
0x7a: {  	_ =	shalt  }
0x7b: {  	_ =	shalt  }
0x7c: {  	_ =	shalt  }
0x7d: {  	_ =	shalt  }
0x7e: {  	_ =	shalt  }
0x7f: {  	_ =	shalt  }
0x80: {  	_ =	shalt  }
0x81: {  	_ =	shalt  }
0x82: {  	_ =	shalt  }
0x83: {  	_ =	shalt  }
0x84: {  	_ =	shalt  }
0x85: {  	_ =	shalt  }
0x86: {  	_ =	shalt  }
0x87: {  	_ =	shalt  }
.Lfunc_end0:
.L_simem_size_0:
called_computation.3_lowered:
.L_overlay_start_0:
0x88: {  	s2 =	sld [smem:$0x3FD9]  }
0x89: {  	s3 =	sld [smem:$0x3FFE];
	_ =	sdelay $0x1  }
0x8a: {  	s1 =	srdreg.scid  }
0x8b: {  	s0 =	sand.u32 $0x1, s1  }
0x8c: {  	s16 =	sshll.u32 s0, $0xA;
	s2 =	sadd.s32 s3, s2  }
0x8d: {  	s2 =	sadd.s32 s2, s16  }
0x8e: {  	[smem:$0x3FB4] =	sst s2  }
0x8f: {  	_ = 	snop  }
0x90: {  	(tm) =	ssettm $0x1  }
0x91: {  	s17 =	sld [smem:$0x3FFB];
	_ =	sdelay $0x3  }
0x92: {  	_ =	strace s17  }
0x93: {  	s2 =	sld [smem:$0x3FFC];
	_ =	sdelay $0x3  }
0x94: {  	_ =	strace s2  }
0x95: {  	s2 =	sld [smem:$0x3FFD];
	_ =	sdelay $0x3  }
0x96: {  	_ =	strace s2  }
0x97: {  	_ =	strace $0x8FFFFFFF  }
0x98: {  	s18 =	sld [smem:$0x3FDB];
	_ =	sdelay $0x1  }
0x99: {  	s19 =	simm.s32 $_scs_section_size  }
0x9a: {  	s4 =	simm.s32 $_size__tile_overlayer_lowered;
	s5 =	simm.s32 $_tile_overlayer_lowered  }
0x9b: {  	s22 =	simm.s32 $0x1BFF;
	s21 =	sshll.u32 s5, $0x1;
	s2 =	sadd.s32 s19, s18  }
0x9c: {  	s6 =	simm.s32 $0x0;
	s20 =	sshll.u32 s4, $0x1;
	s4 =	sadd.s32 s21, s2  }
0x9d: {  	[timem:s6], [sflag:s22] =	dma.local [hbm:s4], s20  }
0x9e: {  	_ =	swait.ge [sflag:s22], s20  }
0x9f: {  	s3 =	ssub.s32 $0x0, s20;
	[sflag:s22] =	ssyncset.done $0x0  }
0xa0: {  	[sflag:s22] =	ssyncadd.s32 s3;
	_ =	sdelay $0x1  }
0xa1: {  	s23 =	simm.s32 $0x1B8B  }
0xa2: {  	_ =	swait.ge [sflag:s23], $0x1  }
0xa3: {  	[sflag:s23] =	ssyncset.done $0x0  }
0xa4: {  	s25 =	simm.s32 $0x1B8E;
	s24 =	sld [smem:$0x3FFE];
	[sflag:s23] =	ssyncadd.s32 $0xFFFFFFFF  }
0xa5: {  	s26 =	simm.s32 $execute0_lowered;
	[smem:$0x3FD2] =	sst s25  }
0xa6: {  	s4 =	sshll.u32 s26, $0x1;
	_ =	strace $0x8000004F;
	[dreg:$0x1] =	wrdreg $0xFFFFFFFF  }
0xa7: {  	s28 =	simm.s32 $_size_execute0_lowered;
	s2 =	sadd.s32 s2, s4;
	[dreg:$0x0] =	wrdreg $0x0  }
0xa8: {  	s4 =	sshll.u32 s28, $0x1;
	[dreg:$0x2] =	wrdreg s2  }
0xa9: {  	[dreg:$0x3] =	wrdreg s4  }
0xaa: {  	[dreg:$0x4] =	wrdreg $0xC0  }
0xab: {  	_ =	task [dreg:s6], $0x5FFFF  }
0xac: {  	[dreg:$0x1] =	wrdreg $0xFFFFFFFF  }
0xad: {  	[dreg:$0x0] =	wrdreg $0x60  }
0xae: {  	[dreg:$0x2] =	wrdreg s24  }
0xaf: {  	[dreg:$0x3] =	wrdreg $0x60000  }
0xb0: {  	[dreg:$0x4] =	wrdreg $0x9  }
0xb1: {  	_ =	task.clear_ibuf [dreg:s6], $0x5FFFF;
	_ =	strace $0x9000004F  }
0xb2: {  	s29 =	simm.s32 $0x9;
	_ =	strace $0x80000051  }
0xb3: {  	_ =	swait.ge [sflag:s29], $0x1  }
0xb4: {  	[sflag:s29] =	ssyncadd.s32 $0xFFFFFFFF  }
0xb5: {  	_ =	strace $0x90000051  }
0xb6: {  	_ =	sfence  }
0xb7: {  	s30 =	sld [smem:$0x0];
	_ =	sdelay $0x2  }
0xb8: {  	s31 =	sshll.u32 s1, $0xD;
	s1 =	sshrl.u32 s1, $0x2  }
0xb9: {  	s3 =	sand.u32 $0x4000, s31;
	s1 =	sadd.s32 s1, s30  }
0xba: {  	s0 =	sor.u32 s3, s0;
	s1 =	sshll.u32 s1, $0x11  }
0xbb: {  	s0 =	sor.u32 s1, s0  }
0xbc: {  	s0 =	sadd.s32 $0x8F2B, s0  }
0xbd: {  	[sflag:s0] =	ssyncadd.remote.s32 $0x1  }
0xbe: {  	_ =	sfence.sel $0xFFFF  }
0xbf: {  	[dreg:$0x0] =	wrdreg $0xFFFFFFFF;
	(pc) =	sbr.abs _section_cstart, $3  }
0xc0: {  	[dreg:$0x1] =	wrdreg $0xFFFFFFFF  }
0xc1: {  	_ =	task.clear_ibuf [dreg:s6], $0x2FFFF;
	_ =	strace $0x9FFFFFFF  }
0xc2: {  	(tm) =	ssettm $0x7FFFFFFF  }
0xc3: {  	_ =	shalt  }
tec
execute0_lowered:
.L_overlay_start_1:
0x0: {  	(tag) =	ssettag $0x1  }
0x1: {  	s10 =	rddreg [dreg:$0x0]  }
0x2: {  	s1 =	rddreg [dreg:$0x1]  }
0x3: {  	s0 =	rddreg [dreg:$0x2]  }
0x4: {  	s3 =	simm.s32 $0x0;
	s2 =	stileid.u32;
	s9 =	srdreg.scid  }
0x5: {  	s16 =	simm.s32 $0x2;
	s17 =	simm.s32 $0x1000;
	s18 =	simm.s32 $0x80  }
0x6: {  	s19 =	simm.s32 $0x2000;
	s20 =	simm.s32 $0x1;
	[smem:$0x7FF] =	sst s3  }
0x7: {  	s4 =	sadd.s32 $0x1C000, s10;
	s5 =	sadd.s32 $0xDFE00, s10;
	s6 =	smul.u32 $0x2780, s2  }
0x8: {  	s7 =	sadd.s32 $0x8000, s10;
	s8 =	sadd.s32 $0x12000, s10;
	s11 =	sand.u32 $0x1, s9  }
0x9: {  	s14 =	smul.u32 $0x4F000, s2;
	s9 =	sadd.s32 $0x107000, s10;
	s31 =	sshll.u32 s2, $0x6  }
.Ltmp0:
0xa: {  	_ =	strace $0x80000050;
	s13 =	ssub.s32 $0x2, s11;
	(pc) =	sbr.rel .LBB2_1-.Ltmp0, $4  }
0xb: {  	p0 =	seq.s32 s11, $0x1;
	s12 =	sadd.s32 s6, s10;
	s10 =	sadd.s32 $0x12E800, s10  }
0xc: {  	s15 =	sshrl.u32 s13, $0x1;
	s29 =	sshrl.u32 s14, $0x2;
	s14 =	sor.u32 $0x1C02, s31  }
0xd: {  	s13 =	ssub.s32 s13, s15;
	s30 =	sadd.s32 s29, s1;
	s11 =	sadd.s32 $0xB8600, s12  }
0xe: {  	s12 =	smul.u32 $0x5000, s2;
	s13 =	smax.u32 s13, $0x1;
	s15 =	sshrl.u32 s30, $0x3  }
.LBB2_10:
0xf: {  	s3 =	sadd.s32 $0x1, s3  }
0x10: {  	p1 =	sne.s32 s3, s13  }
.Ltmp1:
0x11: {  	s21 =	sadd.s32 s21, s6;
	[bflag:$0x0] =	sbarrier.arrive $0xFFFF;
	(pc) =	sbr.rel @!p1 .LBB2_11-.Ltmp1, $4  }
0x12: {  	[hbm:s21], [sflag:s14] =	dma.local [spmem:s15], $0x2780  }
0x13: {  	_ =	swait.ge [sflag:s16], $0x2780  }
0x14: {  	[sflag:s16] =	ssyncset.done $0x0  }
0x15: {  	[sflag:s16] =	ssyncadd.s32 $0xFFFFD880  }
.LBB2_1:
0x16: {  	[spmem:s15], [sflag:s14] =	dma.local [hbm:s11], $0x2780  }
.Ltmp2:
0x17: {  	_ =	swait.ge [sflag:s16], $0x2780;
	(pc) =	sbr.rel @!p0 .LBB2_2-.Ltmp2, $4  }
0x18: {  	[sflag:s16] =	ssyncset.done $0x0  }
0x19: {  	[sflag:s16] =	ssyncadd.s32 $0xFFFFD880  }
0x1a: {  	[bflag:$0x0] =	sbarrier.arrive $0xFFFF  }
0x1b: {  	s21 =	simm.s32 $0x0;
	s22 =	simm.s32 $0x0  }
.LBB2_6:
0x1c: {  	s21 =	sshll.u32 s22, $0xC  }
0x1d: {  	s21 =	sadd.s32 s12, s21  }
0x1e: {  	s21 =	sshrl.u32 s21, $0x3  }
0x1f: {  	s24 =	simm.s32 $0x0;
	s23 =	sadd.s32 s7, s21  }
0x20: {  	[tilespmem:s24], [sflag:$0x2] =	stream.linear.gather [hbm4b:s23+s24], $0x1000, $0x38;
	[tilespmem:$0x19C00] =	vst v63  }
0x21: {  	_ =	swait.ge [sflag:s16], $0x1000  }
0x22: {  	[sflag:s16] =	ssyncset.done $0x0  }
0x23: {  	s21 =	sadd.s32 s8, s21;
	[sflag:s16] =	ssyncadd.s32 $0xFFFFF000  }
0x24: {  	[tilespmem:s17], [sflag:$0x2] =	stream.linear.gather [hbm4b:s21+s24], $0x1000, $0x38;
	[tilespmem:$0x19C00] =	vst v63  }
0x25: {  	_ =	swait.ge [sflag:s16], $0x1000  }
0x26: {  	[sflag:s16] =	ssyncset.done $0x0  }
0x27: {  	s30 =	simm.s32 $0x0;
	[sflag:s16] =	ssyncadd.s32 $0xFFFFF000  }
0x28: {  	[tilespmem:s19], [sflag:$0x1] =	stream.indirect.gather [hbm4b:s5+s18], $0x80, s30, s18, $0xb8;
	[tilespmem:$0x19C00] =	vst v63  }
0x29: {  	_ =	swait.ge [sflag:s20], $0x4000  }
0x2a: {  	[sflag:s20] =	ssyncset.done $0x0  }
0x2b: {  	s31 =	simm.s32 $0x1000;
	[sflag:s20] =	ssyncadd.s32 $0xFFFFC000  }
0x2c: {  	[spmem:s1] =	stream.indirect.scatter.add.f32 [tilespmem:s19], [sflag:$0x2], $0x80, s31, s18, $0xb8;
	[tilespmem:$0x19C00] =	vst v63  }
0x2d: {  	_ =	swait.ge [sflag:s16], $0x4000  }
0x2e: {  	s23 =	simm.s32 $0x400;
	s21 =	simm.s32 $0x200;
	[sflag:s16] =	ssyncset.done $0x0  }
.LBB2_7:
0x2f: {  	s24 =	sshra.s32 s21, $0x2  }
0x30: {  	[sflag:s16] =	ssyncadd.s32 $0xFFFFC000;
	s21 =	smov.u32 s23;
	s25 =	sadd.s32 $0x200, s23  }
0x31: {  	[tilespmem:s19], [sflag:$0x1] =	stream.indirect.gather [hbm4b:s5+s18], $0x80, s24, s18, $0xb8;
	[tilespmem:$0x19C00] =	vst v63  }
0x32: {  	p1 =	sne.s32 s23, $0x3E00;
	_ =	swait.ge [sflag:s20], $0x4000  }
.Ltmp3:
0x33: {  	[sflag:s20] =	ssyncset.done $0x0;
	(pc) =	sbr.rel @p1 .LBB2_7-.Ltmp3, $4  }
0x34: {  	s23 =	sadd.s32 $0x1000, s24;
	[sflag:s20] =	ssyncadd.s32 $0xFFFFC000  }
0x35: {  	[spmem:s1] =	stream.indirect.scatter.add.f32 [tilespmem:s19], [sflag:$0x2], $0x80, s23, s18, $0xb8;
	[tilespmem:$0x19C00] =	vst v63  }
0x36: {  	_ =	swait.ge [sflag:s16], $0x4000  }
0x37: {  	s23 =	smov.u32 s25;
	[sflag:s16] =	ssyncset.done $0x0  }
0x38: {  	s21 =	sshra.s32 s21, $0x2;
	[sflag:s16] =	ssyncadd.s32 $0xFFFFC000  }
0x39: {  	[tilespmem:s19], [sflag:$0x1] =	stream.indirect.gather [hbm4b:s5+s18], $0x80, s21, s18, $0xb8;
	[tilespmem:$0x19C00] =	vst v63  }
0x3a: {  	s22 =	sadd.s32 $0x1, s22;
	_ =	swait.ge [sflag:s20], $0x4000  }
0x3b: {  	p1 =	sne.s32 s22, $0x5;
	[sflag:s20] =	ssyncset.done $0x0  }
.Ltmp4:
0x3c: {  	s21 =	sadd.s32 $0x1000, s21;
	[sflag:s20] =	ssyncadd.s32 $0xFFFFC000;
	(pc) =	sbr.rel @p1 .LBB2_6-.Ltmp4, $4  }
0x3d: {  	[spmem:s1] =	stream.indirect.scatter.add.f32 [tilespmem:s19], [sflag:$0x2], $0x80, s21, s18, $0xb8;
	[tilespmem:$0x19C00] =	vst v63  }
0x3e: {  	_ =	swait.ge [sflag:s16], $0x4000  }
0x3f: {  	[sflag:s16] =	ssyncset.done $0x0  }
0x40: {  	[sflag:s16] =	ssyncadd.s32 $0xFFFFC000  }
.Ltmp5:
0x41: {  	(pc) =	sbr.rel .LBB2_10-.Ltmp5, $2  }
0x42: {  	_ =	sdelay $0x2  }
0x43: {  	s21 =	smov.u32 s10  }
.LBB2_2:
0x44: {  	s22 =	sshll.u32 s21, $0xC  }
0x45: {  	s22 =	sadd.s32 s12, s22  }
0x46: {  	s22 =	sshrl.u32 s22, $0x3  }
0x47: {  	s24 =	simm.s32 $0x0;
	s23 =	sadd.s32 s7, s22  }
0x48: {  	[tilespmem:s24], [sflag:$0x2] =	stream.linear.gather [hbm4b:s23+s24], $0x1000, $0x38;
	[tilespmem:$0x19C00] =	vst v63  }
0x49: {  	_ =	swait.ge [sflag:s16], $0x1000  }
0x4a: {  	[sflag:s16] =	ssyncset.done $0x0  }
0x4b: {  	s22 =	sadd.s32 s8, s22;
	[sflag:s16] =	ssyncadd.s32 $0xFFFFF000  }
0x4c: {  	[tilespmem:s17], [sflag:$0x2] =	stream.linear.gather [hbm4b:s22+s24], $0x1000, $0x38;
	[tilespmem:$0x19C00] =	vst v63  }
0x4d: {  	_ =	swait.ge [sflag:s16], $0x1000  }
0x4e: {  	[sflag:s16] =	ssyncset.done $0x0  }
0x4f: {  	s30 =	simm.s32 $0x0;
	[sflag:s16] =	ssyncadd.s32 $0xFFFFF000  }
0x50: {  	[tilespmem:s19], [sflag:$0x1] =	stream.indirect.gather [hbm4b:s4+s18], $0x80, s30, s18, $0xb8;
	[tilespmem:$0x19C00] =	vst v63  }
0x51: {  	_ =	swait.ge [sflag:s20], $0x4000  }
0x52: {  	[sflag:s20] =	ssyncset.done $0x0  }
0x53: {  	s31 =	simm.s32 $0x1000;
	[sflag:s20] =	ssyncadd.s32 $0xFFFFC000  }
0x54: {  	[spmem:s1] =	stream.indirect.scatter.add.f32 [tilespmem:s19], [sflag:$0x2], $0x80, s31, s18, $0xb8;
	[tilespmem:$0x19C00] =	vst v63  }
0x55: {  	_ =	swait.ge [sflag:s16], $0x4000  }
0x56: {  	s23 =	simm.s32 $0x400;
	s22 =	simm.s32 $0x200;
	[sflag:s16] =	ssyncset.done $0x0  }
.LBB2_3:
0x57: {  	s24 =	sshra.s32 s22, $0x2  }
0x58: {  	[sflag:s16] =	ssyncadd.s32 $0xFFFFC000;
	s22 =	smov.u32 s23;
	s25 =	sadd.s32 $0x200, s23  }
0x59: {  	[tilespmem:s19], [sflag:$0x1] =	stream.indirect.gather [hbm4b:s4+s18], $0x80, s24, s18, $0xb8;
	[tilespmem:$0x19C00] =	vst v63  }
0x5a: {  	p1 =	sne.s32 s23, $0x3E00;
	_ =	swait.ge [sflag:s20], $0x4000  }
.Ltmp6:
0x5b: {  	[sflag:s20] =	ssyncset.done $0x0;
	(pc) =	sbr.rel @p1 .LBB2_3-.Ltmp6, $4  }
0x5c: {  	s23 =	sadd.s32 $0x1000, s24;
	[sflag:s20] =	ssyncadd.s32 $0xFFFFC000  }
0x5d: {  	[spmem:s1] =	stream.indirect.scatter.add.f32 [tilespmem:s19], [sflag:$0x2], $0x80, s23, s18, $0xb8;
	[tilespmem:$0x19C00] =	vst v63  }
0x5e: {  	_ =	swait.ge [sflag:s16], $0x4000  }
0x5f: {  	s23 =	smov.u32 s25;
	[sflag:s16] =	ssyncset.done $0x0  }
0x60: {  	s22 =	sshra.s32 s22, $0x2;
	[sflag:s16] =	ssyncadd.s32 $0xFFFFC000  }
0x61: {  	[tilespmem:s19], [sflag:$0x1] =	stream.indirect.gather [hbm4b:s4+s18], $0x80, s22, s18, $0xb8;
	[tilespmem:$0x19C00] =	vst v63  }
0x62: {  	s21 =	sadd.s32 $0x1, s21;
	_ =	swait.ge [sflag:s20], $0x4000  }
0x63: {  	p1 =	seq.s32 s21, $0x5;
	[sflag:s20] =	ssyncset.done $0x0  }
.Ltmp7:
0x64: {  	s22 =	sadd.s32 $0x1000, s22;
	[sflag:s20] =	ssyncadd.s32 $0xFFFFC000;
	(pc) =	sbr.rel @!p1 .LBB2_2-.Ltmp7, $4  }
0x65: {  	[spmem:s1] =	stream.indirect.scatter.add.f32 [tilespmem:s19], [sflag:$0x2], $0x80, s22, s18, $0xb8;
	[tilespmem:$0x19C00] =	vst v63  }
0x66: {  	_ =	swait.ge [sflag:s16], $0x4000  }
0x67: {  	[sflag:s16] =	ssyncset.done $0x0  }
0x68: {  	[sflag:s16] =	ssyncadd.s32 $0xFFFFC000  }
.Ltmp8:
0x69: {  	(pc) =	sbr.rel .LBB2_10-.Ltmp8, $2  }
0x6a: {  	_ =	sdelay $0x2  }
0x6b: {  	s21 =	smov.u32 s9  }
.LBB2_11:
0x6c: {  	_ =	sfence.sel $0x180000  }
0x6d: {  	[bflag:$0x0] =	sbarrier.arrive $0xFFFF  }
0x6e: {  	p0 =	sne.s32 s2, $0x0;
	_ =	strace $0x90000050  }
0x6f: {  	s0 =	sadd.s32 @!p0 $0x100000, s0;
	[bflag:$0x2] =	sbarrier.arrive $0xFFFF  }
0x70: {  	[sflag:s0] =	ssyncadd.tile.s32 @!p0 $0x1;
	_ =	shalt  }
.Lfunc_end2:
_tile_overlayer_lowered:
.L_overlay_start_2:
0x71: {  	(tag) =	ssettag $0x2  }
0x72: {  	s0 =	rddreg [dreg:$0x0];
	s2 =	stileid.u32  }
0x73: {  	s1 =	rddreg [dreg:$0x1];
	p0 =	sne.s32 s2, $0x0  }
0x74: {  	s3 =	rddreg [dreg:$0x2];
	[bflag:$0x3] =	sbarrier.arrive $0xFFFF;
	s2 =	simm.s32 @!p0 $0x1C02  }
0x75: {  	[timem:s3], [sflag:s2] =	dma.local @!p0 [hbm:s0], s1  }
0x76: {  	s0 =	simm.s32 @!p0 $0x2  }
0x77: {  	_ =	swait.ge @!p0 [sflag:s0], s1  }
0x78: {  	s1 =	ssub.s32 @!p0 $0x0, s1;
	[sflag:s0] =	ssyncset.done @!p0 $0x0  }
0x79: {  	[sflag:s0] =	ssyncadd.s32 @!p0 s1  }
0x7a: {  	[bflag:$0x3] =	sbarrier.arrive $0xFFFF  }
0x7b: {  	_ =	shalt  }

// kernel: kernel.26.cloned.1.call-start
scs
__scs_entry_jumppad:
0x0: {  	(pc) =	sbr.rel $0x88, $3  }
0x1: {  	(tag) =	ssettag $0x0;
	lr =	simm.s32 $0x1  }
0x2: {  	[smem:$0x3F8D] =	sst lr;
	_ =	strace $0xD0000000  }
0x3: {  	_ = 	snop  }
0x4: {  	_ = 	snop  }
0x5: {  	_ = 	snop  }
0x6: {  	_ = 	snop  }
0x7: {  	_ = 	snop  }
__scs_overlays_trampoline_lowered:
0x8: {  	[smem:$0x3F9C] =	sst s0  }
0x9: {  	[smem:$0x3F9D] =	sst s1  }
0xa: {  	[smem:$0x3F9E] =	sst s2  }
0xb: {  	[smem:$0x3F9F] =	sst s3  }
0xc: {  	[smem:$0x3FA0] =	sst s4  }
0xd: {  	[smem:$0x3FA1] =	sst s5  }
0xe: {  	[smem:$0x3FA2] =	sst s6  }
0xf: {  	[smem:$0x3FA3] =	sst s7  }
0x10: {  	[smem:$0x3FA4] =	sst s8  }
0x11: {  	[smem:$0x3FA5] =	sst s9;
	s0 =	simm.s32 @!p0 $0x0  }
0x12: {  	s1 =	sld [smem:$0x3F8B];
	s0 =	simm.s32 @p0 $0x1  }
0x13: {  	[smem:$0x3FA6] =	sst s0;
	s0 =	simm.s32 @!p1 $0x0  }
0x14: {  	s2 =	sld [smem:$0x3F8A];
	s0 =	simm.s32 @p1 $0x1  }
0x15: {  	[smem:$0x3FA7] =	sst s0;
	s0 =	simm.s32 @!p2 $0x0  }
0x16: {  	s3 =	sld [smem:$0x3FDB];
	s0 =	simm.s32 @p2 $0x1  }
0x17: {  	s4 =	simm.s32 $0x1BF5;
	[smem:$0x3FA9] =	sst s0  }
0x18: {  	s0 =	sld [smem:$0x3F8C];
	_ =	swait.ge [sflag:s4], $0x0  }
0x19: {  	s7 =	sld [smem:$0x3F8D]  }
0x1a: {  	s8 =	sadd.s32 $0xFFFFE003, lr  }
0x1b: {  	s9 =	sadd.s32 $0xFFFFFEF7, lr;
	s5 =	simm.s32 $0xFFFFFFFF;
	p2 =	slt.u32 s8, $0xFFFFF086  }
0x1c: {  	p1 =	slt.u32 s9, $0xF7A;
	s5 =	simm.s32 @!p2 $0x0  }
0x1d: {  	s5 =	simm.s32 @p1 $0x1;
	p0 =	seq.s32 s7, s2  }
0x1e: {  	s7 =	smul.u32 @!p0 $0xF7A, s2;
	p2 =	seq.s32 @!p0 s5, $0x0  }
0x1f: {  	s9 =	smul.u32 $0xF7A, s1;
	s8 =	simm.s32 @!p0 $0x1BF5;
	p2 =	por !p2, p0  }
0x20: {  	[sflag:s8] =	ssyncset.s32 @!p0 $0xFFFFF086;
	s6 =	sadd.s32 @!p0 s3, s7;
	s7 =	simm.s32 @!p0 $0x108  }
0x21: {  	s3 =	sadd.s32 s3, s9;
	s6 =	sadd.s32 @!p0 $0x88, s6;
	s7 =	simm.s32 @p2 $0x1082  }
0x22: {  	[simem:s7], [sflag:s8] =	dma.local @!p0 [hbm:s6], $0xF7A  }
0x23: {  	s9 =	sor.u32 $0xD0000000, s2;
	s6 =	simm.s32 $0x108;
	_ =	swait.ge @!p0 [sflag:s8], $0x0  }
0x24: {  	s3 =	sadd.s32 $0x88, s3;
	s6 =	simm.s32 @!p1 $0x1082;
	[sflag:s4] =	ssyncset.s32 $0xFFFFF086  }
0x25: {  	[simem:s6], [sflag:s4] =	dma.local [hbm:s3], $0xF7A  }
0x26: {  	[smem:$0x3F8D] =	sst s1;
	(tag) =	ssettag s2;
	_ =	strace s9  }
0x27: {  	s1 =	sld [smem:$0x3F9D]  }
0x28: {  	s2 =	sld [smem:$0x3F9E]  }
0x29: {  	s4 =	sld [smem:$0x3FA0]  }
0x2a: {  	p0 =	seq.s32 s5, $0x0;
	s5 =	sld [smem:$0x3FA1]  }
0x2b: {  	s6 =	sld [smem:$0x3FA2]  }
0x2c: {  	s7 =	sld [smem:$0x3FA3]  }
0x2d: {  	s3 =	simm.s32 $0x108;
	s8 =	sld [smem:$0x3FA4]  }
0x2e: {  	s3 =	simm.s32 @!p0 $0x1082;
	s9 =	sld [smem:$0x3FA5]  }
0x2f: {  	lr =	sadd.s32 s0, s3;
	s0 =	sld [smem:$0x3F9C]  }
0x30: {  	s3 =	sld [smem:$0x3F9F]  }
0x31: {  	[smem:$0x3FA8] =	sst s10  }
0x32: {  	s10 =	sld [smem:$0x3FA6];
	_ =	sdelay $0x3  }
0x33: {  	p0 =	seq.s32 s10, $0x1;
	s10 =	sld [smem:$0x3FA8];
	_ =	sdelay $0x3  }
0x34: {  	[smem:$0x3FA8] =	sst s10  }
0x35: {  	s10 =	sld [smem:$0x3FA7];
	_ =	sdelay $0x3  }
0x36: {  	p1 =	seq.s32 s10, $0x1;
	s10 =	sld [smem:$0x3FA8];
	_ =	sdelay $0x3  }
0x37: {  	[smem:$0x3FA8] =	sst s10  }
0x38: {  	s10 =	sld [smem:$0x3FA9]  }
0x39: {  	_ = 	snop;
	(pc) =	sbr.ind lr, $3  }
0x3a: {  	_ = 	snop  }
0x3b: {  	_ = 	snop  }
0x3c: {  	p2 =	seq.s32 s10, $0x1;
	s10 =	sld [smem:$0x3FA8]  }
0x3d: {  	_ =	shalt  }
0x3e: {  	_ =	shalt  }
0x3f: {  	_ =	shalt  }
0x40: {  	_ =	shalt  }
0x41: {  	_ =	shalt  }
0x42: {  	_ =	shalt  }
0x43: {  	_ =	shalt  }
0x44: {  	_ =	shalt  }
0x45: {  	_ =	shalt  }
0x46: {  	_ =	shalt  }
0x47: {  	_ =	shalt  }
0x48: {  	_ =	shalt  }
0x49: {  	_ =	shalt  }
0x4a: {  	_ =	shalt  }
0x4b: {  	_ =	shalt  }
0x4c: {  	_ =	shalt  }
0x4d: {  	_ =	shalt  }
0x4e: {  	_ =	shalt  }
0x4f: {  	_ =	shalt  }
0x50: {  	_ =	shalt  }
0x51: {  	_ =	shalt  }
0x52: {  	_ =	shalt  }
0x53: {  	_ =	shalt  }
0x54: {  	_ =	shalt  }
0x55: {  	_ =	shalt  }
0x56: {  	_ =	shalt  }
0x57: {  	_ =	shalt  }
0x58: {  	_ =	shalt  }
0x59: {  	_ =	shalt  }
0x5a: {  	_ =	shalt  }
0x5b: {  	_ =	shalt  }
0x5c: {  	_ =	shalt  }
0x5d: {  	_ =	shalt  }
0x5e: {  	_ =	shalt  }
0x5f: {  	_ =	shalt  }
0x60: {  	_ =	shalt  }
0x61: {  	_ =	shalt  }
0x62: {  	_ =	shalt  }
0x63: {  	_ =	shalt  }
0x64: {  	_ =	shalt  }
0x65: {  	_ =	shalt  }
0x66: {  	_ =	shalt  }
0x67: {  	_ =	shalt  }
0x68: {  	_ =	shalt  }
0x69: {  	_ =	shalt  }
0x6a: {  	_ =	shalt  }
0x6b: {  	_ =	shalt  }
0x6c: {  	_ =	shalt  }
0x6d: {  	_ =	shalt  }
0x6e: {  	_ =	shalt  }
0x6f: {  	_ =	shalt  }
0x70: {  	_ =	shalt  }
0x71: {  	_ =	shalt  }
0x72: {  	_ =	shalt  }
0x73: {  	_ =	shalt  }
0x74: {  	_ =	shalt  }
0x75: {  	_ =	shalt  }
0x76: {  	_ =	shalt  }
0x77: {  	_ =	shalt  }
0x78: {  	_ =	shalt  }
0x79: {  	_ =	shalt  }
0x7a: {  	_ =	shalt  }
0x7b: {  	_ =	shalt  }
0x7c: {  	_ =	shalt  }
0x7d: {  	_ =	shalt  }
0x7e: {  	_ =	shalt  }
0x7f: {  	_ =	shalt  }
0x80: {  	_ =	shalt  }
0x81: {  	_ =	shalt  }
0x82: {  	_ =	shalt  }
0x83: {  	_ =	shalt  }
0x84: {  	_ =	shalt  }
0x85: {  	_ =	shalt  }
0x86: {  	_ =	shalt  }
0x87: {  	_ =	shalt  }
.Lfunc_end0:
.L_simem_size_0:
called_computation.4_lowered:
.L_overlay_start_0:
0x88: {  	s2 =	sld [smem:$0x3FD9]  }
0x89: {  	s3 =	sld [smem:$0x3FFE];
	_ =	sdelay $0x1  }
0x8a: {  	s1 =	srdreg.scid  }
0x8b: {  	s0 =	sand.u32 $0x1, s1  }
0x8c: {  	s16 =	sshll.u32 s0, $0xA;
	s2 =	sadd.s32 s3, s2  }
0x8d: {  	s2 =	sadd.s32 s2, s16  }
0x8e: {  	[smem:$0x3FB4] =	sst s2  }
0x8f: {  	_ = 	snop  }
0x90: {  	(tm) =	ssettm $0x1  }
0x91: {  	s17 =	sld [smem:$0x3FFB];
	_ =	sdelay $0x3  }
0x92: {  	_ =	strace s17  }
0x93: {  	s2 =	sld [smem:$0x3FFC];
	_ =	sdelay $0x3  }
0x94: {  	_ =	strace s2  }
0x95: {  	s2 =	sld [smem:$0x3FFD];
	_ =	sdelay $0x3  }
0x96: {  	_ =	strace s2  }
0x97: {  	_ =	strace $0x8FFFFFFF  }
0x98: {  	s18 =	sld [smem:$0x3FDB];
	_ =	sdelay $0x1  }
0x99: {  	s19 =	simm.s32 $_scs_section_size  }
0x9a: {  	s4 =	simm.s32 $_size__tile_overlayer_lowered;
	s5 =	simm.s32 $_tile_overlayer_lowered  }
0x9b: {  	s22 =	simm.s32 $0x1BFF;
	s21 =	sshll.u32 s5, $0x1;
	s2 =	sadd.s32 s19, s18  }
0x9c: {  	s6 =	simm.s32 $0x0;
	s20 =	sshll.u32 s4, $0x1;
	s4 =	sadd.s32 s21, s2  }
0x9d: {  	[timem:s6], [sflag:s22] =	dma.local [hbm:s4], s20  }
0x9e: {  	_ =	swait.ge [sflag:s22], s20  }
0x9f: {  	s3 =	ssub.s32 $0x0, s20;
	[sflag:s22] =	ssyncset.done $0x0  }
0xa0: {  	[sflag:s22] =	ssyncadd.s32 s3;
	_ =	sdelay $0x1  }
0xa1: {  	s23 =	simm.s32 $0x1B8B  }
0xa2: {  	_ =	swait.ge [sflag:s23], $0x1  }
0xa3: {  	[sflag:s23] =	ssyncset.done $0x0  }
0xa4: {  	s25 =	simm.s32 $0x1B8E;
	s24 =	sld [smem:$0x3FFE];
	[sflag:s23] =	ssyncadd.s32 $0xFFFFFFFF  }
0xa5: {  	s26 =	simm.s32 $execute0_lowered;
	[smem:$0x3FD2] =	sst s25  }
0xa6: {  	s4 =	sshll.u32 s26, $0x1;
	_ =	strace $0x80000052;
	[dreg:$0x1] =	wrdreg $0xFFFFFFFF  }
0xa7: {  	s28 =	simm.s32 $_size_execute0_lowered;
	s2 =	sadd.s32 s2, s4;
	[dreg:$0x0] =	wrdreg $0x0  }
0xa8: {  	s4 =	sshll.u32 s28, $0x1;
	[dreg:$0x2] =	wrdreg s2  }
0xa9: {  	[dreg:$0x3] =	wrdreg s4  }
0xaa: {  	[dreg:$0x4] =	wrdreg $0xC0  }
0xab: {  	_ =	task [dreg:s6], $0x5FFFF  }
0xac: {  	[dreg:$0x1] =	wrdreg $0xFFFFFFFF  }
0xad: {  	[dreg:$0x0] =	wrdreg $0x60  }
0xae: {  	[dreg:$0x2] =	wrdreg s24  }
0xaf: {  	[dreg:$0x3] =	wrdreg $0x60000  }
0xb0: {  	[dreg:$0x4] =	wrdreg $0x9  }
0xb1: {  	_ =	task.clear_ibuf [dreg:s6], $0x5FFFF;
	_ =	strace $0x90000052  }
0xb2: {  	s29 =	simm.s32 $0x9;
	_ =	strace $0x80000054  }
0xb3: {  	_ =	swait.ge [sflag:s29], $0x1  }
0xb4: {  	[sflag:s29] =	ssyncadd.s32 $0xFFFFFFFF  }
0xb5: {  	_ =	strace $0x90000054  }
0xb6: {  	_ =	sfence  }
0xb7: {  	s30 =	sld [smem:$0x0];
	_ =	sdelay $0x2  }
0xb8: {  	s31 =	sshll.u32 s1, $0xD;
	s1 =	sshrl.u32 s1, $0x2  }
0xb9: {  	s3 =	sand.u32 $0x4000, s31;
	s1 =	sadd.s32 s1, s30  }
0xba: {  	s0 =	sor.u32 s3, s0;
	s1 =	sshll.u32 s1, $0x11  }
0xbb: {  	s0 =	sor.u32 s1, s0  }
0xbc: {  	s0 =	sadd.s32 $0x8F2B, s0  }
0xbd: {  	[sflag:s0] =	ssyncadd.remote.s32 $0x1  }
0xbe: {  	_ =	sfence.sel $0xFFFF  }
0xbf: {  	[dreg:$0x0] =	wrdreg $0xFFFFFFFF;
	(pc) =	sbr.abs _section_cstart, $3  }
0xc0: {  	[dreg:$0x1] =	wrdreg $0xFFFFFFFF  }
0xc1: {  	_ =	task.clear_ibuf [dreg:s6], $0x2FFFF;
	_ =	strace $0x9FFFFFFF  }
0xc2: {  	(tm) =	ssettm $0x7FFFFFFF  }
0xc3: {  	_ =	shalt  }
tec
execute0_lowered:
.L_overlay_start_1:
0x0: {  	(tag) =	ssettag $0x1  }
0x1: {  	s10 =	rddreg [dreg:$0x0]  }
0x2: {  	s1 =	rddreg [dreg:$0x1]  }
0x3: {  	s0 =	rddreg [dreg:$0x2]  }
0x4: {  	s3 =	simm.s32 $0x0;
	s2 =	stileid.u32;
	s9 =	srdreg.scid  }
0x5: {  	s16 =	simm.s32 $0x2;
	s17 =	simm.s32 $0x1000;
	s18 =	simm.s32 $0x80  }
0x6: {  	s19 =	simm.s32 $0x2000;
	s20 =	simm.s32 $0x1;
	[smem:$0x7FF] =	sst s3  }
0x7: {  	s4 =	sadd.s32 $0x6A200, s10;
	s5 =	sadd.s32 $0x91400, s10;
	s6 =	smul.u32 $0x2780, s2  }
0x8: {  	s7 =	sadd.s32 $0x8000, s10;
	s8 =	sadd.s32 $0x12000, s10;
	s11 =	sand.u32 $0x1, s9  }
0x9: {  	s14 =	smul.u32 $0x4F000, s2;
	s9 =	sadd.s32 $0xDFE00, s10;
	s31 =	sshll.u32 s2, $0x6  }
.Ltmp0:
0xa: {  	_ =	strace $0x80000053;
	s13 =	ssub.s32 $0x2, s11;
	(pc) =	sbr.rel .LBB2_1-.Ltmp0, $4  }
0xb: {  	p0 =	seq.s32 s11, $0x1;
	s12 =	sadd.s32 s6, s10;
	s10 =	sadd.s32 $0x107600, s10  }
0xc: {  	s15 =	sshrl.u32 s13, $0x1;
	s29 =	sshrl.u32 s14, $0x2;
	s14 =	sor.u32 $0x1C02, s31  }
0xd: {  	s13 =	ssub.s32 s13, s15;
	s30 =	sadd.s32 s29, s1;
	s11 =	sadd.s32 $0xB8600, s12  }
0xe: {  	s12 =	smul.u32 $0x5000, s2;
	s13 =	smax.u32 s13, $0x1;
	s15 =	sshrl.u32 s30, $0x3  }
.LBB2_10:
0xf: {  	s3 =	sadd.s32 $0x1, s3  }
0x10: {  	p1 =	sne.s32 s3, s13  }
.Ltmp1:
0x11: {  	s21 =	sadd.s32 s21, s6;
	[bflag:$0x0] =	sbarrier.arrive $0xFFFF;
	(pc) =	sbr.rel @!p1 .LBB2_11-.Ltmp1, $4  }
0x12: {  	[hbm:s21], [sflag:s14] =	dma.local [spmem:s15], $0x2780  }
0x13: {  	_ =	swait.ge [sflag:s16], $0x2780  }
0x14: {  	[sflag:s16] =	ssyncset.done $0x0  }
0x15: {  	[sflag:s16] =	ssyncadd.s32 $0xFFFFD880  }
.LBB2_1:
0x16: {  	[spmem:s15], [sflag:s14] =	dma.local [hbm:s11], $0x2780  }
.Ltmp2:
0x17: {  	_ =	swait.ge [sflag:s16], $0x2780;
	(pc) =	sbr.rel @!p0 .LBB2_2-.Ltmp2, $4  }
0x18: {  	[sflag:s16] =	ssyncset.done $0x0  }
0x19: {  	[sflag:s16] =	ssyncadd.s32 $0xFFFFD880  }
0x1a: {  	[bflag:$0x0] =	sbarrier.arrive $0xFFFF  }
0x1b: {  	s21 =	simm.s32 $0x0;
	s22 =	simm.s32 $0x0  }
.LBB2_6:
0x1c: {  	s21 =	sshll.u32 s22, $0xC  }
0x1d: {  	s21 =	sadd.s32 s12, s21  }
0x1e: {  	s21 =	sshrl.u32 s21, $0x3  }
0x1f: {  	s24 =	simm.s32 $0x0;
	s23 =	sadd.s32 s7, s21  }
0x20: {  	[tilespmem:s24], [sflag:$0x2] =	stream.linear.gather [hbm4b:s23+s24], $0x1000, $0x38;
	[tilespmem:$0x19C00] =	vst v63  }
0x21: {  	_ =	swait.ge [sflag:s16], $0x1000  }
0x22: {  	[sflag:s16] =	ssyncset.done $0x0  }
0x23: {  	s21 =	sadd.s32 s8, s21;
	[sflag:s16] =	ssyncadd.s32 $0xFFFFF000  }
0x24: {  	[tilespmem:s17], [sflag:$0x2] =	stream.linear.gather [hbm4b:s21+s24], $0x1000, $0x38;
	[tilespmem:$0x19C00] =	vst v63  }
0x25: {  	_ =	swait.ge [sflag:s16], $0x1000  }
0x26: {  	[sflag:s16] =	ssyncset.done $0x0  }
0x27: {  	s30 =	simm.s32 $0x0;
	[sflag:s16] =	ssyncadd.s32 $0xFFFFF000  }
0x28: {  	[tilespmem:s19], [sflag:$0x1] =	stream.indirect.gather [hbm4b:s5+s18], $0x80, s30, s18, $0xb8;
	[tilespmem:$0x19C00] =	vst v63  }
0x29: {  	_ =	swait.ge [sflag:s20], $0x4000  }
0x2a: {  	[sflag:s20] =	ssyncset.done $0x0  }
0x2b: {  	s31 =	simm.s32 $0x1000;
	[sflag:s20] =	ssyncadd.s32 $0xFFFFC000  }
0x2c: {  	[spmem:s1] =	stream.indirect.scatter.add.f32 [tilespmem:s19], [sflag:$0x2], $0x80, s31, s18, $0xb8;
	[tilespmem:$0x19C00] =	vst v63  }
0x2d: {  	_ =	swait.ge [sflag:s16], $0x4000  }
0x2e: {  	s23 =	simm.s32 $0x400;
	s21 =	simm.s32 $0x200;
	[sflag:s16] =	ssyncset.done $0x0  }
.LBB2_7:
0x2f: {  	s24 =	sshra.s32 s21, $0x2  }
0x30: {  	[sflag:s16] =	ssyncadd.s32 $0xFFFFC000;
	s21 =	smov.u32 s23;
	s25 =	sadd.s32 $0x200, s23  }
0x31: {  	[tilespmem:s19], [sflag:$0x1] =	stream.indirect.gather [hbm4b:s5+s18], $0x80, s24, s18, $0xb8;
	[tilespmem:$0x19C00] =	vst v63  }
0x32: {  	p1 =	sne.s32 s23, $0x3E00;
	_ =	swait.ge [sflag:s20], $0x4000  }
.Ltmp3:
0x33: {  	[sflag:s20] =	ssyncset.done $0x0;
	(pc) =	sbr.rel @p1 .LBB2_7-.Ltmp3, $4  }
0x34: {  	s23 =	sadd.s32 $0x1000, s24;
	[sflag:s20] =	ssyncadd.s32 $0xFFFFC000  }
0x35: {  	[spmem:s1] =	stream.indirect.scatter.add.f32 [tilespmem:s19], [sflag:$0x2], $0x80, s23, s18, $0xb8;
	[tilespmem:$0x19C00] =	vst v63  }
0x36: {  	_ =	swait.ge [sflag:s16], $0x4000  }
0x37: {  	s23 =	smov.u32 s25;
	[sflag:s16] =	ssyncset.done $0x0  }
0x38: {  	s21 =	sshra.s32 s21, $0x2;
	[sflag:s16] =	ssyncadd.s32 $0xFFFFC000  }
0x39: {  	[tilespmem:s19], [sflag:$0x1] =	stream.indirect.gather [hbm4b:s5+s18], $0x80, s21, s18, $0xb8;
	[tilespmem:$0x19C00] =	vst v63  }
0x3a: {  	s22 =	sadd.s32 $0x1, s22;
	_ =	swait.ge [sflag:s20], $0x4000  }
0x3b: {  	p1 =	sne.s32 s22, $0x5;
	[sflag:s20] =	ssyncset.done $0x0  }
.Ltmp4:
0x3c: {  	s21 =	sadd.s32 $0x1000, s21;
	[sflag:s20] =	ssyncadd.s32 $0xFFFFC000;
	(pc) =	sbr.rel @p1 .LBB2_6-.Ltmp4, $4  }
0x3d: {  	[spmem:s1] =	stream.indirect.scatter.add.f32 [tilespmem:s19], [sflag:$0x2], $0x80, s21, s18, $0xb8;
	[tilespmem:$0x19C00] =	vst v63  }
0x3e: {  	_ =	swait.ge [sflag:s16], $0x4000  }
0x3f: {  	[sflag:s16] =	ssyncset.done $0x0  }
0x40: {  	[sflag:s16] =	ssyncadd.s32 $0xFFFFC000  }
.Ltmp5:
0x41: {  	(pc) =	sbr.rel .LBB2_10-.Ltmp5, $2  }
0x42: {  	_ =	sdelay $0x2  }
0x43: {  	s21 =	smov.u32 s10  }
.LBB2_2:
0x44: {  	s22 =	sshll.u32 s21, $0xC  }
0x45: {  	s22 =	sadd.s32 s12, s22  }
0x46: {  	s22 =	sshrl.u32 s22, $0x3  }
0x47: {  	s24 =	simm.s32 $0x0;
	s23 =	sadd.s32 s7, s22  }
0x48: {  	[tilespmem:s24], [sflag:$0x2] =	stream.linear.gather [hbm4b:s23+s24], $0x1000, $0x38;
	[tilespmem:$0x19C00] =	vst v63  }
0x49: {  	_ =	swait.ge [sflag:s16], $0x1000  }
0x4a: {  	[sflag:s16] =	ssyncset.done $0x0  }
0x4b: {  	s22 =	sadd.s32 s8, s22;
	[sflag:s16] =	ssyncadd.s32 $0xFFFFF000  }
0x4c: {  	[tilespmem:s17], [sflag:$0x2] =	stream.linear.gather [hbm4b:s22+s24], $0x1000, $0x38;
	[tilespmem:$0x19C00] =	vst v63  }
0x4d: {  	_ =	swait.ge [sflag:s16], $0x1000  }
0x4e: {  	[sflag:s16] =	ssyncset.done $0x0  }
0x4f: {  	s30 =	simm.s32 $0x0;
	[sflag:s16] =	ssyncadd.s32 $0xFFFFF000  }
0x50: {  	[tilespmem:s19], [sflag:$0x1] =	stream.indirect.gather [hbm4b:s4+s18], $0x80, s30, s18, $0xb8;
	[tilespmem:$0x19C00] =	vst v63  }
0x51: {  	_ =	swait.ge [sflag:s20], $0x4000  }
0x52: {  	[sflag:s20] =	ssyncset.done $0x0  }
0x53: {  	s31 =	simm.s32 $0x1000;
	[sflag:s20] =	ssyncadd.s32 $0xFFFFC000  }
0x54: {  	[spmem:s1] =	stream.indirect.scatter.add.f32 [tilespmem:s19], [sflag:$0x2], $0x80, s31, s18, $0xb8;
	[tilespmem:$0x19C00] =	vst v63  }
0x55: {  	_ =	swait.ge [sflag:s16], $0x4000  }
0x56: {  	s23 =	simm.s32 $0x400;
	s22 =	simm.s32 $0x200;
	[sflag:s16] =	ssyncset.done $0x0  }
.LBB2_3:
0x57: {  	s24 =	sshra.s32 s22, $0x2  }
0x58: {  	[sflag:s16] =	ssyncadd.s32 $0xFFFFC000;
	s22 =	smov.u32 s23;
	s25 =	sadd.s32 $0x200, s23  }
0x59: {  	[tilespmem:s19], [sflag:$0x1] =	stream.indirect.gather [hbm4b:s4+s18], $0x80, s24, s18, $0xb8;
	[tilespmem:$0x19C00] =	vst v63  }
0x5a: {  	p1 =	sne.s32 s23, $0x3E00;
	_ =	swait.ge [sflag:s20], $0x4000  }
.Ltmp6:
0x5b: {  	[sflag:s20] =	ssyncset.done $0x0;
	(pc) =	sbr.rel @p1 .LBB2_3-.Ltmp6, $4  }
0x5c: {  	s23 =	sadd.s32 $0x1000, s24;
	[sflag:s20] =	ssyncadd.s32 $0xFFFFC000  }
0x5d: {  	[spmem:s1] =	stream.indirect.scatter.add.f32 [tilespmem:s19], [sflag:$0x2], $0x80, s23, s18, $0xb8;
	[tilespmem:$0x19C00] =	vst v63  }
0x5e: {  	_ =	swait.ge [sflag:s16], $0x4000  }
0x5f: {  	s23 =	smov.u32 s25;
	[sflag:s16] =	ssyncset.done $0x0  }
0x60: {  	s22 =	sshra.s32 s22, $0x2;
	[sflag:s16] =	ssyncadd.s32 $0xFFFFC000  }
0x61: {  	[tilespmem:s19], [sflag:$0x1] =	stream.indirect.gather [hbm4b:s4+s18], $0x80, s22, s18, $0xb8;
	[tilespmem:$0x19C00] =	vst v63  }
0x62: {  	s21 =	sadd.s32 $0x1, s21;
	_ =	swait.ge [sflag:s20], $0x4000  }
0x63: {  	p1 =	seq.s32 s21, $0x5;
	[sflag:s20] =	ssyncset.done $0x0  }
.Ltmp7:
0x64: {  	s22 =	sadd.s32 $0x1000, s22;
	[sflag:s20] =	ssyncadd.s32 $0xFFFFC000;
	(pc) =	sbr.rel @!p1 .LBB2_2-.Ltmp7, $4  }
0x65: {  	[spmem:s1] =	stream.indirect.scatter.add.f32 [tilespmem:s19], [sflag:$0x2], $0x80, s22, s18, $0xb8;
	[tilespmem:$0x19C00] =	vst v63  }
0x66: {  	_ =	swait.ge [sflag:s16], $0x4000  }
0x67: {  	[sflag:s16] =	ssyncset.done $0x0  }
0x68: {  	[sflag:s16] =	ssyncadd.s32 $0xFFFFC000  }
.Ltmp8:
0x69: {  	(pc) =	sbr.rel .LBB2_10-.Ltmp8, $2  }
0x6a: {  	_ =	sdelay $0x2  }
0x6b: {  	s21 =	smov.u32 s9  }
.LBB2_11:
0x6c: {  	_ =	sfence.sel $0x180000  }
0x6d: {  	[bflag:$0x0] =	sbarrier.arrive $0xFFFF  }
0x6e: {  	p0 =	sne.s32 s2, $0x0;
	_ =	strace $0x90000053  }
0x6f: {  	s0 =	sadd.s32 @!p0 $0x100000, s0;
	[bflag:$0x2] =	sbarrier.arrive $0xFFFF  }
0x70: {  	[sflag:s0] =	ssyncadd.tile.s32 @!p0 $0x1;
	_ =	shalt  }
.Lfunc_end2:
_tile_overlayer_lowered:
.L_overlay_start_2:
0x71: {  	(tag) =	ssettag $0x2  }
0x72: {  	s0 =	rddreg [dreg:$0x0];
	s2 =	stileid.u32  }
0x73: {  	s1 =	rddreg [dreg:$0x1];
	p0 =	sne.s32 s2, $0x0  }
0x74: {  	s3 =	rddreg [dreg:$0x2];
	[bflag:$0x3] =	sbarrier.arrive $0xFFFF;
	s2 =	simm.s32 @!p0 $0x1C02  }
0x75: {  	[timem:s3], [sflag:s2] =	dma.local @!p0 [hbm:s0], s1  }
0x76: {  	s0 =	simm.s32 @!p0 $0x2  }
0x77: {  	_ =	swait.ge @!p0 [sflag:s0], s1  }
0x78: {  	s1 =	ssub.s32 @!p0 $0x0, s1;
	[sflag:s0] =	ssyncset.done @!p0 $0x0  }
0x79: {  	[sflag:s0] =	ssyncadd.s32 @!p0 s1  }
0x7a: {  	[bflag:$0x3] =	sbarrier.arrive $0xFFFF  }
0x7b: {  	_ =	shalt  }

</sc_bundles>
